<compile_context>
chip_gen: v7x
topology: tpu7x:2x2x1
jax: 0.10.2.dev20260603
libtpu: 0.0.44.dev20260713+nightly
codegen_flags: <defaults>
</compile_context>

<pallas_src>
import functools

import jax
import jax.numpy as jnp
from jax import lax
from jax.experimental import pallas as pl
from jax.experimental.pallas import tpu as pltpu
from jax.experimental.pallas import tpu_sc as plsc

B = 16384
DU, DI, DC, DN = 64, 64, 16, 13

NC, NS = 2, 16
NW = NC * NS
LCH = 512
SEL = 128
BCAP = 8
BINS_W = 64
SCAN_G = B // 16


def _stream_extract(ids_hbm, tT_hbm, out_hbm, n_lanes_pad, n_rows, n_pairs,
                    ids_v, blk_a, blk_b, rowbuf, pos_ref, bins, counts_v,
                    sem_a, sem_b, wid):
    n_full = n_lanes_pad // LCH
    tail = n_lanes_pad - n_full * LCH

    pltpu.sync_copy(ids_hbm, ids_v)

    zero16 = jnp.zeros((16,), jnp.int32)
    iota16 = lax.iota(jnp.int32, 16)

    for i in range(BINS_W * 16 // 16):
        counts_v[pl.ds(i * 16, 16)] = zero16

    def scan(g, of):
        idv = ids_v[pl.ds(g * 16, 16)]
        own = lax.shift_right_logical(idv, 9)
        m = lax.bitwise_and(own, jnp.int32(NW - 1)) == wid
        kv = lax.shift_right_logical(own - wid, 5)
        packed = lax.bitwise_or(
            lax.bitwise_or(lax.shift_left(kv, 23),
                           lax.shift_left(lax.bitwise_and(idv, jnp.int32(511)),
                                          14)),
            iota16 + g * 16)
        kvc = lax.min(lax.max(kv, jnp.int32(0)), jnp.int32(BINS_W - 1))
        cidx = kvc * 16 + iota16
        cnt = plsc.load_gather(counts_v, [cidx])
        ok = cnt < BCAP
        plsc.store_scatter(bins, [cidx * BCAP + lax.min(cnt, jnp.int32(BCAP - 1))],
                           packed, mask=jnp.logical_and(m, ok))
        plsc.store_scatter(counts_v, [cidx], cnt + 1, mask=m)
        return of + jnp.where(jnp.logical_and(m, jnp.logical_not(ok)),
                              jnp.int32(1), jnp.int32(0))

    oflow = lax.fori_loop(0, SCAN_G, scan, zero16, unroll=8)
    any_oflow = plsc.all_reduce_population_count(oflow > 0)

    def initp(i, _):
        pos_ref[pl.ds(i * 16, 16)] = jnp.full((16,), B, jnp.int32)
        return 0
    lax.fori_loop(0, SEL // 16, initp, 0)

    def flush(wcount):
        pltpu.sync_copy(rowbuf, out_hbm.at[pos_ref])
        lax.fori_loop(0, SEL // 16, initp, 0)
        return wcount

    def extract_one(buf, col, dpos, wcount):
        for k in range(n_rows // 16):
            jv = iota16 + 16 * k
            vals = plsc.load_gather(buf, [jv, col])
            plsc.store_scatter(rowbuf, [wcount, jv], vals)
        plsc.store_scatter(pos_ref, [wcount], dpos, mask=iota16 == 0)
        wcount = wcount + 1

        @pl.when(wcount[0] >= SEL)
        def _():
            flush(wcount)
        return jnp.where(wcount[0] >= SEL, zero16, wcount)

    def bins_window(buf, kidx, wcount):
        cidx = (zero16 + kidx) * 16 + iota16
        cnt16 = lax.min(plsc.load_gather(counts_v, [cidx]), jnp.int32(BCAP))

        def depth_cond(carry):
            e, wcount = carry
            return plsc.all_reduce_population_count(cnt16 > e)[0] > 0

        def depth_body(carry):
            e, wcount = carry
            m0 = jnp.where(cnt16 > e, jnp.int32(1), jnp.int32(0))

            def cond(carry2):
                m, wcount = carry2
                return plsc.all_reduce_population_count(m == 1)[0] > 0

            def step(carry2):
                m, wcount = carry2
                lanev = plsc.all_reduce_ffs(m == 1)
                v = plsc.load_gather(bins, [(kidx * 16 + lanev) * BCAP + e])
                col = lax.bitwise_and(lax.shift_right_logical(v, 14),
                                      jnp.int32(511))
                dpos = lax.bitwise_and(v, jnp.int32(16383))
                wcount = extract_one(buf, col, dpos, wcount)
                m = jnp.where(iota16 == lanev, jnp.int32(0), m)
                return m, wcount

            m1, wcount = lax.while_loop(cond, step, (m0, wcount))
            return e + 1, wcount

        e1, wcount = lax.while_loop(depth_cond, depth_body, (zero16, wcount))
        return wcount

    def extract_window(buf, kidx, wcount):
        return wcount
        return lax.cond(any_oflow[0] > 0,
                        lambda w: sweep_window(buf, kidx, w),
                        lambda w: bins_window(buf, kidx, w), wcount)

    def sweep_window(buf, kidx, wcount):
        def grp(g, wcount):
            idv = ids_v[pl.ds(g * 16, 16)]
            own = lax.shift_right_logical(idv, 9)
            kvv = lax.shift_right_logical(own - wid, 5)
            sel_m = jnp.logical_and(
                lax.bitwise_and(own, jnp.int32(NW - 1)) == wid, kvv == kidx)
            m0 = jnp.where(sel_m, jnp.int32(1), jnp.int32(0))

            def cond(carry):
                m, wcount = carry
                return plsc.all_reduce_population_count(m == 1)[0] > 0

            def step(carry):
                m, wcount = carry
                lanev = plsc.all_reduce_ffs(m == 1)
                idg = plsc.load_gather(ids_v, [lanev + g * 16])
                col = lax.bitwise_and(idg, jnp.int32(511))
                dpos = lanev + g * 16
                wcount = extract_one(buf, col, dpos, wcount)
                m = jnp.where(iota16 == lanev, jnp.int32(0), m)
                return m, wcount

            m1, wcount = lax.while_loop(cond, step, (m0, wcount))
            return wcount

        return lax.fori_loop(0, SCAN_G, grp, wcount)

    def fire(j, buf, sem):
        return
        t = wid + j * NW

        @pl.when(t < n_full)
        def _():
            c0 = pl.multiple_of(t * LCH, 128)
            pltpu.async_copy(tT_hbm.at[:, pl.ds(c0, LCH)],
                             buf.at[pl.ds(0, n_rows), pl.ds(0, LCH)], sem)

    def wait_extract(j, buf, sem, wcount):
        return wcount
        t = wid + j * NW

        @pl.when(t < n_full)
        def _():
            pltpu.make_async_copy(
                tT_hbm.at[:, pl.ds(0, LCH)],
                buf.at[pl.ds(0, n_rows), pl.ds(0, LCH)], sem).wait()
        return lax.cond(t < n_full,
                        lambda w: extract_window(buf, j, w),
                        lambda w: w, wcount)

    fire(0, blk_a, sem_a)

    def pair(p, wcount):
        fire(2 * p + 1, blk_b, sem_b)
        wcount = wait_extract(2 * p, blk_a, sem_a, wcount)
        fire(2 * p + 2, blk_a, sem_a)
        wcount = wait_extract(2 * p + 1, blk_b, sem_b, wcount)
        return wcount

    wcount = lax.fori_loop(0, n_pairs, pair, zero16)

    if tail:
        @pl.when(wid == n_full % NW)
        def _():
            c0 = pl.multiple_of(n_full * LCH, 128)
            pltpu.async_copy(tT_hbm.at[:, pl.ds(c0, tail)],
                             blk_a.at[pl.ds(0, n_rows), pl.ds(0, tail)],
                             sem_a).wait()
        j_tail = lax.shift_right_logical(n_full - wid, 5)
        wcount = lax.cond(wid == n_full % NW,
                          lambda w: extract_window(blk_a, j_tail, w),
                          lambda w: w, wcount)
    return flush(wcount)


def _gather_body(uid, iid, cid, utT, itT, ctT, out_u, out_i, out_c,
                 ids_v, blk_a, blk_b, rowbuf, pos_ref, bins, counts_v,
                 sem_a, sem_b):
    wid = lax.axis_index("s") * NC + lax.axis_index("c")
    _stream_extract(uid, utT, out_u, 1000064, DU, 31,
                    ids_v, blk_a, blk_b, rowbuf, pos_ref, bins, counts_v,
                    sem_a, sem_b, wid)
    _stream_extract(iid, itT, out_i, 100096, DI, 4,
                    ids_v, blk_a, blk_b, rowbuf, pos_ref, bins, counts_v,
                    sem_a, sem_b, wid)
    _stream_extract(cid, ctT, out_c, 1024, DC, 1,
                    ids_v, blk_a, blk_b, rowbuf, pos_ref, bins, counts_v,
                    sem_a, sem_b, wid)


def _sc_gather(uid, iid, cid, utT, itT, ctT):
    mesh = plsc.VectorSubcoreMesh(core_axis_name="c", subcore_axis_name="s")
    f = functools.partial(
        pl.kernel,
        mesh=mesh,
        out_type=[
            jax.ShapeDtypeStruct((B + 8, 128), jnp.float32),
            jax.ShapeDtypeStruct((B + 8, 128), jnp.float32),
            jax.ShapeDtypeStruct((B + 8, 128), jnp.float32),
        ],
        scratch_types=[
            pltpu.VMEM((B,), jnp.int32),
            pltpu.VMEM((64, LCH), jnp.float32),
            pltpu.VMEM((64, LCH), jnp.float32),
            pltpu.VMEM((SEL, 128), jnp.float32),
            pltpu.VMEM((SEL,), jnp.int32),
            pltpu.VMEM((BINS_W * 16 * BCAP,), jnp.int32),
            pltpu.VMEM((BINS_W * 16,), jnp.int32),
            pltpu.SemaphoreType.DMA,
            pltpu.SemaphoreType.DMA,
        ],
        compiler_params=pltpu.CompilerParams(needs_layout_passes=False),
    )(_gather_body)
    return f(uid, iid, cid, utT, itT, ctT)


def _mlp_body(xu, xi, xc, nfT, w1u, w1i, w1c, w1n, b1, g1, be1,
              w2, b2, g2, be2, w3, b3, out):
    dg = lambda a, b: lax.dot_general(a, b, (((1,), (1,)), ((), ())),
                                      preferred_element_type=jnp.float32)
    h = jnp.dot(xu[...][:B, :DU], w1u[...],
                preferred_element_type=jnp.float32)
    h = h + jnp.dot(xi[...][:B, :DI], w1i[...],
                    preferred_element_type=jnp.float32)
    h = h + jnp.dot(xc[...][:B, :DC], w1c[...],
                    preferred_element_type=jnp.float32)
    h = h + jnp.dot(nfT[...].T, w1n[...], preferred_element_type=jnp.float32)
    h = h + b1[...]
    m = jnp.mean(h, axis=0, keepdims=True)
    d = h - m
    v = jnp.mean(d * d, axis=0, keepdims=True)
    h = jnp.maximum(g1[...] * d * lax.rsqrt(v + 1e-5) + be1[...], 0.0)

    h = dg(h, w2[...]) + b2[...]
    m = jnp.mean(h, axis=0, keepdims=True)
    d = h - m
    v = jnp.mean(d * d, axis=0, keepdims=True)
    h = jnp.maximum(g2[...] * d * lax.rsqrt(v + 1e-5) + be2[...], 0.0)

    o = jnp.dot(h, w3[...], preferred_element_type=jnp.float32) + b3[...]
    out[...] = 1.0 / (1.0 + jnp.exp(-o))


def _mlp(xu, xi, xc, nf, W1, b1, g1, be1, W2, b2, g2, be2, W3, b3):
    W1T = W1.T
    args = (
        xu, xi, xc, nf.T,
        W1T[0:DU], W1T[DU:DU + DI], W1T[DU + DI:DU + DI + DC],
        W1T[DU + DI + DC:], b1.reshape(1, -1), g1.reshape(1, -1),
        be1.reshape(1, -1), W2, b2.reshape(1, -1), g2.reshape(1, -1),
        be2.reshape(1, -1), W3.T, b3.reshape(1, 1),
    )
    return pl.pallas_call(
        _mlp_body,
        out_shape=jax.ShapeDtypeStruct((B, 1), jnp.float32),
    )(*args)


def kernel(user_ids, item_ids, category_ids, numerical_features,
           user_table, item_table, cat_table,
           W1, b1, g1, be1, W2, b2, g2, be2, W3, b3):
    xu, xi, xc = _sc_gather(user_ids, item_ids, category_ids,
                            user_table.T, item_table.T, cat_table.T)
    return _mlp(xu, xi, xc, numerical_features,
                W1, b1, g1, be1, W2, b2, g2, be2, W3, b3)

# --- scband reference (transcript-rebuilt; emitter-appended) ---
"""Pipeline reference for scband-recommendation-model-25245817766259 (READ-ONLY COPY).

The authoritative reference and input builder live on the scoring server;
editing this copy changes nothing except your own understanding.
"""

import jax, jax.numpy as jnp
import numpy as np

B = 16384
NUM_USERS = 1000000
NUM_ITEMS = 100000
NUM_CATS = 1000
DU, DI, DC, DN = 64, 64, 16, 13
D_IN = DU + DI + DC + DN  # 157


def setup_inputs(seed: int = 0) -> dict:
    key = jax.random.key(seed)
    ks = jax.random.split(key, 20)
    inp = {}
    inp["user_ids"] = jax.random.randint(ks[0], (B,), 0, NUM_USERS, dtype=jnp.int64 if jax.config.jax_enable_x64 else jnp.int32)
    inp["item_ids"] = jax.random.randint(ks[1], (B,), 0, NUM_ITEMS, dtype=jnp.int64 if jax.config.jax_enable_x64 else jnp.int32)
    inp["category_ids"] = jax.random.randint(ks[2], (B,), 0, NUM_CATS, dtype=jnp.int64 if jax.config.jax_enable_x64 else jnp.int32)
    inp["numerical_features"] = jax.random.normal(ks[3], (B, DN), dtype=jnp.float32)
    # learned parameters
    inp["user_table"] = jax.random.normal(ks[4], (NUM_USERS, DU), dtype=jnp.float32) * 0.02
    inp["item_table"] = jax.random.normal(ks[5], (NUM_ITEMS, DI), dtype=jnp.float32) * 0.02
    inp["cat_table"] = jax.random.normal(ks[6], (NUM_CATS, DC), dtype=jnp.float32) * 0.02
    inp["W1"] = jax.random.normal(ks[7], (128, D_IN), dtype=jnp.float32) * (1.0 / np.sqrt(D_IN))
    inp["b1"] = jnp.zeros((128,), dtype=jnp.float32)
    inp["g1"] = jnp.ones((128,), dtype=jnp.float32)
    inp["be1"] = jnp.zeros((128,), dtype=jnp.float32)
    inp["W2"] = jax.random.normal(ks[8], (64, 128), dtype=jnp.float32) * (1.0 / np.sqrt(128))
    inp["b2"] = jnp.zeros((64,), dtype=jnp.float32)
    inp["g2"] = jnp.ones((64,), dtype=jnp.float32)
    inp["be2"] = jnp.zeros((64,), dtype=jnp.float32)
    inp["W3"] = jax.random.normal(ks[9], (1, 64), dtype=jnp.float32) * (1.0 / np.sqrt(64))
    inp["b3"] = jnp.zeros((1,), dtype=jnp.float32)
    return inp


def _batchnorm(x, g, b, eps=1e-5):
    # training-mode BatchNorm1d: batch statistics (biased variance)
    m = jnp.mean(x, axis=0)
    v = jnp.var(x, axis=0)
    return g * (x - m) / jnp.sqrt(v + eps) + b


def reference(user_ids, item_ids, category_ids, numerical_features,
              user_table, item_table, cat_table,
              W1, b1, g1, be1, W2, b2, g2, be2, W3, b3):
    ue = jnp.take(user_table, user_ids, axis=0)
    ie = jnp.take(item_table, item_ids, axis=0)
    ce = jnp.take(cat_table, category_ids, axis=0)
    x = jnp.concatenate([ue, ie, ce, numerical_features], axis=1)
    h = jax.nn.relu(_batchnorm(x @ W1.T + b1, g1, be1))
    # dropout is identity in this deterministic reference
    h = jax.nn.relu(_batchnorm(h @ W2.T + b2, g2, be2))
    out = jax.nn.sigmoid(h @ W3.T + b3)
    return out

if __name__ == "__main__":
    import jax
    _d = setup_inputs()
    print(jax.jit(kernel)(*tuple(_d.values())))

</pallas_src>

<mosaic_0001>
#map = affine_map<(d0, d1) -> (0)>
#map1 = affine_map<(d0, d1) -> (0, 0)>
module attributes {stable_mosaic.version = 14 : i64} {
  func.func @_gather_body(%arg0: i32, %arg1: i32, %arg2: memref<16384xi32, #tpu.memory_space<hbm>>, %arg3: memref<16384xi32, #tpu.memory_space<hbm>>, %arg4: memref<16384xi32, #tpu.memory_space<hbm>>, %arg5: memref<64x1000000xf32, #tpu.memory_space<hbm>>, %arg6: memref<64x100000xf32, #tpu.memory_space<hbm>>, %arg7: memref<16x1000xf32, #tpu.memory_space<hbm>>, %arg8: memref<16392x128xf32, #tpu.memory_space<hbm>>, %arg9: memref<16392x128xf32, #tpu.memory_space<hbm>>, %arg10: memref<16392x128xf32, #tpu.memory_space<hbm>>, %arg11: memref<16384xi32, #tpu.memory_space<vmem>>, %arg12: memref<64x512xf32, #tpu.memory_space<vmem>>, %arg13: memref<64x512xf32, #tpu.memory_space<vmem>>, %arg14: memref<128x128xf32, #tpu.memory_space<vmem>>, %arg15: memref<128xi32, #tpu.memory_space<vmem>>, %arg16: memref<8192xi32, #tpu.memory_space<vmem>>, %arg17: memref<1024xi32, #tpu.memory_space<vmem>>, %arg18: memref<!tpu.dma_semaphore, #tpu.memory_space<semaphore_mem>>, %arg19: memref<!tpu.dma_semaphore, #tpu.memory_space<semaphore_mem>>) attributes {dimension_semantics = [#tpu.dimension_semantics<core_parallel>, #tpu.dimension_semantics<subcore_parallel>], iteration_bounds = array<i64: 2, 16>, scalar_prefetch = 0 : i64, scratch_operands = 9 : i64, tpu.core_type = #tpu.core_type<sc_vector_subcore>, window_params = [{transform_indices = #map}, {transform_indices = #map}, {transform_indices = #map}, {transform_indices = #map1}, {transform_indices = #map1}, {transform_indices = #map1}, {transform_indices = #map1}, {transform_indices = #map1}, {transform_indices = #map1}]} {
    %mul3A = arith.constant 2 : i32
    %mul3A_0 = arith.muli %arg1, %mul3A : i32
    %add3A = arith.addi %mul3A_0, %arg0 : i32
    "tpu.region"() ({
      %run_scoped3A = tpu.sem_alloc : memref<!tpu.dma_semaphore, #tpu.memory_space<semaphore_mem>>
      tpu.enqueue_dma source(%arg2 : memref<16384xi32, #tpu.memory_space<hbm>>) target(%arg11 : memref<16384xi32, #tpu.memory_space<vmem>>) target_semaphore(%run_scoped3A : memref<!tpu.dma_semaphore, #tpu.memory_space<semaphore_mem>>)
      tpu.wait_dma2 semaphore(%run_scoped3A : memref<!tpu.dma_semaphore, #tpu.memory_space<semaphore_mem>>) src(%arg2 : memref<16384xi32, #tpu.memory_space<hbm>>) dst(%arg11 : memref<16384xi32, #tpu.memory_space<vmem>>)
      tpu.yield
    }) : () -> ()
    %broadcast_in_dim3A = arith.constant 0 : i32
    %broadcast_in_dim3A_1 = vector.broadcast %broadcast_in_dim3A : i32 to vector<16xi32>
    %iota3A = tpu.iota {dimensions = array<i32: 0>} : vector<16xi32>
    %swap3A = arith.constant 0 : index
    %swap3A_2 = tpu.vector_load %arg17[%swap3A] {strides = array<i32>} : memref<1024xi32, #tpu.memory_space<vmem>>, vector<16xi32>,
    tpu.vector_store %arg17[%swap3A], %broadcast_in_dim3A_1 {strides = array<i32>} : memref<1024xi32, #tpu.memory_space<vmem>>, vector<16xi32>,
    %swap3A_3 = arith.constant 16 : index
    %swap3A_4 = tpu.vector_load %arg17[%swap3A_3] {strides = array<i32>} : memref<1024xi32, #tpu.memory_space<vmem>>, vector<16xi32>,
    tpu.vector_store %arg17[%swap3A_3], %broadcast_in_dim3A_1 {strides = array<i32>} : memref<1024xi32, #tpu.memory_space<vmem>>, vector<16xi32>,
    %swap3A_5 = arith.constant 32 : index
    %swap3A_6 = tpu.vector_load %arg17[%swap3A_5] {strides = array<i32>} : memref<1024xi32, #tpu.memory_space<vmem>>, vector<16xi32>,
    tpu.vector_store %arg17[%swap3A_5], %broadcast_in_dim3A_1 {strides = array<i32>} : memref<1024xi32, #tpu.memory_space<vmem>>, vector<16xi32>,
    %swap3A_7 = arith.constant 48 : index
    %swap3A_8 = tpu.vector_load %arg17[%swap3A_7] {strides = array<i32>} : memref<1024xi32, #tpu.memory_space<vmem>>, vector<16xi32>,
    tpu.vector_store %arg17[%swap3A_7], %broadcast_in_dim3A_1 {strides = array<i32>} : memref<1024xi32, #tpu.memory_space<vmem>>, vector<16xi32>,
    %swap3A_9 = arith.constant 64 : index
    %swap3A_10 = tpu.vector_load %arg17[%swap3A_9] {strides = array<i32>} : memref<1024xi32, #tpu.memory_space<vmem>>, vector<16xi32>,
    tpu.vector_store %arg17[%swap3A_9], %broadcast_in_dim3A_1 {strides = array<i32>} : memref<1024xi32, #tpu.memory_space<vmem>>, vector<16xi32>,
    %swap3A_11 = arith.constant 80 : index
    %swap3A_12 = tpu.vector_load %arg17[%swap3A_11] {strides = array<i32>} : memref<1024xi32, #tpu.memory_space<vmem>>, vector<16xi32>,
    tpu.vector_store %arg17[%swap3A_11], %broadcast_in_dim3A_1 {strides = array<i32>} : memref<1024xi32, #tpu.memory_space<vmem>>, vector<16xi32>,
    %swap3A_13 = arith.constant 96 : index
    %swap3A_14 = tpu.vector_load %arg17[%swap3A_13] {strides = array<i32>} : memref<1024xi32, #tpu.memory_space<vmem>>, vector<16xi32>,
    tpu.vector_store %arg17[%swap3A_13], %broadcast_in_dim3A_1 {strides = array<i32>} : memref<1024xi32, #tpu.memory_space<vmem>>, vector<16xi32>,
    %swap3A_15 = arith.constant 112 : index
    %swap3A_16 = tpu.vector_load %arg17[%swap3A_15] {strides = array<i32>} : memref<1024xi32, #tpu.memory_space<vmem>>, vector<16xi32>,
    tpu.vector_store %arg17[%swap3A_15], %broadcast_in_dim3A_1 {strides = array<i32>} : memref<1024xi32, #tpu.memory_space<vmem>>, vector<16xi32>,
    %swap3A_17 = arith.constant 128 : index
    %swap3A_18 = tpu.vector_load %arg17[%swap3A_17] {strides = array<i32>} : memref<1024xi32, #tpu.memory_space<vmem>>, vector<16xi32>,
    tpu.vector_store %arg17[%swap3A_17], %broadcast_in_dim3A_1 {strides = array<i32>} : memref<1024xi32, #tpu.memory_space<vmem>>, vector<16xi32>,
    %swap3A_19 = arith.constant 144 : index
    %swap3A_20 = tpu.vector_load %arg17[%swap3A_19] {strides = array<i32>} : memref<1024xi32, #tpu.memory_space<vmem>>, vector<16xi32>,
    tpu.vector_store %arg17[%swap3A_19], %broadcast_in_dim3A_1 {strides = array<i32>} : memref<1024xi32, #tpu.memory_space<vmem>>, vector<16xi32>,
    %swap3A_21 = arith.constant 160 : index
    %swap3A_22 = tpu.vector_load %arg17[%swap3A_21] {strides = array<i32>} : memref<1024xi32, #tpu.memory_space<vmem>>, vector<16xi32>,
    tpu.vector_store %arg17[%swap3A_21], %broadcast_in_dim3A_1 {strides = array<i32>} : memref<1024xi32, #tpu.memory_space<vmem>>, vector<16xi32>,
    %swap3A_23 = arith.constant 176 : index
    %swap3A_24 = tpu.vector_load %arg17[%swap3A_23] {strides = array<i32>} : memref<1024xi32, #tpu.memory_space<vmem>>, vector<16xi32>,
    tpu.vector_store %arg17[%swap3A_23], %broadcast_in_dim3A_1 {strides = array<i32>} : memref<1024xi32, #tpu.memory_space<vmem>>, vector<16xi32>,
    %swap3A_25 = arith.constant 192 : index
    %swap3A_26 = tpu.vector_load %arg17[%swap3A_25] {strides = array<i32>} : memref<1024xi32, #tpu.memory_space<vmem>>, vector<16xi32>,
    tpu.vector_store %arg17[%swap3A_25], %broadcast_in_dim3A_1 {strides = array<i32>} : memref<1024xi32, #tpu.memory_space<vmem>>, vector<16xi32>,
    %swap3A_27 = arith.constant 208 : index
    %swap3A_28 = tpu.vector_load %arg17[%swap3A_27] {strides = array<i32>} : memref<1024xi32, #tpu.memory_space<vmem>>, vector<16xi32>,
    tpu.vector_store %arg17[%swap3A_27], %broadcast_in_dim3A_1 {strides = array<i32>} : memref<1024xi32, #tpu.memory_space<vmem>>, vector<16xi32>,
    %swap3A_29 = arith.constant 224 : index
    %swap3A_30 = tpu.vector_load %arg17[%swap3A_29] {strides = array<i32>} : memref<1024xi32, #tpu.memory_space<vmem>>, vector<16xi32>,
    tpu.vector_store %arg17[%swap3A_29], %broadcast_in_dim3A_1 {strides = array<i32>} : memref<1024xi32, #tpu.memory_space<vmem>>, vector<16xi32>,
    %swap3A_31 = arith.constant 240 : index
    %swap3A_32 = tpu.vector_load %arg17[%swap3A_31] {strides = array<i32>} : memref<1024xi32, #tpu.memory_space<vmem>>, vector<16xi32>,
    tpu.vector_store %arg17[%swap3A_31], %broadcast_in_dim3A_1 {strides = array<i32>} : memref<1024xi32, #tpu.memory_space<vmem>>, vector<16xi32>,
    %swap3A_33 = arith.constant 256 : index
    %swap3A_34 = tpu.vector_load %arg17[%swap3A_33] {strides = array<i32>} : memref<1024xi32, #tpu.memory_space<vmem>>, vector<16xi32>,
    tpu.vector_store %arg17[%swap3A_33], %broadcast_in_dim3A_1 {strides = array<i32>} : memref<1024xi32, #tpu.memory_space<vmem>>, vector<16xi32>,
    %swap3A_35 = arith.constant 272 : index
    %swap3A_36 = tpu.vector_load %arg17[%swap3A_35] {strides = array<i32>} : memref<1024xi32, #tpu.memory_space<vmem>>, vector<16xi32>,
    tpu.vector_store %arg17[%swap3A_35], %broadcast_in_dim3A_1 {strides = array<i32>} : memref<1024xi32, #tpu.memory_space<vmem>>, vector<16xi32>,
    %swap3A_37 = arith.constant 288 : index
    %swap3A_38 = tpu.vector_load %arg17[%swap3A_37] {strides = array<i32>} : memref<1024xi32, #tpu.memory_space<vmem>>, vector<16xi32>,
    tpu.vector_store %arg17[%swap3A_37], %broadcast_in_dim3A_1 {strides = array<i32>} : memref<1024xi32, #tpu.memory_space<vmem>>, vector<16xi32>,
    %swap3A_39 = arith.constant 304 : index
    %swap3A_40 = tpu.vector_load %arg17[%swap3A_39] {strides = array<i32>} : memref<1024xi32, #tpu.memory_space<vmem>>, vector<16xi32>,
    tpu.vector_store %arg17[%swap3A_39], %broadcast_in_dim3A_1 {strides = array<i32>} : memref<1024xi32, #tpu.memory_space<vmem>>, vector<16xi32>,
    %swap3A_41 = arith.constant 320 : index
    %swap3A_42 = tpu.vector_load %arg17[%swap3A_41] {strides = array<i32>} : memref<1024xi32, #tpu.memory_space<vmem>>, vector<16xi32>,
    tpu.vector_store %arg17[%swap3A_41], %broadcast_in_dim3A_1 {strides = array<i32>} : memref<1024xi32, #tpu.memory_space<vmem>>, vector<16xi32>,
    %swap3A_43 = arith.constant 336 : index
    %swap3A_44 = tpu.vector_load %arg17[%swap3A_43] {strides = array<i32>} : memref<1024xi32, #tpu.memory_space<vmem>>, vector<16xi32>,
    tpu.vector_store %arg17[%swap3A_43], %broadcast_in_dim3A_1 {strides = array<i32>} : memref<1024xi32, #tpu.memory_space<vmem>>, vector<16xi32>,
    %swap3A_45 = arith.constant 352 : index
    %swap3A_46 = tpu.vector_load %arg17[%swap3A_45] {strides = array<i32>} : memref<1024xi32, #tpu.memory_space<vmem>>, vector<16xi32>,
    tpu.vector_store %arg17[%swap3A_45], %broadcast_in_dim3A_1 {strides = array<i32>} : memref<1024xi32, #tpu.memory_space<vmem>>, vector<16xi32>,
    %swap3A_47 = arith.constant 368 : index
    %swap3A_48 = tpu.vector_load %arg17[%swap3A_47] {strides = array<i32>} : memref<1024xi32, #tpu.memory_space<vmem>>, vector<16xi32>,
    tpu.vector_store %arg17[%swap3A_47], %broadcast_in_dim3A_1 {strides = array<i32>} : memref<1024xi32, #tpu.memory_space<vmem>>, vector<16xi32>,
    %swap3A_49 = arith.constant 384 : index
    %swap3A_50 = tpu.vector_load %arg17[%swap3A_49] {strides = array<i32>} : memref<1024xi32, #tpu.memory_space<vmem>>, vector<16xi32>,
    tpu.vector_store %arg17[%swap3A_49], %broadcast_in_dim3A_1 {strides = array<i32>} : memref<1024xi32, #tpu.memory_space<vmem>>, vector<16xi32>,
    %swap3A_51 = arith.constant 400 : index
    %swap3A_52 = tpu.vector_load %arg17[%swap3A_51] {strides = array<i32>} : memref<1024xi32, #tpu.memory_space<vmem>>, vector<16xi32>,
    tpu.vector_store %arg17[%swap3A_51], %broadcast_in_dim3A_1 {strides = array<i32>} : memref<1024xi32, #tpu.memory_space<vmem>>, vector<16xi32>,
    %swap3A_53 = arith.constant 416 : index
    %swap3A_54 = tpu.vector_load %arg17[%swap3A_53] {strides = array<i32>} : memref<1024xi32, #tpu.memory_space<vmem>>, vector<16xi32>,
    tpu.vector_store %arg17[%swap3A_53], %broadcast_in_dim3A_1 {strides = array<i32>} : memref<1024xi32, #tpu.memory_space<vmem>>, vector<16xi32>,
    %swap3A_55 = arith.constant 432 : index
    %swap3A_56 = tpu.vector_load %arg17[%swap3A_55] {strides = array<i32>} : memref<1024xi32, #tpu.memory_space<vmem>>, vector<16xi32>,
    tpu.vector_store %arg17[%swap3A_55], %broadcast_in_dim3A_1 {strides = array<i32>} : memref<1024xi32, #tpu.memory_space<vmem>>, vector<16xi32>,
    %swap3A_57 = arith.constant 448 : index
    %swap3A_58 = tpu.vector_load %arg17[%swap3A_57] {strides = array<i32>} : memref<1024xi32, #tpu.memory_space<vmem>>, vector<16xi32>,
    tpu.vector_store %arg17[%swap3A_57], %broadcast_in_dim3A_1 {strides = array<i32>} : memref<1024xi32, #tpu.memory_space<vmem>>, vector<16xi32>,
    %swap3A_59 = arith.constant 464 : index
    %swap3A_60 = tpu.vector_load %arg17[%swap3A_59] {strides = array<i32>} : memref<1024xi32, #tpu.memory_space<vmem>>, vector<16xi32>,
    tpu.vector_store %arg17[%swap3A_59], %broadcast_in_dim3A_1 {strides = array<i32>} : memref<1024xi32, #tpu.memory_space<vmem>>, vector<16xi32>,
    %swap3A_61 = arith.constant 480 : index
    %swap3A_62 = tpu.vector_load %arg17[%swap3A_61] {strides = array<i32>} : memref<1024xi32, #tpu.memory_space<vmem>>, vector<16xi32>,
    tpu.vector_store %arg17[%swap3A_61], %broadcast_in_dim3A_1 {strides = array<i32>} : memref<1024xi32, #tpu.memory_space<vmem>>, vector<16xi32>,
    %swap3A_63 = arith.constant 496 : index
    %swap3A_64 = tpu.vector_load %arg17[%swap3A_63] {strides = array<i32>} : memref<1024xi32, #tpu.memory_space<vmem>>, vector<16xi32>,
    tpu.vector_store %arg17[%swap3A_63], %broadcast_in_dim3A_1 {strides = array<i32>} : memref<1024xi32, #tpu.memory_space<vmem>>, vector<16xi32>,
    %swap3A_65 = arith.constant 512 : index
    %swap3A_66 = tpu.vector_load %arg17[%swap3A_65] {strides = array<i32>} : memref<1024xi32, #tpu.memory_space<vmem>>, vector<16xi32>,
    tpu.vector_store %arg17[%swap3A_65], %broadcast_in_dim3A_1 {strides = array<i32>} : memref<1024xi32, #tpu.memory_space<vmem>>, vector<16xi32>,
    %swap3A_67 = arith.constant 528 : index
    %swap3A_68 = tpu.vector_load %arg17[%swap3A_67] {strides = array<i32>} : memref<1024xi32, #tpu.memory_space<vmem>>, vector<16xi32>,
    tpu.vector_store %arg17[%swap3A_67], %broadcast_in_dim3A_1 {strides = array<i32>} : memref<1024xi32, #tpu.memory_space<vmem>>, vector<16xi32>,
    %swap3A_69 = arith.constant 544 : index
    %swap3A_70 = tpu.vector_load %arg17[%swap3A_69] {strides = array<i32>} : memref<1024xi32, #tpu.memory_space<vmem>>, vector<16xi32>,
    tpu.vector_store %arg17[%swap3A_69], %broadcast_in_dim3A_1 {strides = array<i32>} : memref<1024xi32, #tpu.memory_space<vmem>>, vector<16xi32>,
    %swap3A_71 = arith.constant 560 : index
    %swap3A_72 = tpu.vector_load %arg17[%swap3A_71] {strides = array<i32>} : memref<1024xi32, #tpu.memory_space<vmem>>, vector<16xi32>,
    tpu.vector_store %arg17[%swap3A_71], %broadcast_in_dim3A_1 {strides = array<i32>} : memref<1024xi32, #tpu.memory_space<vmem>>, vector<16xi32>,
    %swap3A_73 = arith.constant 576 : index
    %swap3A_74 = tpu.vector_load %arg17[%swap3A_73] {strides = array<i32>} : memref<1024xi32, #tpu.memory_space<vmem>>, vector<16xi32>,
    tpu.vector_store %arg17[%swap3A_73], %broadcast_in_dim3A_1 {strides = array<i32>} : memref<1024xi32, #tpu.memory_space<vmem>>, vector<16xi32>,
    %swap3A_75 = arith.constant 592 : index
    %swap3A_76 = tpu.vector_load %arg17[%swap3A_75] {strides = array<i32>} : memref<1024xi32, #tpu.memory_space<vmem>>, vector<16xi32>,
    tpu.vector_store %arg17[%swap3A_75], %broadcast_in_dim3A_1 {strides = array<i32>} : memref<1024xi32, #tpu.memory_space<vmem>>, vector<16xi32>,
    %swap3A_77 = arith.constant 608 : index
    %swap3A_78 = tpu.vector_load %arg17[%swap3A_77] {strides = array<i32>} : memref<1024xi32, #tpu.memory_space<vmem>>, vector<16xi32>,
    tpu.vector_store %arg17[%swap3A_77], %broadcast_in_dim3A_1 {strides = array<i32>} : memref<1024xi32, #tpu.memory_space<vmem>>, vector<16xi32>,
    %swap3A_79 = arith.constant 624 : index
    %swap3A_80 = tpu.vector_load %arg17[%swap3A_79] {strides = array<i32>} : memref<1024xi32, #tpu.memory_space<vmem>>, vector<16xi32>,
    tpu.vector_store %arg17[%swap3A_79], %broadcast_in_dim3A_1 {strides = array<i32>} : memref<1024xi32, #tpu.memory_space<vmem>>, vector<16xi32>,
    %swap3A_81 = arith.constant 640 : index
    %swap3A_82 = tpu.vector_load %arg17[%swap3A_81] {strides = array<i32>} : memref<1024xi32, #tpu.memory_space<vmem>>, vector<16xi32>,
    tpu.vector_store %arg17[%swap3A_81], %broadcast_in_dim3A_1 {strides = array<i32>} : memref<1024xi32, #tpu.memory_space<vmem>>, vector<16xi32>,
    %swap3A_83 = arith.constant 656 : index
    %swap3A_84 = tpu.vector_load %arg17[%swap3A_83] {strides = array<i32>} : memref<1024xi32, #tpu.memory_space<vmem>>, vector<16xi32>,
    tpu.vector_store %arg17[%swap3A_83], %broadcast_in_dim3A_1 {strides = array<i32>} : memref<1024xi32, #tpu.memory_space<vmem>>, vector<16xi32>,
    %swap3A_85 = arith.constant 672 : index
    %swap3A_86 = tpu.vector_load %arg17[%swap3A_85] {strides = array<i32>} : memref<1024xi32, #tpu.memory_space<vmem>>, vector<16xi32>,
    tpu.vector_store %arg17[%swap3A_85], %broadcast_in_dim3A_1 {strides = array<i32>} : memref<1024xi32, #tpu.memory_space<vmem>>, vector<16xi32>,
    %swap3A_87 = arith.constant 688 : index
    %swap3A_88 = tpu.vector_load %arg17[%swap3A_87] {strides = array<i32>} : memref<1024xi32, #tpu.memory_space<vmem>>, vector<16xi32>,
    tpu.vector_store %arg17[%swap3A_87], %broadcast_in_dim3A_1 {strides = array<i32>} : memref<1024xi32, #tpu.memory_space<vmem>>, vector<16xi32>,
    %swap3A_89 = arith.constant 704 : index
    %swap3A_90 = tpu.vector_load %arg17[%swap3A_89] {strides = array<i32>} : memref<1024xi32, #tpu.memory_space<vmem>>, vector<16xi32>,
    tpu.vector_store %arg17[%swap3A_89], %broadcast_in_dim3A_1 {strides = array<i32>} : memref<1024xi32, #tpu.memory_space<vmem>>, vector<16xi32>,
    %swap3A_91 = arith.constant 720 : index
    %swap3A_92 = tpu.vector_load %arg17[%swap3A_91] {strides = array<i32>} : memref<1024xi32, #tpu.memory_space<vmem>>, vector<16xi32>,
    tpu.vector_store %arg17[%swap3A_91], %broadcast_in_dim3A_1 {strides = array<i32>} : memref<1024xi32, #tpu.memory_space<vmem>>, vector<16xi32>,
    %swap3A_93 = arith.constant 736 : index
    %swap3A_94 = tpu.vector_load %arg17[%swap3A_93] {strides = array<i32>} : memref<1024xi32, #tpu.memory_space<vmem>>, vector<16xi32>,
    tpu.vector_store %arg17[%swap3A_93], %broadcast_in_dim3A_1 {strides = array<i32>} : memref<1024xi32, #tpu.memory_space<vmem>>, vector<16xi32>,
    %swap3A_95 = arith.constant 752 : index
    %swap3A_96 = tpu.vector_load %arg17[%swap3A_95] {strides = array<i32>} : memref<1024xi32, #tpu.memory_space<vmem>>, vector<16xi32>,
    tpu.vector_store %arg17[%swap3A_95], %broadcast_in_dim3A_1 {strides = array<i32>} : memref<1024xi32, #tpu.memory_space<vmem>>, vector<16xi32>,
    %swap3A_97 = arith.constant 768 : index
    %swap3A_98 = tpu.vector_load %arg17[%swap3A_97] {strides = array<i32>} : memref<1024xi32, #tpu.memory_space<vmem>>, vector<16xi32>,
    tpu.vector_store %arg17[%swap3A_97], %broadcast_in_dim3A_1 {strides = array<i32>} : memref<1024xi32, #tpu.memory_space<vmem>>, vector<16xi32>,
    %swap3A_99 = arith.constant 784 : index
    %swap3A_100 = tpu.vector_load %arg17[%swap3A_99] {strides = array<i32>} : memref<1024xi32, #tpu.memory_space<vmem>>, vector<16xi32>,
    tpu.vector_store %arg17[%swap3A_99], %broadcast_in_dim3A_1 {strides = array<i32>} : memref<1024xi32, #tpu.memory_space<vmem>>, vector<16xi32>,
    %swap3A_101 = arith.constant 800 : index
    %swap3A_102 = tpu.vector_load %arg17[%swap3A_101] {strides = array<i32>} : memref<1024xi32, #tpu.memory_space<vmem>>, vector<16xi32>,
    tpu.vector_store %arg17[%swap3A_101], %broadcast_in_dim3A_1 {strides = array<i32>} : memref<1024xi32, #tpu.memory_space<vmem>>, vector<16xi32>,
    %swap3A_103 = arith.constant 816 : index
    %swap3A_104 = tpu.vector_load %arg17[%swap3A_103] {strides = array<i32>} : memref<1024xi32, #tpu.memory_space<vmem>>, vector<16xi32>,
    tpu.vector_store %arg17[%swap3A_103], %broadcast_in_dim3A_1 {strides = array<i32>} : memref<1024xi32, #tpu.memory_space<vmem>>, vector<16xi32>,
    %swap3A_105 = arith.constant 832 : index
    %swap3A_106 = tpu.vector_load %arg17[%swap3A_105] {strides = array<i32>} : memref<1024xi32, #tpu.memory_space<vmem>>, vector<16xi32>,
    tpu.vector_store %arg17[%swap3A_105], %broadcast_in_dim3A_1 {strides = array<i32>} : memref<1024xi32, #tpu.memory_space<vmem>>, vector<16xi32>,
    %swap3A_107 = arith.constant 848 : index
    %swap3A_108 = tpu.vector_load %arg17[%swap3A_107] {strides = array<i32>} : memref<1024xi32, #tpu.memory_space<vmem>>, vector<16xi32>,
    tpu.vector_store %arg17[%swap3A_107], %broadcast_in_dim3A_1 {strides = array<i32>} : memref<1024xi32, #tpu.memory_space<vmem>>, vector<16xi32>,
    %swap3A_109 = arith.constant 864 : index
    %swap3A_110 = tpu.vector_load %arg17[%swap3A_109] {strides = array<i32>} : memref<1024xi32, #tpu.memory_space<vmem>>, vector<16xi32>,
    tpu.vector_store %arg17[%swap3A_109], %broadcast_in_dim3A_1 {strides = array<i32>} : memref<1024xi32, #tpu.memory_space<vmem>>, vector<16xi32>,
    %swap3A_111 = arith.constant 880 : index
    %swap3A_112 = tpu.vector_load %arg17[%swap3A_111] {strides = array<i32>} : memref<1024xi32, #tpu.memory_space<vmem>>, vector<16xi32>,
    tpu.vector_store %arg17[%swap3A_111], %broadcast_in_dim3A_1 {strides = array<i32>} : memref<1024xi32, #tpu.memory_space<vmem>>, vector<16xi32>,
    %swap3A_113 = arith.constant 896 : index
    %swap3A_114 = tpu.vector_load %arg17[%swap3A_113] {strides = array<i32>} : memref<1024xi32, #tpu.memory_space<vmem>>, vector<16xi32>,
    tpu.vector_store %arg17[%swap3A_113], %broadcast_in_dim3A_1 {strides = array<i32>} : memref<1024xi32, #tpu.memory_space<vmem>>, vector<16xi32>,
    %swap3A_115 = arith.constant 912 : index
    %swap3A_116 = tpu.vector_load %arg17[%swap3A_115] {strides = array<i32>} : memref<1024xi32, #tpu.memory_space<vmem>>, vector<16xi32>,
    tpu.vector_store %arg17[%swap3A_115], %broadcast_in_dim3A_1 {strides = array<i32>} : memref<1024xi32, #tpu.memory_space<vmem>>, vector<16xi32>,
    %swap3A_117 = arith.constant 928 : index
    %swap3A_118 = tpu.vector_load %arg17[%swap3A_117] {strides = array<i32>} : memref<1024xi32, #tpu.memory_space<vmem>>, vector<16xi32>,
    tpu.vector_store %arg17[%swap3A_117], %broadcast_in_dim3A_1 {strides = array<i32>} : memref<1024xi32, #tpu.memory_space<vmem>>, vector<16xi32>,
    %swap3A_119 = arith.constant 944 : index
    %swap3A_120 = tpu.vector_load %arg17[%swap3A_119] {strides = array<i32>} : memref<1024xi32, #tpu.memory_space<vmem>>, vector<16xi32>,
    tpu.vector_store %arg17[%swap3A_119], %broadcast_in_dim3A_1 {strides = array<i32>} : memref<1024xi32, #tpu.memory_space<vmem>>, vector<16xi32>,
    %swap3A_121 = arith.constant 960 : index
    %swap3A_122 = tpu.vector_load %arg17[%swap3A_121] {strides = array<i32>} : memref<1024xi32, #tpu.memory_space<vmem>>, vector<16xi32>,
    tpu.vector_store %arg17[%swap3A_121], %broadcast_in_dim3A_1 {strides = array<i32>} : memref<1024xi32, #tpu.memory_space<vmem>>, vector<16xi32>,
    %swap3A_123 = arith.constant 976 : index
    %swap3A_124 = tpu.vector_load %arg17[%swap3A_123] {strides = array<i32>} : memref<1024xi32, #tpu.memory_space<vmem>>, vector<16xi32>,
    tpu.vector_store %arg17[%swap3A_123], %broadcast_in_dim3A_1 {strides = array<i32>} : memref<1024xi32, #tpu.memory_space<vmem>>, vector<16xi32>,
    %swap3A_125 = arith.constant 992 : index
    %swap3A_126 = tpu.vector_load %arg17[%swap3A_125] {strides = array<i32>} : memref<1024xi32, #tpu.memory_space<vmem>>, vector<16xi32>,
    tpu.vector_store %arg17[%swap3A_125], %broadcast_in_dim3A_1 {strides = array<i32>} : memref<1024xi32, #tpu.memory_space<vmem>>, vector<16xi32>,
    %swap3A_127 = arith.constant 1008 : index
    %swap3A_128 = tpu.vector_load %arg17[%swap3A_127] {strides = array<i32>} : memref<1024xi32, #tpu.memory_space<vmem>>, vector<16xi32>,
    tpu.vector_store %arg17[%swap3A_127], %broadcast_in_dim3A_1 {strides = array<i32>} : memref<1024xi32, #tpu.memory_space<vmem>>, vector<16xi32>,
    %scan3A = arith.constant 0 : i32
    %scan3A_129 = arith.constant 1024 : i32
    %scan3A_130 = arith.addi %scan3A, %scan3A_129 : i32
    %scan3A_131 = arith.constant 8 : i32
    %scan3A_132 = scf.for %scan3A_509 = %scan3A to %scan3A_130 step %scan3A_131 iter_args(%scan3A_510 = %broadcast_in_dim3A_1) -> (vector<16xi32>)  : i32 {
      %mul3A_511 = arith.constant 16 : i32
      %mul3A_512 = arith.muli %scan3A_509, %mul3A_511 : i32
      %get3A = arith.index_cast %mul3A_512 : i32 to index
      %get3A_513 = tpu.vector_load %arg11[%get3A] {strides = array<i32>} : memref<16384xi32, #tpu.memory_space<vmem>>, vector<16xi32>,
      %shift_right_logical3A_514 = arith.constant 9 : i32
      %shift_right_logical3A_515 = vector.broadcast %shift_right_logical3A_514 : i32 to vector<16xi32>
      %shift_right_logical3A_516 = arith.shrui %get3A_513, %shift_right_logical3A_515 : vector<16xi32>
      %and3A = arith.constant 31 : i32
      %and3A_517 = vector.broadcast %and3A : i32 to vector<16xi32>
      %and3A_518 = arith.andi %shift_right_logical3A_516, %and3A_517 : vector<16xi32>
      %eq3A_519 = vector.broadcast %add3A : i32 to vector<16xi32>
      %eq3A_520 = arith.cmpi eq, %and3A_518, %eq3A_519 : vector<16xi32>
      %sub3A_521 = vector.broadcast %add3A : i32 to vector<16xi32>
      %sub3A_522 = arith.subi %shift_right_logical3A_516, %sub3A_521 : vector<16xi32>
      %shift_right_logical3A_523 = arith.constant 5 : i32
      %shift_right_logical3A_524 = vector.broadcast %shift_right_logical3A_523 : i32 to vector<16xi32>
      %shift_right_logical3A_525 = arith.shrui %sub3A_522, %shift_right_logical3A_524 : vector<16xi32>
      %shift_left3A = arith.constant 23 : i32
      %shift_left3A_526 = vector.broadcast %shift_left3A : i32 to vector<16xi32>
      %shift_left3A_527 = arith.shli %shift_right_logical3A_525, %shift_left3A_526 : vector<16xi32>
      %and3A_528 = arith.constant 511 : i32
      %and3A_529 = vector.broadcast %and3A_528 : i32 to vector<16xi32>
      %and3A_530 = arith.andi %get3A_513, %and3A_529 : vector<16xi32>
      %shift_left3A_531 = arith.constant 14 : i32
      %shift_left3A_532 = vector.broadcast %shift_left3A_531 : i32 to vector<16xi32>
      %shift_left3A_533 = arith.shli %and3A_530, %shift_left3A_532 : vector<16xi32>
      %or3A = arith.ori %shift_left3A_527, %shift_left3A_533 : vector<16xi32>
      %mul3A_534 = arith.constant 16 : i32
      %mul3A_535 = arith.muli %scan3A_509, %mul3A_534 : i32
      %add3A_536 = vector.broadcast %mul3A_535 : i32 to vector<16xi32>
      %add3A_537 = arith.addi %iota3A, %add3A_536 : vector<16xi32>
      %or3A_538 = arith.ori %or3A, %add3A_537 : vector<16xi32>
      %max3A = arith.constant 0 : i32
      %max3A_539 = vector.broadcast %max3A : i32 to vector<16xi32>
      %max3A_540 = arith.maxsi %shift_right_logical3A_525, %max3A_539 : vector<16xi32>
      %min3A = arith.constant 63 : i32
      %min3A_541 = vector.broadcast %min3A : i32 to vector<16xi32>
      %min3A_542 = arith.minsi %max3A_540, %min3A_541 : vector<16xi32>
      %mul3A_543 = arith.constant 16 : i32
      %mul3A_544 = vector.broadcast %mul3A_543 : i32 to vector<16xi32>
      %mul3A_545 = arith.muli %min3A_542, %mul3A_544 : vector<16xi32>
      %add3A_546 = arith.addi %mul3A_545, %iota3A : vector<16xi32>
      %gather3A = tpu.vector_load_idx %arg17[%add3A_546] : memref<1024xi32, #tpu.memory_space<vmem>>[vector<16xi32>], vector<16xi32>,
      %lt3A = arith.constant 8 : i32
      %lt3A_547 = vector.broadcast %lt3A : i32 to vector<16xi32>
      %lt3A_548 = arith.cmpi slt, %gather3A, %lt3A_547 : vector<16xi32>
      %mul3A_549 = arith.constant 8 : i32
      %mul3A_550 = vector.broadcast %mul3A_549 : i32 to vector<16xi32>
      %mul3A_551 = arith.muli %add3A_546, %mul3A_550 : vector<16xi32>
      %min3A_552 = arith.constant 7 : i32
      %min3A_553 = vector.broadcast %min3A_552 : i32 to vector<16xi32>
      %min3A_554 = arith.minsi %gather3A, %min3A_553 : vector<16xi32>
      %add3A_555 = arith.addi %mul3A_551, %min3A_554 : vector<16xi32>
      %and3A_556 = arith.andi %eq3A_520, %lt3A_548 : vector<16xi1>
      tpu.vector_store_idx %arg16[%add3A_555], %or3A_538 masked %and3A_556 : memref<8192xi32, #tpu.memory_space<vmem>>[vector<16xi32>], vector<16xi32>, vector<16xi1>
      %add3A_557 = arith.constant 1 : i32
      %add3A_558 = vector.broadcast %add3A_557 : i32 to vector<16xi32>
      %add3A_559 = arith.addi %gather3A, %add3A_558 : vector<16xi32>
      tpu.vector_store_idx %arg17[%add3A_546], %add3A_559 masked %eq3A_520 : memref<1024xi32, #tpu.memory_space<vmem>>[vector<16xi32>], vector<16xi32>, vector<16xi1>
      %not3A = arith.constant dense<true> : vector<16xi1>
      %not3A_560 = arith.xori %lt3A_548, %not3A : vector<16xi1>
      %and3A_561 = arith.andi %eq3A_520, %not3A_560 : vector<16xi1>
      %jit3A = arith.constant 1 : i32
      %jit3A_562 = arith.constant 0 : i32
      %broadcast_in_dim3A_563 = vector.broadcast %jit3A : i32 to vector<16xi32>
      %broadcast_in_dim3A_564 = vector.broadcast %jit3A_562 : i32 to vector<16xi32>
      %select_n3A = arith.select %and3A_561, %broadcast_in_dim3A_563, %broadcast_in_dim3A_564 : vector<16xi1>, vector<16xi32>
      %add3A_565 = arith.addi %scan3A_510, %select_n3A : vector<16xi32>
      %scan3A_566 = arith.constant 1 : i32
      %scan3A_567 = arith.addi %scan3A_509, %scan3A_566 : i32
      %mul3A_568 = arith.constant 16 : i32
      %mul3A_569 = arith.muli %scan3A_567, %mul3A_568 : i32
      %get3A_570 = arith.index_cast %mul3A_569 : i32 to index
      %get3A_571 = tpu.vector_load %arg11[%get3A_570] {strides = array<i32>} : memref<16384xi32, #tpu.memory_space<vmem>>, vector<16xi32>,
      %shift_right_logical3A_572 = arith.constant 9 : i32
      %shift_right_logical3A_573 = vector.broadcast %shift_right_logical3A_572 : i32 to vector<16xi32>
      %shift_right_logical3A_574 = arith.shrui %get3A_571, %shift_right_logical3A_573 : vector<16xi32>
      %and3A_575 = arith.constant 31 : i32
      %and3A_576 = vector.broadcast %and3A_575 : i32 to vector<16xi32>
      %and3A_577 = arith.andi %shift_right_logical3A_574, %and3A_576 : vector<16xi32>
      %eq3A_578 = vector.broadcast %add3A : i32 to vector<16xi32>
      %eq3A_579 = arith.cmpi eq, %and3A_577, %eq3A_578 : vector<16xi32>
      %sub3A_580 = vector.broadcast %add3A : i32 to vector<16xi32>
      %sub3A_581 = arith.subi %shift_right_logical3A_574, %sub3A_580 : vector<16xi32>
      %shift_right_logical3A_582 = arith.constant 5 : i32
      %shift_right_logical3A_583 = vector.broadcast %shift_right_logical3A_582 : i32 to vector<16xi32>
      %shift_right_logical3A_584 = arith.shrui %sub3A_581, %shift_right_logical3A_583 : vector<16xi32>
      %shift_left3A_585 = arith.constant 23 : i32
      %shift_left3A_586 = vector.broadcast %shift_left3A_585 : i32 to vector<16xi32>
      %shift_left3A_587 = arith.shli %shift_right_logical3A_584, %shift_left3A_586 : vector<16xi32>
      %and3A_588 = arith.constant 511 : i32
      %and3A_589 = vector.broadcast %and3A_588 : i32 to vector<16xi32>
      %and3A_590 = arith.andi %get3A_571, %and3A_589 : vector<16xi32>
      %shift_left3A_591 = arith.constant 14 : i32
      %shift_left3A_592 = vector.broadcast %shift_left3A_591 : i32 to vector<16xi32>
      %shift_left3A_593 = arith.shli %and3A_590, %shift_left3A_592 : vector<16xi32>
      %or3A_594 = arith.ori %shift_left3A_587, %shift_left3A_593 : vector<16xi32>
      %mul3A_595 = arith.constant 16 : i32
      %mul3A_596 = arith.muli %scan3A_567, %mul3A_595 : i32
      %add3A_597 = vector.broadcast %mul3A_596 : i32 to vector<16xi32>
      %add3A_598 = arith.addi %iota3A, %add3A_597 : vector<16xi32>
      %or3A_599 = arith.ori %or3A_594, %add3A_598 : vector<16xi32>
      %max3A_600 = arith.constant 0 : i32
      %max3A_601 = vector.broadcast %max3A_600 : i32 to vector<16xi32>
      %max3A_602 = arith.maxsi %shift_right_logical3A_584, %max3A_601 : vector<16xi32>
      %min3A_603 = arith.constant 63 : i32
      %min3A_604 = vector.broadcast %min3A_603 : i32 to vector<16xi32>
      %min3A_605 = arith.minsi %max3A_602, %min3A_604 : vector<16xi32>
      %mul3A_606 = arith.constant 16 : i32
      %mul3A_607 = vector.broadcast %mul3A_606 : i32 to vector<16xi32>
      %mul3A_608 = arith.muli %min3A_605, %mul3A_607 : vector<16xi32>
      %add3A_609 = arith.addi %mul3A_608, %iota3A : vector<16xi32>
      %gather3A_610 = tpu.vector_load_idx %arg17[%add3A_609] : memref<1024xi32, #tpu.memory_space<vmem>>[vector<16xi32>], vector<16xi32>,
      %lt3A_611 = arith.constant 8 : i32
      %lt3A_612 = vector.broadcast %lt3A_611 : i32 to vector<16xi32>
      %lt3A_613 = arith.cmpi slt, %gather3A_610, %lt3A_612 : vector<16xi32>
      %mul3A_614 = arith.constant 8 : i32
      %mul3A_615 = vector.broadcast %mul3A_614 : i32 to vector<16xi32>
      %mul3A_616 = arith.muli %add3A_609, %mul3A_615 : vector<16xi32>
      %min3A_617 = arith.constant 7 : i32
      %min3A_618 = vector.broadcast %min3A_617 : i32 to vector<16xi32>
      %min3A_619 = arith.minsi %gather3A_610, %min3A_618 : vector<16xi32>
      %add3A_620 = arith.addi %mul3A_616, %min3A_619 : vector<16xi32>
      %and3A_621 = arith.andi %eq3A_579, %lt3A_613 : vector<16xi1>
      tpu.vector_store_idx %arg16[%add3A_620], %or3A_599 masked %and3A_621 : memref<8192xi32, #tpu.memory_space<vmem>>[vector<16xi32>], vector<16xi32>, vector<16xi1>
      %add3A_622 = arith.constant 1 : i32
      %add3A_623 = vector.broadcast %add3A_622 : i32 to vector<16xi32>
      %add3A_624 = arith.addi %gather3A_610, %add3A_623 : vector<16xi32>
      tpu.vector_store_idx %arg17[%add3A_609], %add3A_624 masked %eq3A_579 : memref<1024xi32, #tpu.memory_space<vmem>>[vector<16xi32>], vector<16xi32>, vector<16xi1>
      %not3A_625 = arith.constant dense<true> : vector<16xi1>
      %not3A_626 = arith.xori %lt3A_613, %not3A_625 : vector<16xi1>
      %and3A_627 = arith.andi %eq3A_579, %not3A_626 : vector<16xi1>
      %jit3A_628 = arith.constant 1 : i32
      %jit3A_629 = arith.constant 0 : i32
      %broadcast_in_dim3A_630 = vector.broadcast %jit3A_628 : i32 to vector<16xi32>
      %broadcast_in_dim3A_631 = vector.broadcast %jit3A_629 : i32 to vector<16xi32>
      %select_n3A_632 = arith.select %and3A_627, %broadcast_in_dim3A_630, %broadcast_in_dim3A_631 : vector<16xi1>, vector<16xi32>
      %add3A_633 = arith.addi %add3A_565, %select_n3A_632 : vector<16xi32>
      %scan3A_634 = arith.constant 2 : i32
      %scan3A_635 = arith.addi %scan3A_509, %scan3A_634 : i32
      %mul3A_636 = arith.constant 16 : i32
      %mul3A_637 = arith.muli %scan3A_635, %mul3A_636 : i32
      %get3A_638 = arith.index_cast %mul3A_637 : i32 to index
      %get3A_639 = tpu.vector_load %arg11[%get3A_638] {strides = array<i32>} : memref<16384xi32, #tpu.memory_space<vmem>>, vector<16xi32>,
      %shift_right_logical3A_640 = arith.constant 9 : i32
      %shift_right_logical3A_641 = vector.broadcast %shift_right_logical3A_640 : i32 to vector<16xi32>
      %shift_right_logical3A_642 = arith.shrui %get3A_639, %shift_right_logical3A_641 : vector<16xi32>
      %and3A_643 = arith.constant 31 : i32
      %and3A_644 = vector.broadcast %and3A_643 : i32 to vector<16xi32>
      %and3A_645 = arith.andi %shift_right_logical3A_642, %and3A_644 : vector<16xi32>
      %eq3A_646 = vector.broadcast %add3A : i32 to vector<16xi32>
      %eq3A_647 = arith.cmpi eq, %and3A_645, %eq3A_646 : vector<16xi32>
      %sub3A_648 = vector.broadcast %add3A : i32 to vector<16xi32>
      %sub3A_649 = arith.subi %shift_right_logical3A_642, %sub3A_648 : vector<16xi32>
      %shift_right_logical3A_650 = arith.constant 5 : i32
      %shift_right_logical3A_651 = vector.broadcast %shift_right_logical3A_650 : i32 to vector<16xi32>
      %shift_right_logical3A_652 = arith.shrui %sub3A_649, %shift_right_logical3A_651 : vector<16xi32>
      %shift_left3A_653 = arith.constant 23 : i32
      %shift_left3A_654 = vector.broadcast %shift_left3A_653 : i32 to vector<16xi32>
      %shift_left3A_655 = arith.shli %shift_right_logical3A_652, %shift_left3A_654 : vector<16xi32>
      %and3A_656 = arith.constant 511 : i32
      %and3A_657 = vector.broadcast %and3A_656 : i32 to vector<16xi32>
      %and3A_658 = arith.andi %get3A_639, %and3A_657 : vector<16xi32>
      %shift_left3A_659 = arith.constant 14 : i32
      %shift_left3A_660 = vector.broadcast %shift_left3A_659 : i32 to vector<16xi32>
      %shift_left3A_661 = arith.shli %and3A_658, %shift_left3A_660 : vector<16xi32>
      %or3A_662 = arith.ori %shift_left3A_655, %shift_left3A_661 : vector<16xi32>
      %mul3A_663 = arith.constant 16 : i32
      %mul3A_664 = arith.muli %scan3A_635, %mul3A_663 : i32
      %add3A_665 = vector.broadcast %mul3A_664 : i32 to vector<16xi32>
      %add3A_666 = arith.addi %iota3A, %add3A_665 : vector<16xi32>
      %or3A_667 = arith.ori %or3A_662, %add3A_666 : vector<16xi32>
      %max3A_668 = arith.constant 0 : i32
      %max3A_669 = vector.broadcast %max3A_668 : i32 to vector<16xi32>
      %max3A_670 = arith.maxsi %shift_right_logical3A_652, %max3A_669 : vector<16xi32>
      %min3A_671 = arith.constant 63 : i32
      %min3A_672 = vector.broadcast %min3A_671 : i32 to vector<16xi32>
      %min3A_673 = arith.minsi %max3A_670, %min3A_672 : vector<16xi32>
      %mul3A_674 = arith.constant 16 : i32
      %mul3A_675 = vector.broadcast %mul3A_674 : i32 to vector<16xi32>
      %mul3A_676 = arith.muli %min3A_673, %mul3A_675 : vector<16xi32>
      %add3A_677 = arith.addi %mul3A_676, %iota3A : vector<16xi32>
      %gather3A_678 = tpu.vector_load_idx %arg17[%add3A_677] : memref<1024xi32, #tpu.memory_space<vmem>>[vector<16xi32>], vector<16xi32>,
      %lt3A_679 = arith.constant 8 : i32
      %lt3A_680 = vector.broadcast %lt3A_679 : i32 to vector<16xi32>
      %lt3A_681 = arith.cmpi slt, %gather3A_678, %lt3A_680 : vector<16xi32>
      %mul3A_682 = arith.constant 8 : i32
      %mul3A_683 = vector.broadcast %mul3A_682 : i32 to vector<16xi32>
      %mul3A_684 = arith.muli %add3A_677, %mul3A_683 : vector<16xi32>
      %min3A_685 = arith.constant 7 : i32
      %min3A_686 = vector.broadcast %min3A_685 : i32 to vector<16xi32>
      %min3A_687 = arith.minsi %gather3A_678, %min3A_686 : vector<16xi32>
      %add3A_688 = arith.addi %mul3A_684, %min3A_687 : vector<16xi32>
      %and3A_689 = arith.andi %eq3A_647, %lt3A_681 : vector<16xi1>
      tpu.vector_store_idx %arg16[%add3A_688], %or3A_667 masked %and3A_689 : memref<8192xi32, #tpu.memory_space<vmem>>[vector<16xi32>], vector<16xi32>, vector<16xi1>
      %add3A_690 = arith.constant 1 : i32
      %add3A_691 = vector.broadcast %add3A_690 : i32 to vector<16xi32>
      %add3A_692 = arith.addi %gather3A_678, %add3A_691 : vector<16xi32>
      tpu.vector_store_idx %arg17[%add3A_677], %add3A_692 masked %eq3A_647 : memref<1024xi32, #tpu.memory_space<vmem>>[vector<16xi32>], vector<16xi32>, vector<16xi1>
      %not3A_693 = arith.constant dense<true> : vector<16xi1>
      %not3A_694 = arith.xori %lt3A_681, %not3A_693 : vector<16xi1>
      %and3A_695 = arith.andi %eq3A_647, %not3A_694 : vector<16xi1>
      %jit3A_696 = arith.constant 1 : i32
      %jit3A_697 = arith.constant 0 : i32
      %broadcast_in_dim3A_698 = vector.broadcast %jit3A_696 : i32 to vector<16xi32>
      %broadcast_in_dim3A_699 = vector.broadcast %jit3A_697 : i32 to vector<16xi32>
      %select_n3A_700 = arith.select %and3A_695, %broadcast_in_dim3A_698, %broadcast_in_dim3A_699 : vector<16xi1>, vector<16xi32>
      %add3A_701 = arith.addi %add3A_633, %select_n3A_700 : vector<16xi32>
      %scan3A_702 = arith.constant 3 : i32
      %scan3A_703 = arith.addi %scan3A_509, %scan3A_702 : i32
      %mul3A_704 = arith.constant 16 : i32
      %mul3A_705 = arith.muli %scan3A_703, %mul3A_704 : i32
      %get3A_706 = arith.index_cast %mul3A_705 : i32 to index
      %get3A_707 = tpu.vector_load %arg11[%get3A_706] {strides = array<i32>} : memref<16384xi32, #tpu.memory_space<vmem>>, vector<16xi32>,
      %shift_right_logical3A_708 = arith.constant 9 : i32
      %shift_right_logical3A_709 = vector.broadcast %shift_right_logical3A_708 : i32 to vector<16xi32>
      %shift_right_logical3A_710 = arith.shrui %get3A_707, %shift_right_logical3A_709 : vector<16xi32>
      %and3A_711 = arith.constant 31 : i32
      %and3A_712 = vector.broadcast %and3A_711 : i32 to vector<16xi32>
      %and3A_713 = arith.andi %shift_right_logical3A_710, %and3A_712 : vector<16xi32>
      %eq3A_714 = vector.broadcast %add3A : i32 to vector<16xi32>
      %eq3A_715 = arith.cmpi eq, %and3A_713, %eq3A_714 : vector<16xi32>
      %sub3A_716 = vector.broadcast %add3A : i32 to vector<16xi32>
      %sub3A_717 = arith.subi %shift_right_logical3A_710, %sub3A_716 : vector<16xi32>
      %shift_right_logical3A_718 = arith.constant 5 : i32
      %shift_right_logical3A_719 = vector.broadcast %shift_right_logical3A_718 : i32 to vector<16xi32>
      %shift_right_logical3A_720 = arith.shrui %sub3A_717, %shift_right_logical3A_719 : vector<16xi32>
      %shift_left3A_721 = arith.constant 23 : i32
      %shift_left3A_722 = vector.broadcast %shift_left3A_721 : i32 to vector<16xi32>
      %shift_left3A_723 = arith.shli %shift_right_logical3A_720, %shift_left3A_722 : vector<16xi32>
      %and3A_724 = arith.constant 511 : i32
      %and3A_725 = vector.broadcast %and3A_724 : i32 to vector<16xi32>
      %and3A_726 = arith.andi %get3A_707, %and3A_725 : vector<16xi32>
      %shift_left3A_727 = arith.constant 14 : i32
      %shift_left3A_728 = vector.broadcast %shift_left3A_727 : i32 to vector<16xi32>
      %shift_left3A_729 = arith.shli %and3A_726, %shift_left3A_728 : vector<16xi32>
      %or3A_730 = arith.ori %shift_left3A_723, %shift_left3A_729 : vector<16xi32>
      %mul3A_731 = arith.constant 16 : i32
      %mul3A_732 = arith.muli %scan3A_703, %mul3A_731 : i32
      %add3A_733 = vector.broadcast %mul3A_732 : i32 to vector<16xi32>
      %add3A_734 = arith.addi %iota3A, %add3A_733 : vector<16xi32>
      %or3A_735 = arith.ori %or3A_730, %add3A_734 : vector<16xi32>
      %max3A_736 = arith.constant 0 : i32
      %max3A_737 = vector.broadcast %max3A_736 : i32 to vector<16xi32>
      %max3A_738 = arith.maxsi %shift_right_logical3A_720, %max3A_737 : vector<16xi32>
      %min3A_739 = arith.constant 63 : i32
      %min3A_740 = vector.broadcast %min3A_739 : i32 to vector<16xi32>
      %min3A_741 = arith.minsi %max3A_738, %min3A_740 : vector<16xi32>
      %mul3A_742 = arith.constant 16 : i32
      %mul3A_743 = vector.broadcast %mul3A_742 : i32 to vector<16xi32>
      %mul3A_744 = arith.muli %min3A_741, %mul3A_743 : vector<16xi32>
      %add3A_745 = arith.addi %mul3A_744, %iota3A : vector<16xi32>
      %gather3A_746 = tpu.vector_load_idx %arg17[%add3A_745] : memref<1024xi32, #tpu.memory_space<vmem>>[vector<16xi32>], vector<16xi32>,
      %lt3A_747 = arith.constant 8 : i32
      %lt3A_748 = vector.broadcast %lt3A_747 : i32 to vector<16xi32>
      %lt3A_749 = arith.cmpi slt, %gather3A_746, %lt3A_748 : vector<16xi32>
      %mul3A_750 = arith.constant 8 : i32
      %mul3A_751 = vector.broadcast %mul3A_750 : i32 to vector<16xi32>
      %mul3A_752 = arith.muli %add3A_745, %mul3A_751 : vector<16xi32>
      %min3A_753 = arith.constant 7 : i32
      %min3A_754 = vector.broadcast %min3A_753 : i32 to vector<16xi32>
      %min3A_755 = arith.minsi %gather3A_746, %min3A_754 : vector<16xi32>
      %add3A_756 = arith.addi %mul3A_752, %min3A_755 : vector<16xi32>
      %and3A_757 = arith.andi %eq3A_715, %lt3A_749 : vector<16xi1>
      tpu.vector_store_idx %arg16[%add3A_756], %or3A_735 masked %and3A_757 : memref<8192xi32, #tpu.memory_space<vmem>>[vector<16xi32>], vector<16xi32>, vector<16xi1>
      %add3A_758 = arith.constant 1 : i32
      %add3A_759 = vector.broadcast %add3A_758 : i32 to vector<16xi32>
      %add3A_760 = arith.addi %gather3A_746, %add3A_759 : vector<16xi32>
      tpu.vector_store_idx %arg17[%add3A_745], %add3A_760 masked %eq3A_715 : memref<1024xi32, #tpu.memory_space<vmem>>[vector<16xi32>], vector<16xi32>, vector<16xi1>
      %not3A_761 = arith.constant dense<true> : vector<16xi1>
      %not3A_762 = arith.xori %lt3A_749, %not3A_761 : vector<16xi1>
      %and3A_763 = arith.andi %eq3A_715, %not3A_762 : vector<16xi1>
      %jit3A_764 = arith.constant 1 : i32
      %jit3A_765 = arith.constant 0 : i32
      %broadcast_in_dim3A_766 = vector.broadcast %jit3A_764 : i32 to vector<16xi32>
      %broadcast_in_dim3A_767 = vector.broadcast %jit3A_765 : i32 to vector<16xi32>
      %select_n3A_768 = arith.select %and3A_763, %broadcast_in_dim3A_766, %broadcast_in_dim3A_767 : vector<16xi1>, vector<16xi32>
      %add3A_769 = arith.addi %add3A_701, %select_n3A_768 : vector<16xi32>
      %scan3A_770 = arith.constant 4 : i32
      %scan3A_771 = arith.addi %scan3A_509, %scan3A_770 : i32
      %mul3A_772 = arith.constant 16 : i32
      %mul3A_773 = arith.muli %scan3A_771, %mul3A_772 : i32
      %get3A_774 = arith.index_cast %mul3A_773 : i32 to index
      %get3A_775 = tpu.vector_load %arg11[%get3A_774] {strides = array<i32>} : memref<16384xi32, #tpu.memory_space<vmem>>, vector<16xi32>,
      %shift_right_logical3A_776 = arith.constant 9 : i32
      %shift_right_logical3A_777 = vector.broadcast %shift_right_logical3A_776 : i32 to vector<16xi32>
      %shift_right_logical3A_778 = arith.shrui %get3A_775, %shift_right_logical3A_777 : vector<16xi32>
      %and3A_779 = arith.constant 31 : i32
      %and3A_780 = vector.broadcast %and3A_779 : i32 to vector<16xi32>
      %and3A_781 = arith.andi %shift_right_logical3A_778, %and3A_780 : vector<16xi32>
      %eq3A_782 = vector.broadcast %add3A : i32 to vector<16xi32>
      %eq3A_783 = arith.cmpi eq, %and3A_781, %eq3A_782 : vector<16xi32>
      %sub3A_784 = vector.broadcast %add3A : i32 to vector<16xi32>
      %sub3A_785 = arith.subi %shift_right_logical3A_778, %sub3A_784 : vector<16xi32>
      %shift_right_logical3A_786 = arith.constant 5 : i32
      %shift_right_logical3A_787 = vector.broadcast %shift_right_logical3A_786 : i32 to vector<16xi32>
      %shift_right_logical3A_788 = arith.shrui %sub3A_785, %shift_right_logical3A_787 : vector<16xi32>
      %shift_left3A_789 = arith.constant 23 : i32
      %shift_left3A_790 = vector.broadcast %shift_left3A_789 : i32 to vector<16xi32>
      %shift_left3A_791 = arith.shli %shift_right_logical3A_788, %shift_left3A_790 : vector<16xi32>
      %and3A_792 = arith.constant 511 : i32
      %and3A_793 = vector.broadcast %and3A_792 : i32 to vector<16xi32>
      %and3A_794 = arith.andi %get3A_775, %and3A_793 : vector<16xi32>
      %shift_left3A_795 = arith.constant 14 : i32
      %shift_left3A_796 = vector.broadcast %shift_left3A_795 : i32 to vector<16xi32>
      %shift_left3A_797 = arith.shli %and3A_794, %shift_left3A_796 : vector<16xi32>
      %or3A_798 = arith.ori %shift_left3A_791, %shift_left3A_797 : vector<16xi32>
      %mul3A_799 = arith.constant 16 : i32
      %mul3A_800 = arith.muli %scan3A_771, %mul3A_799 : i32
      %add3A_801 = vector.broadcast %mul3A_800 : i32 to vector<16xi32>
      %add3A_802 = arith.addi %iota3A, %add3A_801 : vector<16xi32>
      %or3A_803 = arith.ori %or3A_798, %add3A_802 : vector<16xi32>
      %max3A_804 = arith.constant 0 : i32
      %max3A_805 = vector.broadcast %max3A_804 : i32 to vector<16xi32>
      %max3A_806 = arith.maxsi %shift_right_logical3A_788, %max3A_805 : vector<16xi32>
      %min3A_807 = arith.constant 63 : i32
      %min3A_808 = vector.broadcast %min3A_807 : i32 to vector<16xi32>
      %min3A_809 = arith.minsi %max3A_806, %min3A_808 : vector<16xi32>
      %mul3A_810 = arith.constant 16 : i32
      %mul3A_811 = vector.broadcast %mul3A_810 : i32 to vector<16xi32>
      %mul3A_812 = arith.muli %min3A_809, %mul3A_811 : vector<16xi32>
      %add3A_813 = arith.addi %mul3A_812, %iota3A : vector<16xi32>
      %gather3A_814 = tpu.vector_load_idx %arg17[%add3A_813] : memref<1024xi32, #tpu.memory_space<vmem>>[vector<16xi32>], vector<16xi32>,
      %lt3A_815 = arith.constant 8 : i32
      %lt3A_816 = vector.broadcast %lt3A_815 : i32 to vector<16xi32>
      %lt3A_817 = arith.cmpi slt, %gather3A_814, %lt3A_816 : vector<16xi32>
      %mul3A_818 = arith.constant 8 : i32
      %mul3A_819 = vector.broadcast %mul3A_818 : i32 to vector<16xi32>
      %mul3A_820 = arith.muli %add3A_813, %mul3A_819 : vector<16xi32>
      %min3A_821 = arith.constant 7 : i32
      %min3A_822 = vector.broadcast %min3A_821 : i32 to vector<16xi32>
      %min3A_823 = arith.minsi %gather3A_814, %min3A_822 : vector<16xi32>
      %add3A_824 = arith.addi %mul3A_820, %min3A_823 : vector<16xi32>
      %and3A_825 = arith.andi %eq3A_783, %lt3A_817 : vector<16xi1>
      tpu.vector_store_idx %arg16[%add3A_824], %or3A_803 masked %and3A_825 : memref<8192xi32, #tpu.memory_space<vmem>>[vector<16xi32>], vector<16xi32>, vector<16xi1>
      %add3A_826 = arith.constant 1 : i32
      %add3A_827 = vector.broadcast %add3A_826 : i32 to vector<16xi32>
      %add3A_828 = arith.addi %gather3A_814, %add3A_827 : vector<16xi32>
      tpu.vector_store_idx %arg17[%add3A_813], %add3A_828 masked %eq3A_783 : memref<1024xi32, #tpu.memory_space<vmem>>[vector<16xi32>], vector<16xi32>, vector<16xi1>
      %not3A_829 = arith.constant dense<true> : vector<16xi1>
      %not3A_830 = arith.xori %lt3A_817, %not3A_829 : vector<16xi1>
      %and3A_831 = arith.andi %eq3A_783, %not3A_830 : vector<16xi1>
      %jit3A_832 = arith.constant 1 : i32
      %jit3A_833 = arith.constant 0 : i32
      %broadcast_in_dim3A_834 = vector.broadcast %jit3A_832 : i32 to vector<16xi32>
      %broadcast_in_dim3A_835 = vector.broadcast %jit3A_833 : i32 to vector<16xi32>
      %select_n3A_836 = arith.select %and3A_831, %broadcast_in_dim3A_834, %broadcast_in_dim3A_835 : vector<16xi1>, vector<16xi32>
      %add3A_837 = arith.addi %add3A_769, %select_n3A_836 : vector<16xi32>
      %scan3A_838 = arith.constant 5 : i32
      %scan3A_839 = arith.addi %scan3A_509, %scan3A_838 : i32
      %mul3A_840 = arith.constant 16 : i32
      %mul3A_841 = arith.muli %scan3A_839, %mul3A_840 : i32
      %get3A_842 = arith.index_cast %mul3A_841 : i32 to index
      %get3A_843 = tpu.vector_load %arg11[%get3A_842] {strides = array<i32>} : memref<16384xi32, #tpu.memory_space<vmem>>, vector<16xi32>,
      %shift_right_logical3A_844 = arith.constant 9 : i32
      %shift_right_logical3A_845 = vector.broadcast %shift_right_logical3A_844 : i32 to vector<16xi32>
      %shift_right_logical3A_846 = arith.shrui %get3A_843, %shift_right_logical3A_845 : vector<16xi32>
      %and3A_847 = arith.constant 31 : i32
      %and3A_848 = vector.broadcast %and3A_847 : i32 to vector<16xi32>
      %and3A_849 = arith.andi %shift_right_logical3A_846, %and3A_848 : vector<16xi32>
      %eq3A_850 = vector.broadcast %add3A : i32 to vector<16xi32>
      %eq3A_851 = arith.cmpi eq, %and3A_849, %eq3A_850 : vector<16xi32>
      %sub3A_852 = vector.broadcast %add3A : i32 to vector<16xi32>
      %sub3A_853 = arith.subi %shift_right_logical3A_846, %sub3A_852 : vector<16xi32>
      %shift_right_logical3A_854 = arith.constant 5 : i32
      %shift_right_logical3A_855 = vector.broadcast %shift_right_logical3A_854 : i32 to vector<16xi32>
      %shift_right_logical3A_856 = arith.shrui %sub3A_853, %shift_right_logical3A_855 : vector<16xi32>
      %shift_left3A_857 = arith.constant 23 : i32
      %shift_left3A_858 = vector.broadcast %shift_left3A_857 : i32 to vector<16xi32>
      %shift_left3A_859 = arith.shli %shift_right_logical3A_856, %shift_left3A_858 : vector<16xi32>
      %and3A_860 = arith.constant 511 : i32
      %and3A_861 = vector.broadcast %and3A_860 : i32 to vector<16xi32>
      %and3A_862 = arith.andi %get3A_843, %and3A_861 : vector<16xi32>
      %shift_left3A_863 = arith.constant 14 : i32
      %shift_left3A_864 = vector.broadcast %shift_left3A_863 : i32 to vector<16xi32>
      %shift_left3A_865 = arith.shli %and3A_862, %shift_left3A_864 : vector<16xi32>
      %or3A_866 = arith.ori %shift_left3A_859, %shift_left3A_865 : vector<16xi32>
      %mul3A_867 = arith.constant 16 : i32
      %mul3A_868 = arith.muli %scan3A_839, %mul3A_867 : i32
      %add3A_869 = vector.broadcast %mul3A_868 : i32 to vector<16xi32>
      %add3A_870 = arith.addi %iota3A, %add3A_869 : vector<16xi32>
      %or3A_871 = arith.ori %or3A_866, %add3A_870 : vector<16xi32>
      %max3A_872 = arith.constant 0 : i32
      %max3A_873 = vector.broadcast %max3A_872 : i32 to vector<16xi32>
      %max3A_874 = arith.maxsi %shift_right_logical3A_856, %max3A_873 : vector<16xi32>
      %min3A_875 = arith.constant 63 : i32
      %min3A_876 = vector.broadcast %min3A_875 : i32 to vector<16xi32>
      %min3A_877 = arith.minsi %max3A_874, %min3A_876 : vector<16xi32>
      %mul3A_878 = arith.constant 16 : i32
      %mul3A_879 = vector.broadcast %mul3A_878 : i32 to vector<16xi32>
      %mul3A_880 = arith.muli %min3A_877, %mul3A_879 : vector<16xi32>
      %add3A_881 = arith.addi %mul3A_880, %iota3A : vector<16xi32>
      %gather3A_882 = tpu.vector_load_idx %arg17[%add3A_881] : memref<1024xi32, #tpu.memory_space<vmem>>[vector<16xi32>], vector<16xi32>,
      %lt3A_883 = arith.constant 8 : i32
      %lt3A_884 = vector.broadcast %lt3A_883 : i32 to vector<16xi32>
      %lt3A_885 = arith.cmpi slt, %gather3A_882, %lt3A_884 : vector<16xi32>
      %mul3A_886 = arith.constant 8 : i32
      %mul3A_887 = vector.broadcast %mul3A_886 : i32 to vector<16xi32>
      %mul3A_888 = arith.muli %add3A_881, %mul3A_887 : vector<16xi32>
      %min3A_889 = arith.constant 7 : i32
      %min3A_890 = vector.broadcast %min3A_889 : i32 to vector<16xi32>
      %min3A_891 = arith.minsi %gather3A_882, %min3A_890 : vector<16xi32>
      %add3A_892 = arith.addi %mul3A_888, %min3A_891 : vector<16xi32>
      %and3A_893 = arith.andi %eq3A_851, %lt3A_885 : vector<16xi1>
      tpu.vector_store_idx %arg16[%add3A_892], %or3A_871 masked %and3A_893 : memref<8192xi32, #tpu.memory_space<vmem>>[vector<16xi32>], vector<16xi32>, vector<16xi1>
      %add3A_894 = arith.constant 1 : i32
      %add3A_895 = vector.broadcast %add3A_894 : i32 to vector<16xi32>
      %add3A_896 = arith.addi %gather3A_882, %add3A_895 : vector<16xi32>
      tpu.vector_store_idx %arg17[%add3A_881], %add3A_896 masked %eq3A_851 : memref<1024xi32, #tpu.memory_space<vmem>>[vector<16xi32>], vector<16xi32>, vector<16xi1>
      %not3A_897 = arith.constant dense<true> : vector<16xi1>
      %not3A_898 = arith.xori %lt3A_885, %not3A_897 : vector<16xi1>
      %and3A_899 = arith.andi %eq3A_851, %not3A_898 : vector<16xi1>
      %jit3A_900 = arith.constant 1 : i32
      %jit3A_901 = arith.constant 0 : i32
      %broadcast_in_dim3A_902 = vector.broadcast %jit3A_900 : i32 to vector<16xi32>
      %broadcast_in_dim3A_903 = vector.broadcast %jit3A_901 : i32 to vector<16xi32>
      %select_n3A_904 = arith.select %and3A_899, %broadcast_in_dim3A_902, %broadcast_in_dim3A_903 : vector<16xi1>, vector<16xi32>
      %add3A_905 = arith.addi %add3A_837, %select_n3A_904 : vector<16xi32>
      %scan3A_906 = arith.constant 6 : i32
      %scan3A_907 = arith.addi %scan3A_509, %scan3A_906 : i32
      %mul3A_908 = arith.constant 16 : i32
      %mul3A_909 = arith.muli %scan3A_907, %mul3A_908 : i32
      %get3A_910 = arith.index_cast %mul3A_909 : i32 to index
      %get3A_911 = tpu.vector_load %arg11[%get3A_910] {strides = array<i32>} : memref<16384xi32, #tpu.memory_space<vmem>>, vector<16xi32>,
      %shift_right_logical3A_912 = arith.constant 9 : i32
      %shift_right_logical3A_913 = vector.broadcast %shift_right_logical3A_912 : i32 to vector<16xi32>
      %shift_right_logical3A_914 = arith.shrui %get3A_911, %shift_right_logical3A_913 : vector<16xi32>
      %and3A_915 = arith.constant 31 : i32
      %and3A_916 = vector.broadcast %and3A_915 : i32 to vector<16xi32>
      %and3A_917 = arith.andi %shift_right_logical3A_914, %and3A_916 : vector<16xi32>
      %eq3A_918 = vector.broadcast %add3A : i32 to vector<16xi32>
      %eq3A_919 = arith.cmpi eq, %and3A_917, %eq3A_918 : vector<16xi32>
      %sub3A_920 = vector.broadcast %add3A : i32 to vector<16xi32>
      %sub3A_921 = arith.subi %shift_right_logical3A_914, %sub3A_920 : vector<16xi32>
      %shift_right_logical3A_922 = arith.constant 5 : i32
      %shift_right_logical3A_923 = vector.broadcast %shift_right_logical3A_922 : i32 to vector<16xi32>
      %shift_right_logical3A_924 = arith.shrui %sub3A_921, %shift_right_logical3A_923 : vector<16xi32>
      %shift_left3A_925 = arith.constant 23 : i32
      %shift_left3A_926 = vector.broadcast %shift_left3A_925 : i32 to vector<16xi32>
      %shift_left3A_927 = arith.shli %shift_right_logical3A_924, %shift_left3A_926 : vector<16xi32>
      %and3A_928 = arith.constant 511 : i32
      %and3A_929 = vector.broadcast %and3A_928 : i32 to vector<16xi32>
      %and3A_930 = arith.andi %get3A_911, %and3A_929 : vector<16xi32>
      %shift_left3A_931 = arith.constant 14 : i32
      %shift_left3A_932 = vector.broadcast %shift_left3A_931 : i32 to vector<16xi32>
      %shift_left3A_933 = arith.shli %and3A_930, %shift_left3A_932 : vector<16xi32>
      %or3A_934 = arith.ori %shift_left3A_927, %shift_left3A_933 : vector<16xi32>
      %mul3A_935 = arith.constant 16 : i32
      %mul3A_936 = arith.muli %scan3A_907, %mul3A_935 : i32
      %add3A_937 = vector.broadcast %mul3A_936 : i32 to vector<16xi32>
      %add3A_938 = arith.addi %iota3A, %add3A_937 : vector<16xi32>
      %or3A_939 = arith.ori %or3A_934, %add3A_938 : vector<16xi32>
      %max3A_940 = arith.constant 0 : i32
      %max3A_941 = vector.broadcast %max3A_940 : i32 to vector<16xi32>
      %max3A_942 = arith.maxsi %shift_right_logical3A_924, %max3A_941 : vector<16xi32>
      %min3A_943 = arith.constant 63 : i32
      %min3A_944 = vector.broadcast %min3A_943 : i32 to vector<16xi32>
      %min3A_945 = arith.minsi %max3A_942, %min3A_944 : vector<16xi32>
      %mul3A_946 = arith.constant 16 : i32
      %mul3A_947 = vector.broadcast %mul3A_946 : i32 to vector<16xi32>
      %mul3A_948 = arith.muli %min3A_945, %mul3A_947 : vector<16xi32>
      %add3A_949 = arith.addi %mul3A_948, %iota3A : vector<16xi32>
      %gather3A_950 = tpu.vector_load_idx %arg17[%add3A_949] : memref<1024xi32, #tpu.memory_space<vmem>>[vector<16xi32>], vector<16xi32>,
      %lt3A_951 = arith.constant 8 : i32
      %lt3A_952 = vector.broadcast %lt3A_951 : i32 to vector<16xi32>
      %lt3A_953 = arith.cmpi slt, %gather3A_950, %lt3A_952 : vector<16xi32>
      %mul3A_954 = arith.constant 8 : i32
      %mul3A_955 = vector.broadcast %mul3A_954 : i32 to vector<16xi32>
      %mul3A_956 = arith.muli %add3A_949, %mul3A_955 : vector<16xi32>
      %min3A_957 = arith.constant 7 : i32
      %min3A_958 = vector.broadcast %min3A_957 : i32 to vector<16xi32>
      %min3A_959 = arith.minsi %gather3A_950, %min3A_958 : vector<16xi32>
      %add3A_960 = arith.addi %mul3A_956, %min3A_959 : vector<16xi32>
      %and3A_961 = arith.andi %eq3A_919, %lt3A_953 : vector<16xi1>
      tpu.vector_store_idx %arg16[%add3A_960], %or3A_939 masked %and3A_961 : memref<8192xi32, #tpu.memory_space<vmem>>[vector<16xi32>], vector<16xi32>, vector<16xi1>
      %add3A_962 = arith.constant 1 : i32
      %add3A_963 = vector.broadcast %add3A_962 : i32 to vector<16xi32>
      %add3A_964 = arith.addi %gather3A_950, %add3A_963 : vector<16xi32>
      tpu.vector_store_idx %arg17[%add3A_949], %add3A_964 masked %eq3A_919 : memref<1024xi32, #tpu.memory_space<vmem>>[vector<16xi32>], vector<16xi32>, vector<16xi1>
      %not3A_965 = arith.constant dense<true> : vector<16xi1>
      %not3A_966 = arith.xori %lt3A_953, %not3A_965 : vector<16xi1>
      %and3A_967 = arith.andi %eq3A_919, %not3A_966 : vector<16xi1>
      %jit3A_968 = arith.constant 1 : i32
      %jit3A_969 = arith.constant 0 : i32
      %broadcast_in_dim3A_970 = vector.broadcast %jit3A_968 : i32 to vector<16xi32>
      %broadcast_in_dim3A_971 = vector.broadcast %jit3A_969 : i32 to vector<16xi32>
      %select_n3A_972 = arith.select %and3A_967, %broadcast_in_dim3A_970, %broadcast_in_dim3A_971 : vector<16xi1>, vector<16xi32>
      %add3A_973 = arith.addi %add3A_905, %select_n3A_972 : vector<16xi32>
      %scan3A_974 = arith.constant 7 : i32
      %scan3A_975 = arith.addi %scan3A_509, %scan3A_974 : i32
      %mul3A_976 = arith.constant 16 : i32
      %mul3A_977 = arith.muli %scan3A_975, %mul3A_976 : i32
      %get3A_978 = arith.index_cast %mul3A_977 : i32 to index
      %get3A_979 = tpu.vector_load %arg11[%get3A_978] {strides = array<i32>} : memref<16384xi32, #tpu.memory_space<vmem>>, vector<16xi32>,
      %shift_right_logical3A_980 = arith.constant 9 : i32
      %shift_right_logical3A_981 = vector.broadcast %shift_right_logical3A_980 : i32 to vector<16xi32>
      %shift_right_logical3A_982 = arith.shrui %get3A_979, %shift_right_logical3A_981 : vector<16xi32>
      %and3A_983 = arith.constant 31 : i32
      %and3A_984 = vector.broadcast %and3A_983 : i32 to vector<16xi32>
      %and3A_985 = arith.andi %shift_right_logical3A_982, %and3A_984 : vector<16xi32>
      %eq3A_986 = vector.broadcast %add3A : i32 to vector<16xi32>
      %eq3A_987 = arith.cmpi eq, %and3A_985, %eq3A_986 : vector<16xi32>
      %sub3A_988 = vector.broadcast %add3A : i32 to vector<16xi32>
      %sub3A_989 = arith.subi %shift_right_logical3A_982, %sub3A_988 : vector<16xi32>
      %shift_right_logical3A_990 = arith.constant 5 : i32
      %shift_right_logical3A_991 = vector.broadcast %shift_right_logical3A_990 : i32 to vector<16xi32>
      %shift_right_logical3A_992 = arith.shrui %sub3A_989, %shift_right_logical3A_991 : vector<16xi32>
      %shift_left3A_993 = arith.constant 23 : i32
      %shift_left3A_994 = vector.broadcast %shift_left3A_993 : i32 to vector<16xi32>
      %shift_left3A_995 = arith.shli %shift_right_logical3A_992, %shift_left3A_994 : vector<16xi32>
      %and3A_996 = arith.constant 511 : i32
      %and3A_997 = vector.broadcast %and3A_996 : i32 to vector<16xi32>
      %and3A_998 = arith.andi %get3A_979, %and3A_997 : vector<16xi32>
      %shift_left3A_999 = arith.constant 14 : i32
      %shift_left3A_1000 = vector.broadcast %shift_left3A_999 : i32 to vector<16xi32>
      %shift_left3A_1001 = arith.shli %and3A_998, %shift_left3A_1000 : vector<16xi32>
      %or3A_1002 = arith.ori %shift_left3A_995, %shift_left3A_1001 : vector<16xi32>
      %mul3A_1003 = arith.constant 16 : i32
      %mul3A_1004 = arith.muli %scan3A_975, %mul3A_1003 : i32
      %add3A_1005 = vector.broadcast %mul3A_1004 : i32 to vector<16xi32>
      %add3A_1006 = arith.addi %iota3A, %add3A_1005 : vector<16xi32>
      %or3A_1007 = arith.ori %or3A_1002, %add3A_1006 : vector<16xi32>
      %max3A_1008 = arith.constant 0 : i32
      %max3A_1009 = vector.broadcast %max3A_1008 : i32 to vector<16xi32>
      %max3A_1010 = arith.maxsi %shift_right_logical3A_992, %max3A_1009 : vector<16xi32>
      %min3A_1011 = arith.constant 63 : i32
      %min3A_1012 = vector.broadcast %min3A_1011 : i32 to vector<16xi32>
      %min3A_1013 = arith.minsi %max3A_1010, %min3A_1012 : vector<16xi32>
      %mul3A_1014 = arith.constant 16 : i32
      %mul3A_1015 = vector.broadcast %mul3A_1014 : i32 to vector<16xi32>
      %mul3A_1016 = arith.muli %min3A_1013, %mul3A_1015 : vector<16xi32>
      %add3A_1017 = arith.addi %mul3A_1016, %iota3A : vector<16xi32>
      %gather3A_1018 = tpu.vector_load_idx %arg17[%add3A_1017] : memref<1024xi32, #tpu.memory_space<vmem>>[vector<16xi32>], vector<16xi32>,
      %lt3A_1019 = arith.constant 8 : i32
      %lt3A_1020 = vector.broadcast %lt3A_1019 : i32 to vector<16xi32>
      %lt3A_1021 = arith.cmpi slt, %gather3A_1018, %lt3A_1020 : vector<16xi32>
      %mul3A_1022 = arith.constant 8 : i32
      %mul3A_1023 = vector.broadcast %mul3A_1022 : i32 to vector<16xi32>
      %mul3A_1024 = arith.muli %add3A_1017, %mul3A_1023 : vector<16xi32>
      %min3A_1025 = arith.constant 7 : i32
      %min3A_1026 = vector.broadcast %min3A_1025 : i32 to vector<16xi32>
      %min3A_1027 = arith.minsi %gather3A_1018, %min3A_1026 : vector<16xi32>
      %add3A_1028 = arith.addi %mul3A_1024, %min3A_1027 : vector<16xi32>
      %and3A_1029 = arith.andi %eq3A_987, %lt3A_1021 : vector<16xi1>
      tpu.vector_store_idx %arg16[%add3A_1028], %or3A_1007 masked %and3A_1029 : memref<8192xi32, #tpu.memory_space<vmem>>[vector<16xi32>], vector<16xi32>, vector<16xi1>
      %add3A_1030 = arith.constant 1 : i32
      %add3A_1031 = vector.broadcast %add3A_1030 : i32 to vector<16xi32>
      %add3A_1032 = arith.addi %gather3A_1018, %add3A_1031 : vector<16xi32>
      tpu.vector_store_idx %arg17[%add3A_1017], %add3A_1032 masked %eq3A_987 : memref<1024xi32, #tpu.memory_space<vmem>>[vector<16xi32>], vector<16xi32>, vector<16xi1>
      %not3A_1033 = arith.constant dense<true> : vector<16xi1>
      %not3A_1034 = arith.xori %lt3A_1021, %not3A_1033 : vector<16xi1>
      %and3A_1035 = arith.andi %eq3A_987, %not3A_1034 : vector<16xi1>
      %jit3A_1036 = arith.constant 1 : i32
      %jit3A_1037 = arith.constant 0 : i32
      %broadcast_in_dim3A_1038 = vector.broadcast %jit3A_1036 : i32 to vector<16xi32>
      %broadcast_in_dim3A_1039 = vector.broadcast %jit3A_1037 : i32 to vector<16xi32>
      %select_n3A_1040 = arith.select %and3A_1035, %broadcast_in_dim3A_1038, %broadcast_in_dim3A_1039 : vector<16xi1>, vector<16xi32>
      %add3A_1041 = arith.addi %add3A_973, %select_n3A_1040 : vector<16xi32>
      scf.yield %add3A_1041 : vector<16xi32>
    }
    %scan3A_133 = arith.constant 1024 : i32
    %gt3A = arith.constant 0 : i32
    %gt3A_134 = vector.broadcast %gt3A : i32 to vector<16xi32>
    %gt3A_135 = arith.cmpi sgt, %scan3A_132, %gt3A_134 : vector<16xi32>
    %all_reduce_population_count3A = tpu.all_reduce %gt3A_135 {dim = 0 : i64, kind = #tpu.reduction_kind<sum>} : vector<16xi1> -> vector<16xi32>
    %scan3A_136 = arith.constant 0 : i32
    %scan3A_137 = arith.constant 0 : i32
    %scan3A_138 = arith.constant 8 : i32
    %scan3A_139 = arith.addi %scan3A_137, %scan3A_138 : i32
    %scan3A_140 = arith.constant 1 : i32
    %scan3A_141 = scf.for %scan3A_509 = %scan3A_137 to %scan3A_139 step %scan3A_140 iter_args(%scan3A_510 = %scan3A_136) -> (i32)  : i32 {
      %broadcast_in_dim3A_511 = arith.constant 16384 : i32
      %broadcast_in_dim3A_512 = vector.broadcast %broadcast_in_dim3A_511 : i32 to vector<16xi32>
      %mul3A_513 = arith.constant 16 : i32
      %mul3A_514 = arith.muli %scan3A_509, %mul3A_513 : i32
      %swap3A_515 = arith.index_cast %mul3A_514 : i32 to index
      %swap3A_516 = tpu.vector_load %arg15[%swap3A_515] {strides = array<i32>} : memref<128xi32, #tpu.memory_space<vmem>>, vector<16xi32>,
      tpu.vector_store %arg15[%swap3A_515], %broadcast_in_dim3A_512 {strides = array<i32>} : memref<128xi32, #tpu.memory_space<vmem>>, vector<16xi32>,
      %scan3A_517 = arith.constant 0 : i32
      scf.yield %scan3A_517 : i32
    }
    %scan3A_142 = arith.constant 8 : i32
    %scan3A_143 = arith.constant 0 : i32
    %scan3A_144 = arith.constant 31 : i32
    %scan3A_145 = arith.addi %scan3A_143, %scan3A_144 : i32
    %scan3A_146 = arith.constant 1 : i32
    scf.for %scan3A_509 = %scan3A_143 to %scan3A_145 step %scan3A_146  : i32 {
      %mul3A_510 = arith.constant 2 : i32
      %mul3A_511 = arith.muli %mul3A_510, %scan3A_509 : i32
      %add3A_512 = arith.constant 1 : i32
      %add3A_513 = arith.addi %mul3A_511, %add3A_512 : i32
      %mul3A_514 = arith.constant 2 : i32
      %mul3A_515 = arith.muli %mul3A_514, %scan3A_509 : i32
      %mul3A_516 = arith.constant 2 : i32
      %mul3A_517 = arith.muli %mul3A_516, %scan3A_509 : i32
      %add3A_518 = arith.constant 2 : i32
      %add3A_519 = arith.addi %mul3A_517, %add3A_518 : i32
      %mul3A_520 = arith.constant 2 : i32
      %mul3A_521 = arith.muli %mul3A_520, %scan3A_509 : i32
      %add3A_522 = arith.constant 1 : i32
      %add3A_523 = arith.addi %mul3A_521, %add3A_522 : i32
    }
    %scan3A_147 = arith.constant 31 : i32
    %eq3A = arith.constant 1 : i32
    %eq3A_148 = arith.cmpi eq, %add3A, %eq3A : i32
    %convert_element_type3A = arith.extui %eq3A_148 : i1 to i32
    %cond3A = arith.constant 0 : i32
    %cond3A_149 = arith.cmpi ne, %convert_element_type3A, %cond3A : i32
    scf.if %cond3A_149 {
      %multiple_of3A = arith.constant 999936 : i32
      %multiple_of3A_509 = tpu.assume_multiple %multiple_of3A, 128 : i32
      %dma_start3A = arith.constant 0 : i32
      %dma_start3A_510 = arith.constant 0 : i32
      %dma_start3A_511 = tpu.memref_slice %arg12[%dma_start3A, %dma_start3A_510] : memref<64x512xf32, #tpu.memory_space<vmem>> -> memref<64x128xf32, #tpu.memory_space<vmem>>
      %dma_start3A_512 = arith.constant 0 : i32
      %dma_start3A_513 = tpu.memref_slice %arg5[%dma_start3A_512, %multiple_of3A_509] : memref<64x1000000xf32, #tpu.memory_space<hbm>> -> memref<64x128xf32, #tpu.memory_space<hbm>>
      %dma_start3A_514 = arith.constant 0 : i32
      %dma_start3A_515 = arith.constant 0 : i32
      %dma_start3A_516 = tpu.memref_slice %arg12[%dma_start3A_514, %dma_start3A_515] : memref<64x512xf32, #tpu.memory_space<vmem>> -> memref<64x128xf32, #tpu.memory_space<vmem>>
      %dma_start3A_517 = arith.constant 0 : i32
      %dma_start3A_518 = tpu.memref_slice %arg5[%dma_start3A_517, %multiple_of3A_509] : memref<64x1000000xf32, #tpu.memory_space<hbm>> -> memref<64x128xf32, #tpu.memory_space<hbm>>
      tpu.enqueue_dma source(%dma_start3A_518 : memref<64x128xf32, #tpu.memory_space<hbm>>) target(%dma_start3A_516 : memref<64x128xf32, #tpu.memory_space<vmem>>) target_semaphore(%arg18 : memref<!tpu.dma_semaphore, #tpu.memory_space<semaphore_mem>>)
      %dma_wait3A = arith.constant 0 : i32
      %dma_wait3A_519 = arith.constant 0 : i32
      %dma_wait3A_520 = tpu.memref_slice %arg12[%dma_wait3A, %dma_wait3A_519] : memref<64x512xf32, #tpu.memory_space<vmem>> -> memref<64x128xf32, #tpu.memory_space<vmem>>
      %dma_wait3A_521 = arith.constant 0 : i32
      %dma_wait3A_522 = tpu.memref_slice %arg5[%dma_wait3A_521, %multiple_of3A_509] : memref<64x1000000xf32, #tpu.memory_space<hbm>> -> memref<64x128xf32, #tpu.memory_space<hbm>>
      %dma_wait3A_523 = arith.constant 0 : i32
      %dma_wait3A_524 = arith.constant 0 : i32
      %dma_wait3A_525 = tpu.memref_slice %arg12[%dma_wait3A_523, %dma_wait3A_524] : memref<64x512xf32, #tpu.memory_space<vmem>> -> memref<64x128xf32, #tpu.memory_space<vmem>>
      %dma_wait3A_526 = arith.constant 0 : i32
      %dma_wait3A_527 = tpu.memref_slice %arg5[%dma_wait3A_526, %multiple_of3A_509] : memref<64x1000000xf32, #tpu.memory_space<hbm>> -> memref<64x128xf32, #tpu.memory_space<hbm>>
      tpu.wait_dma2 semaphore(%arg18 : memref<!tpu.dma_semaphore, #tpu.memory_space<semaphore_mem>>) src(%dma_wait3A_527 : memref<64x128xf32, #tpu.memory_space<hbm>>) dst(%dma_wait3A_525 : memref<64x128xf32, #tpu.memory_space<vmem>>)
    } else {
    }
    %sub3A = arith.constant 1953 : i32
    %sub3A_150 = arith.subi %sub3A, %add3A : i32
    %shift_right_logical3A = arith.constant 5 : i32
    %shift_right_logical3A_151 = arith.shrui %sub3A_150, %shift_right_logical3A : i32
    %eq3A_152 = arith.constant 1 : i32
    %eq3A_153 = arith.cmpi eq, %add3A, %eq3A_152 : i32
    %convert_element_type3A_154 = arith.extui %eq3A_153 : i1 to i32
    %cond3A_155 = arith.constant 0 : i32
    %cond3A_156 = arith.cmpi ne, %convert_element_type3A_154, %cond3A_155 : i32
    scf.if %cond3A_156 {
    } else {
    }
    "tpu.region"() ({
      %run_scoped3A = tpu.sem_alloc : memref<!tpu.dma_semaphore, #tpu.memory_space<semaphore_mem>>
      %dma_start3A = arith.constant 0 : i32
      %dma_start3A_509 = arith.constant 0 : i32
      %dma_start3A_510 = tpu.memref_slice %arg8[%dma_start3A, %dma_start3A_509] : memref<16392x128xf32, #tpu.memory_space<hbm>> -> memref<16392x128xf32, #tpu.memory_space<hbm>>
      tpu.enqueue_indirect_dma source(%arg14 : memref<128x128xf32, #tpu.memory_space<vmem>>) target(%dma_start3A_510 : memref<16392x128xf32, #tpu.memory_space<hbm>>) offsets(%arg15 : memref<128xi32, #tpu.memory_space<vmem>>) semaphore(%run_scoped3A : memref<!tpu.dma_semaphore, #tpu.memory_space<semaphore_mem>>)
      %dma_wait3A = arith.constant 0 : i32
      %dma_wait3A_511 = arith.constant 0 : i32
      %dma_wait3A_512 = tpu.memref_slice %arg8[%dma_wait3A, %dma_wait3A_511] : memref<16392x128xf32, #tpu.memory_space<hbm>> -> memref<16392x128xf32, #tpu.memory_space<hbm>>
      tpu.wait_indirect_dma semaphore(%run_scoped3A : memref<!tpu.dma_semaphore, #tpu.memory_space<semaphore_mem>>) src(%arg14 : memref<128x128xf32, #tpu.memory_space<vmem>>) dst(%dma_wait3A_512 : memref<16392x128xf32, #tpu.memory_space<hbm>>)
      tpu.yield
    }) : () -> ()
    %scan3A_157 = arith.constant 0 : i32
    %scan3A_158 = arith.constant 0 : i32
    %scan3A_159 = arith.constant 8 : i32
    %scan3A_160 = arith.addi %scan3A_158, %scan3A_159 : i32
    %scan3A_161 = arith.constant 1 : i32
    %scan3A_162 = scf.for %scan3A_509 = %scan3A_158 to %scan3A_160 step %scan3A_161 iter_args(%scan3A_510 = %scan3A_157) -> (i32)  : i32 {
      %broadcast_in_dim3A_511 = arith.constant 16384 : i32
      %broadcast_in_dim3A_512 = vector.broadcast %broadcast_in_dim3A_511 : i32 to vector<16xi32>
      %mul3A_513 = arith.constant 16 : i32
      %mul3A_514 = arith.muli %scan3A_509, %mul3A_513 : i32
      %swap3A_515 = arith.index_cast %mul3A_514 : i32 to index
      %swap3A_516 = tpu.vector_load %arg15[%swap3A_515] {strides = array<i32>} : memref<128xi32, #tpu.memory_space<vmem>>, vector<16xi32>,
      tpu.vector_store %arg15[%swap3A_515], %broadcast_in_dim3A_512 {strides = array<i32>} : memref<128xi32, #tpu.memory_space<vmem>>, vector<16xi32>,
      %scan3A_517 = arith.constant 0 : i32
      scf.yield %scan3A_517 : i32
    }
    %scan3A_163 = arith.constant 8 : i32
    "tpu.region"() ({
      %run_scoped3A = tpu.sem_alloc : memref<!tpu.dma_semaphore, #tpu.memory_space<semaphore_mem>>
      tpu.enqueue_dma source(%arg3 : memref<16384xi32, #tpu.memory_space<hbm>>) target(%arg11 : memref<16384xi32, #tpu.memory_space<vmem>>) target_semaphore(%run_scoped3A : memref<!tpu.dma_semaphore, #tpu.memory_space<semaphore_mem>>)
      tpu.wait_dma2 semaphore(%run_scoped3A : memref<!tpu.dma_semaphore, #tpu.memory_space<semaphore_mem>>) src(%arg3 : memref<16384xi32, #tpu.memory_space<hbm>>) dst(%arg11 : memref<16384xi32, #tpu.memory_space<vmem>>)
      tpu.yield
    }) : () -> ()
    %broadcast_in_dim3A_164 = arith.constant 0 : i32
    %broadcast_in_dim3A_165 = vector.broadcast %broadcast_in_dim3A_164 : i32 to vector<16xi32>
    %iota3A_166 = tpu.iota {dimensions = array<i32: 0>} : vector<16xi32>
    %swap3A_167 = arith.constant 0 : index
    %swap3A_168 = tpu.vector_load %arg17[%swap3A_167] {strides = array<i32>} : memref<1024xi32, #tpu.memory_space<vmem>>, vector<16xi32>,
    tpu.vector_store %arg17[%swap3A_167], %broadcast_in_dim3A_165 {strides = array<i32>} : memref<1024xi32, #tpu.memory_space<vmem>>, vector<16xi32>,
    %swap3A_169 = arith.constant 16 : index
    %swap3A_170 = tpu.vector_load %arg17[%swap3A_169] {strides = array<i32>} : memref<1024xi32, #tpu.memory_space<vmem>>, vector<16xi32>,
    tpu.vector_store %arg17[%swap3A_169], %broadcast_in_dim3A_165 {strides = array<i32>} : memref<1024xi32, #tpu.memory_space<vmem>>, vector<16xi32>,
    %swap3A_171 = arith.constant 32 : index
    %swap3A_172 = tpu.vector_load %arg17[%swap3A_171] {strides = array<i32>} : memref<1024xi32, #tpu.memory_space<vmem>>, vector<16xi32>,
    tpu.vector_store %arg17[%swap3A_171], %broadcast_in_dim3A_165 {strides = array<i32>} : memref<1024xi32, #tpu.memory_space<vmem>>, vector<16xi32>,
    %swap3A_173 = arith.constant 48 : index
    %swap3A_174 = tpu.vector_load %arg17[%swap3A_173] {strides = array<i32>} : memref<1024xi32, #tpu.memory_space<vmem>>, vector<16xi32>,
    tpu.vector_store %arg17[%swap3A_173], %broadcast_in_dim3A_165 {strides = array<i32>} : memref<1024xi32, #tpu.memory_space<vmem>>, vector<16xi32>,
    %swap3A_175 = arith.constant 64 : index
    %swap3A_176 = tpu.vector_load %arg17[%swap3A_175] {strides = array<i32>} : memref<1024xi32, #tpu.memory_space<vmem>>, vector<16xi32>,
    tpu.vector_store %arg17[%swap3A_175], %broadcast_in_dim3A_165 {strides = array<i32>} : memref<1024xi32, #tpu.memory_space<vmem>>, vector<16xi32>,
    %swap3A_177 = arith.constant 80 : index
    %swap3A_178 = tpu.vector_load %arg17[%swap3A_177] {strides = array<i32>} : memref<1024xi32, #tpu.memory_space<vmem>>, vector<16xi32>,
    tpu.vector_store %arg17[%swap3A_177], %broadcast_in_dim3A_165 {strides = array<i32>} : memref<1024xi32, #tpu.memory_space<vmem>>, vector<16xi32>,
    %swap3A_179 = arith.constant 96 : index
    %swap3A_180 = tpu.vector_load %arg17[%swap3A_179] {strides = array<i32>} : memref<1024xi32, #tpu.memory_space<vmem>>, vector<16xi32>,
    tpu.vector_store %arg17[%swap3A_179], %broadcast_in_dim3A_165 {strides = array<i32>} : memref<1024xi32, #tpu.memory_space<vmem>>, vector<16xi32>,
    %swap3A_181 = arith.constant 112 : index
    %swap3A_182 = tpu.vector_load %arg17[%swap3A_181] {strides = array<i32>} : memref<1024xi32, #tpu.memory_space<vmem>>, vector<16xi32>,
    tpu.vector_store %arg17[%swap3A_181], %broadcast_in_dim3A_165 {strides = array<i32>} : memref<1024xi32, #tpu.memory_space<vmem>>, vector<16xi32>,
    %swap3A_183 = arith.constant 128 : index
    %swap3A_184 = tpu.vector_load %arg17[%swap3A_183] {strides = array<i32>} : memref<1024xi32, #tpu.memory_space<vmem>>, vector<16xi32>,
    tpu.vector_store %arg17[%swap3A_183], %broadcast_in_dim3A_165 {strides = array<i32>} : memref<1024xi32, #tpu.memory_space<vmem>>, vector<16xi32>,
    %swap3A_185 = arith.constant 144 : index
    %swap3A_186 = tpu.vector_load %arg17[%swap3A_185] {strides = array<i32>} : memref<1024xi32, #tpu.memory_space<vmem>>, vector<16xi32>,
    tpu.vector_store %arg17[%swap3A_185], %broadcast_in_dim3A_165 {strides = array<i32>} : memref<1024xi32, #tpu.memory_space<vmem>>, vector<16xi32>,
    %swap3A_187 = arith.constant 160 : index
    %swap3A_188 = tpu.vector_load %arg17[%swap3A_187] {strides = array<i32>} : memref<1024xi32, #tpu.memory_space<vmem>>, vector<16xi32>,
    tpu.vector_store %arg17[%swap3A_187], %broadcast_in_dim3A_165 {strides = array<i32>} : memref<1024xi32, #tpu.memory_space<vmem>>, vector<16xi32>,
    %swap3A_189 = arith.constant 176 : index
    %swap3A_190 = tpu.vector_load %arg17[%swap3A_189] {strides = array<i32>} : memref<1024xi32, #tpu.memory_space<vmem>>, vector<16xi32>,
    tpu.vector_store %arg17[%swap3A_189], %broadcast_in_dim3A_165 {strides = array<i32>} : memref<1024xi32, #tpu.memory_space<vmem>>, vector<16xi32>,
    %swap3A_191 = arith.constant 192 : index
    %swap3A_192 = tpu.vector_load %arg17[%swap3A_191] {strides = array<i32>} : memref<1024xi32, #tpu.memory_space<vmem>>, vector<16xi32>,
    tpu.vector_store %arg17[%swap3A_191], %broadcast_in_dim3A_165 {strides = array<i32>} : memref<1024xi32, #tpu.memory_space<vmem>>, vector<16xi32>,
    %swap3A_193 = arith.constant 208 : index
    %swap3A_194 = tpu.vector_load %arg17[%swap3A_193] {strides = array<i32>} : memref<1024xi32, #tpu.memory_space<vmem>>, vector<16xi32>,
    tpu.vector_store %arg17[%swap3A_193], %broadcast_in_dim3A_165 {strides = array<i32>} : memref<1024xi32, #tpu.memory_space<vmem>>, vector<16xi32>,
    %swap3A_195 = arith.constant 224 : index
    %swap3A_196 = tpu.vector_load %arg17[%swap3A_195] {strides = array<i32>} : memref<1024xi32, #tpu.memory_space<vmem>>, vector<16xi32>,
    tpu.vector_store %arg17[%swap3A_195], %broadcast_in_dim3A_165 {strides = array<i32>} : memref<1024xi32, #tpu.memory_space<vmem>>, vector<16xi32>,
    %swap3A_197 = arith.constant 240 : index
    %swap3A_198 = tpu.vector_load %arg17[%swap3A_197] {strides = array<i32>} : memref<1024xi32, #tpu.memory_space<vmem>>, vector<16xi32>,
    tpu.vector_store %arg17[%swap3A_197], %broadcast_in_dim3A_165 {strides = array<i32>} : memref<1024xi32, #tpu.memory_space<vmem>>, vector<16xi32>,
    %swap3A_199 = arith.constant 256 : index
    %swap3A_200 = tpu.vector_load %arg17[%swap3A_199] {strides = array<i32>} : memref<1024xi32, #tpu.memory_space<vmem>>, vector<16xi32>,
    tpu.vector_store %arg17[%swap3A_199], %broadcast_in_dim3A_165 {strides = array<i32>} : memref<1024xi32, #tpu.memory_space<vmem>>, vector<16xi32>,
    %swap3A_201 = arith.constant 272 : index
    %swap3A_202 = tpu.vector_load %arg17[%swap3A_201] {strides = array<i32>} : memref<1024xi32, #tpu.memory_space<vmem>>, vector<16xi32>,
    tpu.vector_store %arg17[%swap3A_201], %broadcast_in_dim3A_165 {strides = array<i32>} : memref<1024xi32, #tpu.memory_space<vmem>>, vector<16xi32>,
    %swap3A_203 = arith.constant 288 : index
    %swap3A_204 = tpu.vector_load %arg17[%swap3A_203] {strides = array<i32>} : memref<1024xi32, #tpu.memory_space<vmem>>, vector<16xi32>,
    tpu.vector_store %arg17[%swap3A_203], %broadcast_in_dim3A_165 {strides = array<i32>} : memref<1024xi32, #tpu.memory_space<vmem>>, vector<16xi32>,
    %swap3A_205 = arith.constant 304 : index
    %swap3A_206 = tpu.vector_load %arg17[%swap3A_205] {strides = array<i32>} : memref<1024xi32, #tpu.memory_space<vmem>>, vector<16xi32>,
    tpu.vector_store %arg17[%swap3A_205], %broadcast_in_dim3A_165 {strides = array<i32>} : memref<1024xi32, #tpu.memory_space<vmem>>, vector<16xi32>,
    %swap3A_207 = arith.constant 320 : index
    %swap3A_208 = tpu.vector_load %arg17[%swap3A_207] {strides = array<i32>} : memref<1024xi32, #tpu.memory_space<vmem>>, vector<16xi32>,
    tpu.vector_store %arg17[%swap3A_207], %broadcast_in_dim3A_165 {strides = array<i32>} : memref<1024xi32, #tpu.memory_space<vmem>>, vector<16xi32>,
    %swap3A_209 = arith.constant 336 : index
    %swap3A_210 = tpu.vector_load %arg17[%swap3A_209] {strides = array<i32>} : memref<1024xi32, #tpu.memory_space<vmem>>, vector<16xi32>,
    tpu.vector_store %arg17[%swap3A_209], %broadcast_in_dim3A_165 {strides = array<i32>} : memref<1024xi32, #tpu.memory_space<vmem>>, vector<16xi32>,
    %swap3A_211 = arith.constant 352 : index
    %swap3A_212 = tpu.vector_load %arg17[%swap3A_211] {strides = array<i32>} : memref<1024xi32, #tpu.memory_space<vmem>>, vector<16xi32>,
    tpu.vector_store %arg17[%swap3A_211], %broadcast_in_dim3A_165 {strides = array<i32>} : memref<1024xi32, #tpu.memory_space<vmem>>, vector<16xi32>,
    %swap3A_213 = arith.constant 368 : index
    %swap3A_214 = tpu.vector_load %arg17[%swap3A_213] {strides = array<i32>} : memref<1024xi32, #tpu.memory_space<vmem>>, vector<16xi32>,
    tpu.vector_store %arg17[%swap3A_213], %broadcast_in_dim3A_165 {strides = array<i32>} : memref<1024xi32, #tpu.memory_space<vmem>>, vector<16xi32>,
    %swap3A_215 = arith.constant 384 : index
    %swap3A_216 = tpu.vector_load %arg17[%swap3A_215] {strides = array<i32>} : memref<1024xi32, #tpu.memory_space<vmem>>, vector<16xi32>,
    tpu.vector_store %arg17[%swap3A_215], %broadcast_in_dim3A_165 {strides = array<i32>} : memref<1024xi32, #tpu.memory_space<vmem>>, vector<16xi32>,
    %swap3A_217 = arith.constant 400 : index
    %swap3A_218 = tpu.vector_load %arg17[%swap3A_217] {strides = array<i32>} : memref<1024xi32, #tpu.memory_space<vmem>>, vector<16xi32>,
    tpu.vector_store %arg17[%swap3A_217], %broadcast_in_dim3A_165 {strides = array<i32>} : memref<1024xi32, #tpu.memory_space<vmem>>, vector<16xi32>,
    %swap3A_219 = arith.constant 416 : index
    %swap3A_220 = tpu.vector_load %arg17[%swap3A_219] {strides = array<i32>} : memref<1024xi32, #tpu.memory_space<vmem>>, vector<16xi32>,
    tpu.vector_store %arg17[%swap3A_219], %broadcast_in_dim3A_165 {strides = array<i32>} : memref<1024xi32, #tpu.memory_space<vmem>>, vector<16xi32>,
    %swap3A_221 = arith.constant 432 : index
    %swap3A_222 = tpu.vector_load %arg17[%swap3A_221] {strides = array<i32>} : memref<1024xi32, #tpu.memory_space<vmem>>, vector<16xi32>,
    tpu.vector_store %arg17[%swap3A_221], %broadcast_in_dim3A_165 {strides = array<i32>} : memref<1024xi32, #tpu.memory_space<vmem>>, vector<16xi32>,
    %swap3A_223 = arith.constant 448 : index
    %swap3A_224 = tpu.vector_load %arg17[%swap3A_223] {strides = array<i32>} : memref<1024xi32, #tpu.memory_space<vmem>>, vector<16xi32>,
    tpu.vector_store %arg17[%swap3A_223], %broadcast_in_dim3A_165 {strides = array<i32>} : memref<1024xi32, #tpu.memory_space<vmem>>, vector<16xi32>,
    %swap3A_225 = arith.constant 464 : index
    %swap3A_226 = tpu.vector_load %arg17[%swap3A_225] {strides = array<i32>} : memref<1024xi32, #tpu.memory_space<vmem>>, vector<16xi32>,
    tpu.vector_store %arg17[%swap3A_225], %broadcast_in_dim3A_165 {strides = array<i32>} : memref<1024xi32, #tpu.memory_space<vmem>>, vector<16xi32>,
    %swap3A_227 = arith.constant 480 : index
    %swap3A_228 = tpu.vector_load %arg17[%swap3A_227] {strides = array<i32>} : memref<1024xi32, #tpu.memory_space<vmem>>, vector<16xi32>,
    tpu.vector_store %arg17[%swap3A_227], %broadcast_in_dim3A_165 {strides = array<i32>} : memref<1024xi32, #tpu.memory_space<vmem>>, vector<16xi32>,
    %swap3A_229 = arith.constant 496 : index
    %swap3A_230 = tpu.vector_load %arg17[%swap3A_229] {strides = array<i32>} : memref<1024xi32, #tpu.memory_space<vmem>>, vector<16xi32>,
    tpu.vector_store %arg17[%swap3A_229], %broadcast_in_dim3A_165 {strides = array<i32>} : memref<1024xi32, #tpu.memory_space<vmem>>, vector<16xi32>,
    %swap3A_231 = arith.constant 512 : index
    %swap3A_232 = tpu.vector_load %arg17[%swap3A_231] {strides = array<i32>} : memref<1024xi32, #tpu.memory_space<vmem>>, vector<16xi32>,
    tpu.vector_store %arg17[%swap3A_231], %broadcast_in_dim3A_165 {strides = array<i32>} : memref<1024xi32, #tpu.memory_space<vmem>>, vector<16xi32>,
    %swap3A_233 = arith.constant 528 : index
    %swap3A_234 = tpu.vector_load %arg17[%swap3A_233] {strides = array<i32>} : memref<1024xi32, #tpu.memory_space<vmem>>, vector<16xi32>,
    tpu.vector_store %arg17[%swap3A_233], %broadcast_in_dim3A_165 {strides = array<i32>} : memref<1024xi32, #tpu.memory_space<vmem>>, vector<16xi32>,
    %swap3A_235 = arith.constant 544 : index
    %swap3A_236 = tpu.vector_load %arg17[%swap3A_235] {strides = array<i32>} : memref<1024xi32, #tpu.memory_space<vmem>>, vector<16xi32>,
    tpu.vector_store %arg17[%swap3A_235], %broadcast_in_dim3A_165 {strides = array<i32>} : memref<1024xi32, #tpu.memory_space<vmem>>, vector<16xi32>,
    %swap3A_237 = arith.constant 560 : index
    %swap3A_238 = tpu.vector_load %arg17[%swap3A_237] {strides = array<i32>} : memref<1024xi32, #tpu.memory_space<vmem>>, vector<16xi32>,
    tpu.vector_store %arg17[%swap3A_237], %broadcast_in_dim3A_165 {strides = array<i32>} : memref<1024xi32, #tpu.memory_space<vmem>>, vector<16xi32>,
    %swap3A_239 = arith.constant 576 : index
    %swap3A_240 = tpu.vector_load %arg17[%swap3A_239] {strides = array<i32>} : memref<1024xi32, #tpu.memory_space<vmem>>, vector<16xi32>,
    tpu.vector_store %arg17[%swap3A_239], %broadcast_in_dim3A_165 {strides = array<i32>} : memref<1024xi32, #tpu.memory_space<vmem>>, vector<16xi32>,
    %swap3A_241 = arith.constant 592 : index
    %swap3A_242 = tpu.vector_load %arg17[%swap3A_241] {strides = array<i32>} : memref<1024xi32, #tpu.memory_space<vmem>>, vector<16xi32>,
    tpu.vector_store %arg17[%swap3A_241], %broadcast_in_dim3A_165 {strides = array<i32>} : memref<1024xi32, #tpu.memory_space<vmem>>, vector<16xi32>,
    %swap3A_243 = arith.constant 608 : index
    %swap3A_244 = tpu.vector_load %arg17[%swap3A_243] {strides = array<i32>} : memref<1024xi32, #tpu.memory_space<vmem>>, vector<16xi32>,
    tpu.vector_store %arg17[%swap3A_243], %broadcast_in_dim3A_165 {strides = array<i32>} : memref<1024xi32, #tpu.memory_space<vmem>>, vector<16xi32>,
    %swap3A_245 = arith.constant 624 : index
    %swap3A_246 = tpu.vector_load %arg17[%swap3A_245] {strides = array<i32>} : memref<1024xi32, #tpu.memory_space<vmem>>, vector<16xi32>,
    tpu.vector_store %arg17[%swap3A_245], %broadcast_in_dim3A_165 {strides = array<i32>} : memref<1024xi32, #tpu.memory_space<vmem>>, vector<16xi32>,
    %swap3A_247 = arith.constant 640 : index
    %swap3A_248 = tpu.vector_load %arg17[%swap3A_247] {strides = array<i32>} : memref<1024xi32, #tpu.memory_space<vmem>>, vector<16xi32>,
    tpu.vector_store %arg17[%swap3A_247], %broadcast_in_dim3A_165 {strides = array<i32>} : memref<1024xi32, #tpu.memory_space<vmem>>, vector<16xi32>,
    %swap3A_249 = arith.constant 656 : index
    %swap3A_250 = tpu.vector_load %arg17[%swap3A_249] {strides = array<i32>} : memref<1024xi32, #tpu.memory_space<vmem>>, vector<16xi32>,
    tpu.vector_store %arg17[%swap3A_249], %broadcast_in_dim3A_165 {strides = array<i32>} : memref<1024xi32, #tpu.memory_space<vmem>>, vector<16xi32>,
    %swap3A_251 = arith.constant 672 : index
    %swap3A_252 = tpu.vector_load %arg17[%swap3A_251] {strides = array<i32>} : memref<1024xi32, #tpu.memory_space<vmem>>, vector<16xi32>,
    tpu.vector_store %arg17[%swap3A_251], %broadcast_in_dim3A_165 {strides = array<i32>} : memref<1024xi32, #tpu.memory_space<vmem>>, vector<16xi32>,
    %swap3A_253 = arith.constant 688 : index
    %swap3A_254 = tpu.vector_load %arg17[%swap3A_253] {strides = array<i32>} : memref<1024xi32, #tpu.memory_space<vmem>>, vector<16xi32>,
    tpu.vector_store %arg17[%swap3A_253], %broadcast_in_dim3A_165 {strides = array<i32>} : memref<1024xi32, #tpu.memory_space<vmem>>, vector<16xi32>,
    %swap3A_255 = arith.constant 704 : index
    %swap3A_256 = tpu.vector_load %arg17[%swap3A_255] {strides = array<i32>} : memref<1024xi32, #tpu.memory_space<vmem>>, vector<16xi32>,
    tpu.vector_store %arg17[%swap3A_255], %broadcast_in_dim3A_165 {strides = array<i32>} : memref<1024xi32, #tpu.memory_space<vmem>>, vector<16xi32>,
    %swap3A_257 = arith.constant 720 : index
    %swap3A_258 = tpu.vector_load %arg17[%swap3A_257] {strides = array<i32>} : memref<1024xi32, #tpu.memory_space<vmem>>, vector<16xi32>,
    tpu.vector_store %arg17[%swap3A_257], %broadcast_in_dim3A_165 {strides = array<i32>} : memref<1024xi32, #tpu.memory_space<vmem>>, vector<16xi32>,
    %swap3A_259 = arith.constant 736 : index
    %swap3A_260 = tpu.vector_load %arg17[%swap3A_259] {strides = array<i32>} : memref<1024xi32, #tpu.memory_space<vmem>>, vector<16xi32>,
    tpu.vector_store %arg17[%swap3A_259], %broadcast_in_dim3A_165 {strides = array<i32>} : memref<1024xi32, #tpu.memory_space<vmem>>, vector<16xi32>,
    %swap3A_261 = arith.constant 752 : index
    %swap3A_262 = tpu.vector_load %arg17[%swap3A_261] {strides = array<i32>} : memref<1024xi32, #tpu.memory_space<vmem>>, vector<16xi32>,
    tpu.vector_store %arg17[%swap3A_261], %broadcast_in_dim3A_165 {strides = array<i32>} : memref<1024xi32, #tpu.memory_space<vmem>>, vector<16xi32>,
    %swap3A_263 = arith.constant 768 : index
    %swap3A_264 = tpu.vector_load %arg17[%swap3A_263] {strides = array<i32>} : memref<1024xi32, #tpu.memory_space<vmem>>, vector<16xi32>,
    tpu.vector_store %arg17[%swap3A_263], %broadcast_in_dim3A_165 {strides = array<i32>} : memref<1024xi32, #tpu.memory_space<vmem>>, vector<16xi32>,
    %swap3A_265 = arith.constant 784 : index
    %swap3A_266 = tpu.vector_load %arg17[%swap3A_265] {strides = array<i32>} : memref<1024xi32, #tpu.memory_space<vmem>>, vector<16xi32>,
    tpu.vector_store %arg17[%swap3A_265], %broadcast_in_dim3A_165 {strides = array<i32>} : memref<1024xi32, #tpu.memory_space<vmem>>, vector<16xi32>,
    %swap3A_267 = arith.constant 800 : index
    %swap3A_268 = tpu.vector_load %arg17[%swap3A_267] {strides = array<i32>} : memref<1024xi32, #tpu.memory_space<vmem>>, vector<16xi32>,
    tpu.vector_store %arg17[%swap3A_267], %broadcast_in_dim3A_165 {strides = array<i32>} : memref<1024xi32, #tpu.memory_space<vmem>>, vector<16xi32>,
    %swap3A_269 = arith.constant 816 : index
    %swap3A_270 = tpu.vector_load %arg17[%swap3A_269] {strides = array<i32>} : memref<1024xi32, #tpu.memory_space<vmem>>, vector<16xi32>,
    tpu.vector_store %arg17[%swap3A_269], %broadcast_in_dim3A_165 {strides = array<i32>} : memref<1024xi32, #tpu.memory_space<vmem>>, vector<16xi32>,
    %swap3A_271 = arith.constant 832 : index
    %swap3A_272 = tpu.vector_load %arg17[%swap3A_271] {strides = array<i32>} : memref<1024xi32, #tpu.memory_space<vmem>>, vector<16xi32>,
    tpu.vector_store %arg17[%swap3A_271], %broadcast_in_dim3A_165 {strides = array<i32>} : memref<1024xi32, #tpu.memory_space<vmem>>, vector<16xi32>,
    %swap3A_273 = arith.constant 848 : index
    %swap3A_274 = tpu.vector_load %arg17[%swap3A_273] {strides = array<i32>} : memref<1024xi32, #tpu.memory_space<vmem>>, vector<16xi32>,
    tpu.vector_store %arg17[%swap3A_273], %broadcast_in_dim3A_165 {strides = array<i32>} : memref<1024xi32, #tpu.memory_space<vmem>>, vector<16xi32>,
    %swap3A_275 = arith.constant 864 : index
    %swap3A_276 = tpu.vector_load %arg17[%swap3A_275] {strides = array<i32>} : memref<1024xi32, #tpu.memory_space<vmem>>, vector<16xi32>,
    tpu.vector_store %arg17[%swap3A_275], %broadcast_in_dim3A_165 {strides = array<i32>} : memref<1024xi32, #tpu.memory_space<vmem>>, vector<16xi32>,
    %swap3A_277 = arith.constant 880 : index
    %swap3A_278 = tpu.vector_load %arg17[%swap3A_277] {strides = array<i32>} : memref<1024xi32, #tpu.memory_space<vmem>>, vector<16xi32>,
    tpu.vector_store %arg17[%swap3A_277], %broadcast_in_dim3A_165 {strides = array<i32>} : memref<1024xi32, #tpu.memory_space<vmem>>, vector<16xi32>,
    %swap3A_279 = arith.constant 896 : index
    %swap3A_280 = tpu.vector_load %arg17[%swap3A_279] {strides = array<i32>} : memref<1024xi32, #tpu.memory_space<vmem>>, vector<16xi32>,
    tpu.vector_store %arg17[%swap3A_279], %broadcast_in_dim3A_165 {strides = array<i32>} : memref<1024xi32, #tpu.memory_space<vmem>>, vector<16xi32>,
    %swap3A_281 = arith.constant 912 : index
    %swap3A_282 = tpu.vector_load %arg17[%swap3A_281] {strides = array<i32>} : memref<1024xi32, #tpu.memory_space<vmem>>, vector<16xi32>,
    tpu.vector_store %arg17[%swap3A_281], %broadcast_in_dim3A_165 {strides = array<i32>} : memref<1024xi32, #tpu.memory_space<vmem>>, vector<16xi32>,
    %swap3A_283 = arith.constant 928 : index
    %swap3A_284 = tpu.vector_load %arg17[%swap3A_283] {strides = array<i32>} : memref<1024xi32, #tpu.memory_space<vmem>>, vector<16xi32>,
    tpu.vector_store %arg17[%swap3A_283], %broadcast_in_dim3A_165 {strides = array<i32>} : memref<1024xi32, #tpu.memory_space<vmem>>, vector<16xi32>,
    %swap3A_285 = arith.constant 944 : index
    %swap3A_286 = tpu.vector_load %arg17[%swap3A_285] {strides = array<i32>} : memref<1024xi32, #tpu.memory_space<vmem>>, vector<16xi32>,
    tpu.vector_store %arg17[%swap3A_285], %broadcast_in_dim3A_165 {strides = array<i32>} : memref<1024xi32, #tpu.memory_space<vmem>>, vector<16xi32>,
    %swap3A_287 = arith.constant 960 : index
    %swap3A_288 = tpu.vector_load %arg17[%swap3A_287] {strides = array<i32>} : memref<1024xi32, #tpu.memory_space<vmem>>, vector<16xi32>,
    tpu.vector_store %arg17[%swap3A_287], %broadcast_in_dim3A_165 {strides = array<i32>} : memref<1024xi32, #tpu.memory_space<vmem>>, vector<16xi32>,
    %swap3A_289 = arith.constant 976 : index
    %swap3A_290 = tpu.vector_load %arg17[%swap3A_289] {strides = array<i32>} : memref<1024xi32, #tpu.memory_space<vmem>>, vector<16xi32>,
    tpu.vector_store %arg17[%swap3A_289], %broadcast_in_dim3A_165 {strides = array<i32>} : memref<1024xi32, #tpu.memory_space<vmem>>, vector<16xi32>,
    %swap3A_291 = arith.constant 992 : index
    %swap3A_292 = tpu.vector_load %arg17[%swap3A_291] {strides = array<i32>} : memref<1024xi32, #tpu.memory_space<vmem>>, vector<16xi32>,
    tpu.vector_store %arg17[%swap3A_291], %broadcast_in_dim3A_165 {strides = array<i32>} : memref<1024xi32, #tpu.memory_space<vmem>>, vector<16xi32>,
    %swap3A_293 = arith.constant 1008 : index
    %swap3A_294 = tpu.vector_load %arg17[%swap3A_293] {strides = array<i32>} : memref<1024xi32, #tpu.memory_space<vmem>>, vector<16xi32>,
    tpu.vector_store %arg17[%swap3A_293], %broadcast_in_dim3A_165 {strides = array<i32>} : memref<1024xi32, #tpu.memory_space<vmem>>, vector<16xi32>,
    %scan3A_295 = arith.constant 0 : i32
    %scan3A_296 = arith.constant 1024 : i32
    %scan3A_297 = arith.addi %scan3A_295, %scan3A_296 : i32
    %scan3A_298 = arith.constant 8 : i32
    %scan3A_299 = scf.for %scan3A_509 = %scan3A_295 to %scan3A_297 step %scan3A_298 iter_args(%scan3A_510 = %broadcast_in_dim3A_165) -> (vector<16xi32>)  : i32 {
      %mul3A_511 = arith.constant 16 : i32
      %mul3A_512 = arith.muli %scan3A_509, %mul3A_511 : i32
      %get3A = arith.index_cast %mul3A_512 : i32 to index
      %get3A_513 = tpu.vector_load %arg11[%get3A] {strides = array<i32>} : memref<16384xi32, #tpu.memory_space<vmem>>, vector<16xi32>,
      %shift_right_logical3A_514 = arith.constant 9 : i32
      %shift_right_logical3A_515 = vector.broadcast %shift_right_logical3A_514 : i32 to vector<16xi32>
      %shift_right_logical3A_516 = arith.shrui %get3A_513, %shift_right_logical3A_515 : vector<16xi32>
      %and3A = arith.constant 31 : i32
      %and3A_517 = vector.broadcast %and3A : i32 to vector<16xi32>
      %and3A_518 = arith.andi %shift_right_logical3A_516, %and3A_517 : vector<16xi32>
      %eq3A_519 = vector.broadcast %add3A : i32 to vector<16xi32>
      %eq3A_520 = arith.cmpi eq, %and3A_518, %eq3A_519 : vector<16xi32>
      %sub3A_521 = vector.broadcast %add3A : i32 to vector<16xi32>
      %sub3A_522 = arith.subi %shift_right_logical3A_516, %sub3A_521 : vector<16xi32>
      %shift_right_logical3A_523 = arith.constant 5 : i32
      %shift_right_logical3A_524 = vector.broadcast %shift_right_logical3A_523 : i32 to vector<16xi32>
      %shift_right_logical3A_525 = arith.shrui %sub3A_522, %shift_right_logical3A_524 : vector<16xi32>
      %shift_left3A = arith.constant 23 : i32
      %shift_left3A_526 = vector.broadcast %shift_left3A : i32 to vector<16xi32>
      %shift_left3A_527 = arith.shli %shift_right_logical3A_525, %shift_left3A_526 : vector<16xi32>
      %and3A_528 = arith.constant 511 : i32
      %and3A_529 = vector.broadcast %and3A_528 : i32 to vector<16xi32>
      %and3A_530 = arith.andi %get3A_513, %and3A_529 : vector<16xi32>
      %shift_left3A_531 = arith.constant 14 : i32
      %shift_left3A_532 = vector.broadcast %shift_left3A_531 : i32 to vector<16xi32>
      %shift_left3A_533 = arith.shli %and3A_530, %shift_left3A_532 : vector<16xi32>
      %or3A = arith.ori %shift_left3A_527, %shift_left3A_533 : vector<16xi32>
      %mul3A_534 = arith.constant 16 : i32
      %mul3A_535 = arith.muli %scan3A_509, %mul3A_534 : i32
      %add3A_536 = vector.broadcast %mul3A_535 : i32 to vector<16xi32>
      %add3A_537 = arith.addi %iota3A_166, %add3A_536 : vector<16xi32>
      %or3A_538 = arith.ori %or3A, %add3A_537 : vector<16xi32>
      %max3A = arith.constant 0 : i32
      %max3A_539 = vector.broadcast %max3A : i32 to vector<16xi32>
      %max3A_540 = arith.maxsi %shift_right_logical3A_525, %max3A_539 : vector<16xi32>
      %min3A = arith.constant 63 : i32
      %min3A_541 = vector.broadcast %min3A : i32 to vector<16xi32>
      %min3A_542 = arith.minsi %max3A_540, %min3A_541 : vector<16xi32>
      %mul3A_543 = arith.constant 16 : i32
      %mul3A_544 = vector.broadcast %mul3A_543 : i32 to vector<16xi32>
      %mul3A_545 = arith.muli %min3A_542, %mul3A_544 : vector<16xi32>
      %add3A_546 = arith.addi %mul3A_545, %iota3A_166 : vector<16xi32>
      %gather3A = tpu.vector_load_idx %arg17[%add3A_546] : memref<1024xi32, #tpu.memory_space<vmem>>[vector<16xi32>], vector<16xi32>,
      %lt3A = arith.constant 8 : i32
      %lt3A_547 = vector.broadcast %lt3A : i32 to vector<16xi32>
      %lt3A_548 = arith.cmpi slt, %gather3A, %lt3A_547 : vector<16xi32>
      %mul3A_549 = arith.constant 8 : i32
      %mul3A_550 = vector.broadcast %mul3A_549 : i32 to vector<16xi32>
      %mul3A_551 = arith.muli %add3A_546, %mul3A_550 : vector<16xi32>
      %min3A_552 = arith.constant 7 : i32
      %min3A_553 = vector.broadcast %min3A_552 : i32 to vector<16xi32>
      %min3A_554 = arith.minsi %gather3A, %min3A_553 : vector<16xi32>
      %add3A_555 = arith.addi %mul3A_551, %min3A_554 : vector<16xi32>
      %and3A_556 = arith.andi %eq3A_520, %lt3A_548 : vector<16xi1>
      tpu.vector_store_idx %arg16[%add3A_555], %or3A_538 masked %and3A_556 : memref<8192xi32, #tpu.memory_space<vmem>>[vector<16xi32>], vector<16xi32>, vector<16xi1>
      %add3A_557 = arith.constant 1 : i32
      %add3A_558 = vector.broadcast %add3A_557 : i32 to vector<16xi32>
      %add3A_559 = arith.addi %gather3A, %add3A_558 : vector<16xi32>
      tpu.vector_store_idx %arg17[%add3A_546], %add3A_559 masked %eq3A_520 : memref<1024xi32, #tpu.memory_space<vmem>>[vector<16xi32>], vector<16xi32>, vector<16xi1>
      %not3A = arith.constant dense<true> : vector<16xi1>
      %not3A_560 = arith.xori %lt3A_548, %not3A : vector<16xi1>
      %and3A_561 = arith.andi %eq3A_520, %not3A_560 : vector<16xi1>
      %jit3A = arith.constant 1 : i32
      %jit3A_562 = arith.constant 0 : i32
      %broadcast_in_dim3A_563 = vector.broadcast %jit3A : i32 to vector<16xi32>
      %broadcast_in_dim3A_564 = vector.broadcast %jit3A_562 : i32 to vector<16xi32>
      %select_n3A = arith.select %and3A_561, %broadcast_in_dim3A_563, %broadcast_in_dim3A_564 : vector<16xi1>, vector<16xi32>
      %add3A_565 = arith.addi %scan3A_510, %select_n3A : vector<16xi32>
      %scan3A_566 = arith.constant 1 : i32
      %scan3A_567 = arith.addi %scan3A_509, %scan3A_566 : i32
      %mul3A_568 = arith.constant 16 : i32
      %mul3A_569 = arith.muli %scan3A_567, %mul3A_568 : i32
      %get3A_570 = arith.index_cast %mul3A_569 : i32 to index
      %get3A_571 = tpu.vector_load %arg11[%get3A_570] {strides = array<i32>} : memref<16384xi32, #tpu.memory_space<vmem>>, vector<16xi32>,
      %shift_right_logical3A_572 = arith.constant 9 : i32
      %shift_right_logical3A_573 = vector.broadcast %shift_right_logical3A_572 : i32 to vector<16xi32>
      %shift_right_logical3A_574 = arith.shrui %get3A_571, %shift_right_logical3A_573 : vector<16xi32>
      %and3A_575 = arith.constant 31 : i32
      %and3A_576 = vector.broadcast %and3A_575 : i32 to vector<16xi32>
      %and3A_577 = arith.andi %shift_right_logical3A_574, %and3A_576 : vector<16xi32>
      %eq3A_578 = vector.broadcast %add3A : i32 to vector<16xi32>
      %eq3A_579 = arith.cmpi eq, %and3A_577, %eq3A_578 : vector<16xi32>
      %sub3A_580 = vector.broadcast %add3A : i32 to vector<16xi32>
      %sub3A_581 = arith.subi %shift_right_logical3A_574, %sub3A_580 : vector<16xi32>
      %shift_right_logical3A_582 = arith.constant 5 : i32
      %shift_right_logical3A_583 = vector.broadcast %shift_right_logical3A_582 : i32 to vector<16xi32>
      %shift_right_logical3A_584 = arith.shrui %sub3A_581, %shift_right_logical3A_583 : vector<16xi32>
      %shift_left3A_585 = arith.constant 23 : i32
      %shift_left3A_586 = vector.broadcast %shift_left3A_585 : i32 to vector<16xi32>
      %shift_left3A_587 = arith.shli %shift_right_logical3A_584, %shift_left3A_586 : vector<16xi32>
      %and3A_588 = arith.constant 511 : i32
      %and3A_589 = vector.broadcast %and3A_588 : i32 to vector<16xi32>
      %and3A_590 = arith.andi %get3A_571, %and3A_589 : vector<16xi32>
      %shift_left3A_591 = arith.constant 14 : i32
      %shift_left3A_592 = vector.broadcast %shift_left3A_591 : i32 to vector<16xi32>
      %shift_left3A_593 = arith.shli %and3A_590, %shift_left3A_592 : vector<16xi32>
      %or3A_594 = arith.ori %shift_left3A_587, %shift_left3A_593 : vector<16xi32>
      %mul3A_595 = arith.constant 16 : i32
      %mul3A_596 = arith.muli %scan3A_567, %mul3A_595 : i32
      %add3A_597 = vector.broadcast %mul3A_596 : i32 to vector<16xi32>
      %add3A_598 = arith.addi %iota3A_166, %add3A_597 : vector<16xi32>
      %or3A_599 = arith.ori %or3A_594, %add3A_598 : vector<16xi32>
      %max3A_600 = arith.constant 0 : i32
      %max3A_601 = vector.broadcast %max3A_600 : i32 to vector<16xi32>
      %max3A_602 = arith.maxsi %shift_right_logical3A_584, %max3A_601 : vector<16xi32>
      %min3A_603 = arith.constant 63 : i32
      %min3A_604 = vector.broadcast %min3A_603 : i32 to vector<16xi32>
      %min3A_605 = arith.minsi %max3A_602, %min3A_604 : vector<16xi32>
      %mul3A_606 = arith.constant 16 : i32
      %mul3A_607 = vector.broadcast %mul3A_606 : i32 to vector<16xi32>
      %mul3A_608 = arith.muli %min3A_605, %mul3A_607 : vector<16xi32>
      %add3A_609 = arith.addi %mul3A_608, %iota3A_166 : vector<16xi32>
      %gather3A_610 = tpu.vector_load_idx %arg17[%add3A_609] : memref<1024xi32, #tpu.memory_space<vmem>>[vector<16xi32>], vector<16xi32>,
      %lt3A_611 = arith.constant 8 : i32
      %lt3A_612 = vector.broadcast %lt3A_611 : i32 to vector<16xi32>
      %lt3A_613 = arith.cmpi slt, %gather3A_610, %lt3A_612 : vector<16xi32>
      %mul3A_614 = arith.constant 8 : i32
      %mul3A_615 = vector.broadcast %mul3A_614 : i32 to vector<16xi32>
      %mul3A_616 = arith.muli %add3A_609, %mul3A_615 : vector<16xi32>
      %min3A_617 = arith.constant 7 : i32
      %min3A_618 = vector.broadcast %min3A_617 : i32 to vector<16xi32>
      %min3A_619 = arith.minsi %gather3A_610, %min3A_618 : vector<16xi32>
      %add3A_620 = arith.addi %mul3A_616, %min3A_619 : vector<16xi32>
      %and3A_621 = arith.andi %eq3A_579, %lt3A_613 : vector<16xi1>
      tpu.vector_store_idx %arg16[%add3A_620], %or3A_599 masked %and3A_621 : memref<8192xi32, #tpu.memory_space<vmem>>[vector<16xi32>], vector<16xi32>, vector<16xi1>
      %add3A_622 = arith.constant 1 : i32
      %add3A_623 = vector.broadcast %add3A_622 : i32 to vector<16xi32>
      %add3A_624 = arith.addi %gather3A_610, %add3A_623 : vector<16xi32>
      tpu.vector_store_idx %arg17[%add3A_609], %add3A_624 masked %eq3A_579 : memref<1024xi32, #tpu.memory_space<vmem>>[vector<16xi32>], vector<16xi32>, vector<16xi1>
      %not3A_625 = arith.constant dense<true> : vector<16xi1>
      %not3A_626 = arith.xori %lt3A_613, %not3A_625 : vector<16xi1>
      %and3A_627 = arith.andi %eq3A_579, %not3A_626 : vector<16xi1>
      %jit3A_628 = arith.constant 1 : i32
      %jit3A_629 = arith.constant 0 : i32
      %broadcast_in_dim3A_630 = vector.broadcast %jit3A_628 : i32 to vector<16xi32>
      %broadcast_in_dim3A_631 = vector.broadcast %jit3A_629 : i32 to vector<16xi32>
      %select_n3A_632 = arith.select %and3A_627, %broadcast_in_dim3A_630, %broadcast_in_dim3A_631 : vector<16xi1>, vector<16xi32>
      %add3A_633 = arith.addi %add3A_565, %select_n3A_632 : vector<16xi32>
      %scan3A_634 = arith.constant 2 : i32
      %scan3A_635 = arith.addi %scan3A_509, %scan3A_634 : i32
      %mul3A_636 = arith.constant 16 : i32
      %mul3A_637 = arith.muli %scan3A_635, %mul3A_636 : i32
      %get3A_638 = arith.index_cast %mul3A_637 : i32 to index
      %get3A_639 = tpu.vector_load %arg11[%get3A_638] {strides = array<i32>} : memref<16384xi32, #tpu.memory_space<vmem>>, vector<16xi32>,
      %shift_right_logical3A_640 = arith.constant 9 : i32
      %shift_right_logical3A_641 = vector.broadcast %shift_right_logical3A_640 : i32 to vector<16xi32>
      %shift_right_logical3A_642 = arith.shrui %get3A_639, %shift_right_logical3A_641 : vector<16xi32>
      %and3A_643 = arith.constant 31 : i32
      %and3A_644 = vector.broadcast %and3A_643 : i32 to vector<16xi32>
      %and3A_645 = arith.andi %shift_right_logical3A_642, %and3A_644 : vector<16xi32>
      %eq3A_646 = vector.broadcast %add3A : i32 to vector<16xi32>
      %eq3A_647 = arith.cmpi eq, %and3A_645, %eq3A_646 : vector<16xi32>
      %sub3A_648 = vector.broadcast %add3A : i32 to vector<16xi32>
      %sub3A_649 = arith.subi %shift_right_logical3A_642, %sub3A_648 : vector<16xi32>
      %shift_right_logical3A_650 = arith.constant 5 : i32
      %shift_right_logical3A_651 = vector.broadcast %shift_right_logical3A_650 : i32 to vector<16xi32>
      %shift_right_logical3A_652 = arith.shrui %sub3A_649, %shift_right_logical3A_651 : vector<16xi32>
      %shift_left3A_653 = arith.constant 23 : i32
      %shift_left3A_654 = vector.broadcast %shift_left3A_653 : i32 to vector<16xi32>
      %shift_left3A_655 = arith.shli %shift_right_logical3A_652, %shift_left3A_654 : vector<16xi32>
      %and3A_656 = arith.constant 511 : i32
      %and3A_657 = vector.broadcast %and3A_656 : i32 to vector<16xi32>
      %and3A_658 = arith.andi %get3A_639, %and3A_657 : vector<16xi32>
      %shift_left3A_659 = arith.constant 14 : i32
      %shift_left3A_660 = vector.broadcast %shift_left3A_659 : i32 to vector<16xi32>
      %shift_left3A_661 = arith.shli %and3A_658, %shift_left3A_660 : vector<16xi32>
      %or3A_662 = arith.ori %shift_left3A_655, %shift_left3A_661 : vector<16xi32>
      %mul3A_663 = arith.constant 16 : i32
      %mul3A_664 = arith.muli %scan3A_635, %mul3A_663 : i32
      %add3A_665 = vector.broadcast %mul3A_664 : i32 to vector<16xi32>
      %add3A_666 = arith.addi %iota3A_166, %add3A_665 : vector<16xi32>
      %or3A_667 = arith.ori %or3A_662, %add3A_666 : vector<16xi32>
      %max3A_668 = arith.constant 0 : i32
      %max3A_669 = vector.broadcast %max3A_668 : i32 to vector<16xi32>
      %max3A_670 = arith.maxsi %shift_right_logical3A_652, %max3A_669 : vector<16xi32>
      %min3A_671 = arith.constant 63 : i32
      %min3A_672 = vector.broadcast %min3A_671 : i32 to vector<16xi32>
      %min3A_673 = arith.minsi %max3A_670, %min3A_672 : vector<16xi32>
      %mul3A_674 = arith.constant 16 : i32
      %mul3A_675 = vector.broadcast %mul3A_674 : i32 to vector<16xi32>
      %mul3A_676 = arith.muli %min3A_673, %mul3A_675 : vector<16xi32>
      %add3A_677 = arith.addi %mul3A_676, %iota3A_166 : vector<16xi32>
      %gather3A_678 = tpu.vector_load_idx %arg17[%add3A_677] : memref<1024xi32, #tpu.memory_space<vmem>>[vector<16xi32>], vector<16xi32>,
      %lt3A_679 = arith.constant 8 : i32
      %lt3A_680 = vector.broadcast %lt3A_679 : i32 to vector<16xi32>
      %lt3A_681 = arith.cmpi slt, %gather3A_678, %lt3A_680 : vector<16xi32>
      %mul3A_682 = arith.constant 8 : i32
      %mul3A_683 = vector.broadcast %mul3A_682 : i32 to vector<16xi32>
      %mul3A_684 = arith.muli %add3A_677, %mul3A_683 : vector<16xi32>
      %min3A_685 = arith.constant 7 : i32
      %min3A_686 = vector.broadcast %min3A_685 : i32 to vector<16xi32>
      %min3A_687 = arith.minsi %gather3A_678, %min3A_686 : vector<16xi32>
      %add3A_688 = arith.addi %mul3A_684, %min3A_687 : vector<16xi32>
      %and3A_689 = arith.andi %eq3A_647, %lt3A_681 : vector<16xi1>
      tpu.vector_store_idx %arg16[%add3A_688], %or3A_667 masked %and3A_689 : memref<8192xi32, #tpu.memory_space<vmem>>[vector<16xi32>], vector<16xi32>, vector<16xi1>
      %add3A_690 = arith.constant 1 : i32
      %add3A_691 = vector.broadcast %add3A_690 : i32 to vector<16xi32>
      %add3A_692 = arith.addi %gather3A_678, %add3A_691 : vector<16xi32>
      tpu.vector_store_idx %arg17[%add3A_677], %add3A_692 masked %eq3A_647 : memref<1024xi32, #tpu.memory_space<vmem>>[vector<16xi32>], vector<16xi32>, vector<16xi1>
      %not3A_693 = arith.constant dense<true> : vector<16xi1>
      %not3A_694 = arith.xori %lt3A_681, %not3A_693 : vector<16xi1>
      %and3A_695 = arith.andi %eq3A_647, %not3A_694 : vector<16xi1>
      %jit3A_696 = arith.constant 1 : i32
      %jit3A_697 = arith.constant 0 : i32
      %broadcast_in_dim3A_698 = vector.broadcast %jit3A_696 : i32 to vector<16xi32>
      %broadcast_in_dim3A_699 = vector.broadcast %jit3A_697 : i32 to vector<16xi32>
      %select_n3A_700 = arith.select %and3A_695, %broadcast_in_dim3A_698, %broadcast_in_dim3A_699 : vector<16xi1>, vector<16xi32>
      %add3A_701 = arith.addi %add3A_633, %select_n3A_700 : vector<16xi32>
      %scan3A_702 = arith.constant 3 : i32
      %scan3A_703 = arith.addi %scan3A_509, %scan3A_702 : i32
      %mul3A_704 = arith.constant 16 : i32
      %mul3A_705 = arith.muli %scan3A_703, %mul3A_704 : i32
      %get3A_706 = arith.index_cast %mul3A_705 : i32 to index
      %get3A_707 = tpu.vector_load %arg11[%get3A_706] {strides = array<i32>} : memref<16384xi32, #tpu.memory_space<vmem>>, vector<16xi32>,
      %shift_right_logical3A_708 = arith.constant 9 : i32
      %shift_right_logical3A_709 = vector.broadcast %shift_right_logical3A_708 : i32 to vector<16xi32>
      %shift_right_logical3A_710 = arith.shrui %get3A_707, %shift_right_logical3A_709 : vector<16xi32>
      %and3A_711 = arith.constant 31 : i32
      %and3A_712 = vector.broadcast %and3A_711 : i32 to vector<16xi32>
      %and3A_713 = arith.andi %shift_right_logical3A_710, %and3A_712 : vector<16xi32>
      %eq3A_714 = vector.broadcast %add3A : i32 to vector<16xi32>
      %eq3A_715 = arith.cmpi eq, %and3A_713, %eq3A_714 : vector<16xi32>
      %sub3A_716 = vector.broadcast %add3A : i32 to vector<16xi32>
      %sub3A_717 = arith.subi %shift_right_logical3A_710, %sub3A_716 : vector<16xi32>
      %shift_right_logical3A_718 = arith.constant 5 : i32
      %shift_right_logical3A_719 = vector.broadcast %shift_right_logical3A_718 : i32 to vector<16xi32>
      %shift_right_logical3A_720 = arith.shrui %sub3A_717, %shift_right_logical3A_719 : vector<16xi32>
      %shift_left3A_721 = arith.constant 23 : i32
      %shift_left3A_722 = vector.broadcast %shift_left3A_721 : i32 to vector<16xi32>
      %shift_left3A_723 = arith.shli %shift_right_logical3A_720, %shift_left3A_722 : vector<16xi32>
      %and3A_724 = arith.constant 511 : i32
      %and3A_725 = vector.broadcast %and3A_724 : i32 to vector<16xi32>
      %and3A_726 = arith.andi %get3A_707, %and3A_725 : vector<16xi32>
      %shift_left3A_727 = arith.constant 14 : i32
      %shift_left3A_728 = vector.broadcast %shift_left3A_727 : i32 to vector<16xi32>
      %shift_left3A_729 = arith.shli %and3A_726, %shift_left3A_728 : vector<16xi32>
      %or3A_730 = arith.ori %shift_left3A_723, %shift_left3A_729 : vector<16xi32>
      %mul3A_731 = arith.constant 16 : i32
      %mul3A_732 = arith.muli %scan3A_703, %mul3A_731 : i32
      %add3A_733 = vector.broadcast %mul3A_732 : i32 to vector<16xi32>
      %add3A_734 = arith.addi %iota3A_166, %add3A_733 : vector<16xi32>
      %or3A_735 = arith.ori %or3A_730, %add3A_734 : vector<16xi32>
      %max3A_736 = arith.constant 0 : i32
      %max3A_737 = vector.broadcast %max3A_736 : i32 to vector<16xi32>
      %max3A_738 = arith.maxsi %shift_right_logical3A_720, %max3A_737 : vector<16xi32>
      %min3A_739 = arith.constant 63 : i32
      %min3A_740 = vector.broadcast %min3A_739 : i32 to vector<16xi32>
      %min3A_741 = arith.minsi %max3A_738, %min3A_740 : vector<16xi32>
      %mul3A_742 = arith.constant 16 : i32
      %mul3A_743 = vector.broadcast %mul3A_742 : i32 to vector<16xi32>
      %mul3A_744 = arith.muli %min3A_741, %mul3A_743 : vector<16xi32>
      %add3A_745 = arith.addi %mul3A_744, %iota3A_166 : vector<16xi32>
      %gather3A_746 = tpu.vector_load_idx %arg17[%add3A_745] : memref<1024xi32, #tpu.memory_space<vmem>>[vector<16xi32>], vector<16xi32>,
      %lt3A_747 = arith.constant 8 : i32
      %lt3A_748 = vector.broadcast %lt3A_747 : i32 to vector<16xi32>
      %lt3A_749 = arith.cmpi slt, %gather3A_746, %lt3A_748 : vector<16xi32>
      %mul3A_750 = arith.constant 8 : i32
      %mul3A_751 = vector.broadcast %mul3A_750 : i32 to vector<16xi32>
      %mul3A_752 = arith.muli %add3A_745, %mul3A_751 : vector<16xi32>
      %min3A_753 = arith.constant 7 : i32
      %min3A_754 = vector.broadcast %min3A_753 : i32 to vector<16xi32>
      %min3A_755 = arith.minsi %gather3A_746, %min3A_754 : vector<16xi32>
      %add3A_756 = arith.addi %mul3A_752, %min3A_755 : vector<16xi32>
      %and3A_757 = arith.andi %eq3A_715, %lt3A_749 : vector<16xi1>
      tpu.vector_store_idx %arg16[%add3A_756], %or3A_735 masked %and3A_757 : memref<8192xi32, #tpu.memory_space<vmem>>[vector<16xi32>], vector<16xi32>, vector<16xi1>
      %add3A_758 = arith.constant 1 : i32
      %add3A_759 = vector.broadcast %add3A_758 : i32 to vector<16xi32>
      %add3A_760 = arith.addi %gather3A_746, %add3A_759 : vector<16xi32>
      tpu.vector_store_idx %arg17[%add3A_745], %add3A_760 masked %eq3A_715 : memref<1024xi32, #tpu.memory_space<vmem>>[vector<16xi32>], vector<16xi32>, vector<16xi1>
      %not3A_761 = arith.constant dense<true> : vector<16xi1>
      %not3A_762 = arith.xori %lt3A_749, %not3A_761 : vector<16xi1>
      %and3A_763 = arith.andi %eq3A_715, %not3A_762 : vector<16xi1>
      %jit3A_764 = arith.constant 1 : i32
      %jit3A_765 = arith.constant 0 : i32
      %broadcast_in_dim3A_766 = vector.broadcast %jit3A_764 : i32 to vector<16xi32>
      %broadcast_in_dim3A_767 = vector.broadcast %jit3A_765 : i32 to vector<16xi32>
      %select_n3A_768 = arith.select %and3A_763, %broadcast_in_dim3A_766, %broadcast_in_dim3A_767 : vector<16xi1>, vector<16xi32>
      %add3A_769 = arith.addi %add3A_701, %select_n3A_768 : vector<16xi32>
      %scan3A_770 = arith.constant 4 : i32
      %scan3A_771 = arith.addi %scan3A_509, %scan3A_770 : i32
      %mul3A_772 = arith.constant 16 : i32
      %mul3A_773 = arith.muli %scan3A_771, %mul3A_772 : i32
      %get3A_774 = arith.index_cast %mul3A_773 : i32 to index
      %get3A_775 = tpu.vector_load %arg11[%get3A_774] {strides = array<i32>} : memref<16384xi32, #tpu.memory_space<vmem>>, vector<16xi32>,
      %shift_right_logical3A_776 = arith.constant 9 : i32
      %shift_right_logical3A_777 = vector.broadcast %shift_right_logical3A_776 : i32 to vector<16xi32>
      %shift_right_logical3A_778 = arith.shrui %get3A_775, %shift_right_logical3A_777 : vector<16xi32>
      %and3A_779 = arith.constant 31 : i32
      %and3A_780 = vector.broadcast %and3A_779 : i32 to vector<16xi32>
      %and3A_781 = arith.andi %shift_right_logical3A_778, %and3A_780 : vector<16xi32>
      %eq3A_782 = vector.broadcast %add3A : i32 to vector<16xi32>
      %eq3A_783 = arith.cmpi eq, %and3A_781, %eq3A_782 : vector<16xi32>
      %sub3A_784 = vector.broadcast %add3A : i32 to vector<16xi32>
      %sub3A_785 = arith.subi %shift_right_logical3A_778, %sub3A_784 : vector<16xi32>
      %shift_right_logical3A_786 = arith.constant 5 : i32
      %shift_right_logical3A_787 = vector.broadcast %shift_right_logical3A_786 : i32 to vector<16xi32>
      %shift_right_logical3A_788 = arith.shrui %sub3A_785, %shift_right_logical3A_787 : vector<16xi32>
      %shift_left3A_789 = arith.constant 23 : i32
      %shift_left3A_790 = vector.broadcast %shift_left3A_789 : i32 to vector<16xi32>
      %shift_left3A_791 = arith.shli %shift_right_logical3A_788, %shift_left3A_790 : vector<16xi32>
      %and3A_792 = arith.constant 511 : i32
      %and3A_793 = vector.broadcast %and3A_792 : i32 to vector<16xi32>
      %and3A_794 = arith.andi %get3A_775, %and3A_793 : vector<16xi32>
      %shift_left3A_795 = arith.constant 14 : i32
      %shift_left3A_796 = vector.broadcast %shift_left3A_795 : i32 to vector<16xi32>
      %shift_left3A_797 = arith.shli %and3A_794, %shift_left3A_796 : vector<16xi32>
      %or3A_798 = arith.ori %shift_left3A_791, %shift_left3A_797 : vector<16xi32>
      %mul3A_799 = arith.constant 16 : i32
      %mul3A_800 = arith.muli %scan3A_771, %mul3A_799 : i32
      %add3A_801 = vector.broadcast %mul3A_800 : i32 to vector<16xi32>
      %add3A_802 = arith.addi %iota3A_166, %add3A_801 : vector<16xi32>
      %or3A_803 = arith.ori %or3A_798, %add3A_802 : vector<16xi32>
      %max3A_804 = arith.constant 0 : i32
      %max3A_805 = vector.broadcast %max3A_804 : i32 to vector<16xi32>
      %max3A_806 = arith.maxsi %shift_right_logical3A_788, %max3A_805 : vector<16xi32>
      %min3A_807 = arith.constant 63 : i32
      %min3A_808 = vector.broadcast %min3A_807 : i32 to vector<16xi32>
      %min3A_809 = arith.minsi %max3A_806, %min3A_808 : vector<16xi32>
      %mul3A_810 = arith.constant 16 : i32
      %mul3A_811 = vector.broadcast %mul3A_810 : i32 to vector<16xi32>
      %mul3A_812 = arith.muli %min3A_809, %mul3A_811 : vector<16xi32>
      %add3A_813 = arith.addi %mul3A_812, %iota3A_166 : vector<16xi32>
      %gather3A_814 = tpu.vector_load_idx %arg17[%add3A_813] : memref<1024xi32, #tpu.memory_space<vmem>>[vector<16xi32>], vector<16xi32>,
      %lt3A_815 = arith.constant 8 : i32
      %lt3A_816 = vector.broadcast %lt3A_815 : i32 to vector<16xi32>
      %lt3A_817 = arith.cmpi slt, %gather3A_814, %lt3A_816 : vector<16xi32>
      %mul3A_818 = arith.constant 8 : i32
      %mul3A_819 = vector.broadcast %mul3A_818 : i32 to vector<16xi32>
      %mul3A_820 = arith.muli %add3A_813, %mul3A_819 : vector<16xi32>
      %min3A_821 = arith.constant 7 : i32
      %min3A_822 = vector.broadcast %min3A_821 : i32 to vector<16xi32>
      %min3A_823 = arith.minsi %gather3A_814, %min3A_822 : vector<16xi32>
      %add3A_824 = arith.addi %mul3A_820, %min3A_823 : vector<16xi32>
      %and3A_825 = arith.andi %eq3A_783, %lt3A_817 : vector<16xi1>
      tpu.vector_store_idx %arg16[%add3A_824], %or3A_803 masked %and3A_825 : memref<8192xi32, #tpu.memory_space<vmem>>[vector<16xi32>], vector<16xi32>, vector<16xi1>
      %add3A_826 = arith.constant 1 : i32
      %add3A_827 = vector.broadcast %add3A_826 : i32 to vector<16xi32>
      %add3A_828 = arith.addi %gather3A_814, %add3A_827 : vector<16xi32>
      tpu.vector_store_idx %arg17[%add3A_813], %add3A_828 masked %eq3A_783 : memref<1024xi32, #tpu.memory_space<vmem>>[vector<16xi32>], vector<16xi32>, vector<16xi1>
      %not3A_829 = arith.constant dense<true> : vector<16xi1>
      %not3A_830 = arith.xori %lt3A_817, %not3A_829 : vector<16xi1>
      %and3A_831 = arith.andi %eq3A_783, %not3A_830 : vector<16xi1>
      %jit3A_832 = arith.constant 1 : i32
      %jit3A_833 = arith.constant 0 : i32
      %broadcast_in_dim3A_834 = vector.broadcast %jit3A_832 : i32 to vector<16xi32>
      %broadcast_in_dim3A_835 = vector.broadcast %jit3A_833 : i32 to vector<16xi32>
      %select_n3A_836 = arith.select %and3A_831, %broadcast_in_dim3A_834, %broadcast_in_dim3A_835 : vector<16xi1>, vector<16xi32>
      %add3A_837 = arith.addi %add3A_769, %select_n3A_836 : vector<16xi32>
      %scan3A_838 = arith.constant 5 : i32
      %scan3A_839 = arith.addi %scan3A_509, %scan3A_838 : i32
      %mul3A_840 = arith.constant 16 : i32
      %mul3A_841 = arith.muli %scan3A_839, %mul3A_840 : i32
      %get3A_842 = arith.index_cast %mul3A_841 : i32 to index
      %get3A_843 = tpu.vector_load %arg11[%get3A_842] {strides = array<i32>} : memref<16384xi32, #tpu.memory_space<vmem>>, vector<16xi32>,
      %shift_right_logical3A_844 = arith.constant 9 : i32
      %shift_right_logical3A_845 = vector.broadcast %shift_right_logical3A_844 : i32 to vector<16xi32>
      %shift_right_logical3A_846 = arith.shrui %get3A_843, %shift_right_logical3A_845 : vector<16xi32>
      %and3A_847 = arith.constant 31 : i32
      %and3A_848 = vector.broadcast %and3A_847 : i32 to vector<16xi32>
      %and3A_849 = arith.andi %shift_right_logical3A_846, %and3A_848 : vector<16xi32>
      %eq3A_850 = vector.broadcast %add3A : i32 to vector<16xi32>
      %eq3A_851 = arith.cmpi eq, %and3A_849, %eq3A_850 : vector<16xi32>
      %sub3A_852 = vector.broadcast %add3A : i32 to vector<16xi32>
      %sub3A_853 = arith.subi %shift_right_logical3A_846, %sub3A_852 : vector<16xi32>
      %shift_right_logical3A_854 = arith.constant 5 : i32
      %shift_right_logical3A_855 = vector.broadcast %shift_right_logical3A_854 : i32 to vector<16xi32>
      %shift_right_logical3A_856 = arith.shrui %sub3A_853, %shift_right_logical3A_855 : vector<16xi32>
      %shift_left3A_857 = arith.constant 23 : i32
      %shift_left3A_858 = vector.broadcast %shift_left3A_857 : i32 to vector<16xi32>
      %shift_left3A_859 = arith.shli %shift_right_logical3A_856, %shift_left3A_858 : vector<16xi32>
      %and3A_860 = arith.constant 511 : i32
      %and3A_861 = vector.broadcast %and3A_860 : i32 to vector<16xi32>
      %and3A_862 = arith.andi %get3A_843, %and3A_861 : vector<16xi32>
      %shift_left3A_863 = arith.constant 14 : i32
      %shift_left3A_864 = vector.broadcast %shift_left3A_863 : i32 to vector<16xi32>
      %shift_left3A_865 = arith.shli %and3A_862, %shift_left3A_864 : vector<16xi32>
      %or3A_866 = arith.ori %shift_left3A_859, %shift_left3A_865 : vector<16xi32>
      %mul3A_867 = arith.constant 16 : i32
      %mul3A_868 = arith.muli %scan3A_839, %mul3A_867 : i32
      %add3A_869 = vector.broadcast %mul3A_868 : i32 to vector<16xi32>
      %add3A_870 = arith.addi %iota3A_166, %add3A_869 : vector<16xi32>
      %or3A_871 = arith.ori %or3A_866, %add3A_870 : vector<16xi32>
      %max3A_872 = arith.constant 0 : i32
      %max3A_873 = vector.broadcast %max3A_872 : i32 to vector<16xi32>
      %max3A_874 = arith.maxsi %shift_right_logical3A_856, %max3A_873 : vector<16xi32>
      %min3A_875 = arith.constant 63 : i32
      %min3A_876 = vector.broadcast %min3A_875 : i32 to vector<16xi32>
      %min3A_877 = arith.minsi %max3A_874, %min3A_876 : vector<16xi32>
      %mul3A_878 = arith.constant 16 : i32
      %mul3A_879 = vector.broadcast %mul3A_878 : i32 to vector<16xi32>
      %mul3A_880 = arith.muli %min3A_877, %mul3A_879 : vector<16xi32>
      %add3A_881 = arith.addi %mul3A_880, %iota3A_166 : vector<16xi32>
      %gather3A_882 = tpu.vector_load_idx %arg17[%add3A_881] : memref<1024xi32, #tpu.memory_space<vmem>>[vector<16xi32>], vector<16xi32>,
      %lt3A_883 = arith.constant 8 : i32
      %lt3A_884 = vector.broadcast %lt3A_883 : i32 to vector<16xi32>
      %lt3A_885 = arith.cmpi slt, %gather3A_882, %lt3A_884 : vector<16xi32>
      %mul3A_886 = arith.constant 8 : i32
      %mul3A_887 = vector.broadcast %mul3A_886 : i32 to vector<16xi32>
      %mul3A_888 = arith.muli %add3A_881, %mul3A_887 : vector<16xi32>
      %min3A_889 = arith.constant 7 : i32
      %min3A_890 = vector.broadcast %min3A_889 : i32 to vector<16xi32>
      %min3A_891 = arith.minsi %gather3A_882, %min3A_890 : vector<16xi32>
      %add3A_892 = arith.addi %mul3A_888, %min3A_891 : vector<16xi32>
      %and3A_893 = arith.andi %eq3A_851, %lt3A_885 : vector<16xi1>
      tpu.vector_store_idx %arg16[%add3A_892], %or3A_871 masked %and3A_893 : memref<8192xi32, #tpu.memory_space<vmem>>[vector<16xi32>], vector<16xi32>, vector<16xi1>
      %add3A_894 = arith.constant 1 : i32
      %add3A_895 = vector.broadcast %add3A_894 : i32 to vector<16xi32>
      %add3A_896 = arith.addi %gather3A_882, %add3A_895 : vector<16xi32>
      tpu.vector_store_idx %arg17[%add3A_881], %add3A_896 masked %eq3A_851 : memref<1024xi32, #tpu.memory_space<vmem>>[vector<16xi32>], vector<16xi32>, vector<16xi1>
      %not3A_897 = arith.constant dense<true> : vector<16xi1>
      %not3A_898 = arith.xori %lt3A_885, %not3A_897 : vector<16xi1>
      %and3A_899 = arith.andi %eq3A_851, %not3A_898 : vector<16xi1>
      %jit3A_900 = arith.constant 1 : i32
      %jit3A_901 = arith.constant 0 : i32
      %broadcast_in_dim3A_902 = vector.broadcast %jit3A_900 : i32 to vector<16xi32>
      %broadcast_in_dim3A_903 = vector.broadcast %jit3A_901 : i32 to vector<16xi32>
      %select_n3A_904 = arith.select %and3A_899, %broadcast_in_dim3A_902, %broadcast_in_dim3A_903 : vector<16xi1>, vector<16xi32>
      %add3A_905 = arith.addi %add3A_837, %select_n3A_904 : vector<16xi32>
      %scan3A_906 = arith.constant 6 : i32
      %scan3A_907 = arith.addi %scan3A_509, %scan3A_906 : i32
      %mul3A_908 = arith.constant 16 : i32
      %mul3A_909 = arith.muli %scan3A_907, %mul3A_908 : i32
      %get3A_910 = arith.index_cast %mul3A_909 : i32 to index
      %get3A_911 = tpu.vector_load %arg11[%get3A_910] {strides = array<i32>} : memref<16384xi32, #tpu.memory_space<vmem>>, vector<16xi32>,
      %shift_right_logical3A_912 = arith.constant 9 : i32
      %shift_right_logical3A_913 = vector.broadcast %shift_right_logical3A_912 : i32 to vector<16xi32>
      %shift_right_logical3A_914 = arith.shrui %get3A_911, %shift_right_logical3A_913 : vector<16xi32>
      %and3A_915 = arith.constant 31 : i32
      %and3A_916 = vector.broadcast %and3A_915 : i32 to vector<16xi32>
      %and3A_917 = arith.andi %shift_right_logical3A_914, %and3A_916 : vector<16xi32>
      %eq3A_918 = vector.broadcast %add3A : i32 to vector<16xi32>
      %eq3A_919 = arith.cmpi eq, %and3A_917, %eq3A_918 : vector<16xi32>
      %sub3A_920 = vector.broadcast %add3A : i32 to vector<16xi32>
      %sub3A_921 = arith.subi %shift_right_logical3A_914, %sub3A_920 : vector<16xi32>
      %shift_right_logical3A_922 = arith.constant 5 : i32
      %shift_right_logical3A_923 = vector.broadcast %shift_right_logical3A_922 : i32 to vector<16xi32>
      %shift_right_logical3A_924 = arith.shrui %sub3A_921, %shift_right_logical3A_923 : vector<16xi32>
      %shift_left3A_925 = arith.constant 23 : i32
      %shift_left3A_926 = vector.broadcast %shift_left3A_925 : i32 to vector<16xi32>
      %shift_left3A_927 = arith.shli %shift_right_logical3A_924, %shift_left3A_926 : vector<16xi32>
      %and3A_928 = arith.constant 511 : i32
      %and3A_929 = vector.broadcast %and3A_928 : i32 to vector<16xi32>
      %and3A_930 = arith.andi %get3A_911, %and3A_929 : vector<16xi32>
      %shift_left3A_931 = arith.constant 14 : i32
      %shift_left3A_932 = vector.broadcast %shift_left3A_931 : i32 to vector<16xi32>
      %shift_left3A_933 = arith.shli %and3A_930, %shift_left3A_932 : vector<16xi32>
      %or3A_934 = arith.ori %shift_left3A_927, %shift_left3A_933 : vector<16xi32>
      %mul3A_935 = arith.constant 16 : i32
      %mul3A_936 = arith.muli %scan3A_907, %mul3A_935 : i32
      %add3A_937 = vector.broadcast %mul3A_936 : i32 to vector<16xi32>
      %add3A_938 = arith.addi %iota3A_166, %add3A_937 : vector<16xi32>
      %or3A_939 = arith.ori %or3A_934, %add3A_938 : vector<16xi32>
      %max3A_940 = arith.constant 0 : i32
      %max3A_941 = vector.broadcast %max3A_940 : i32 to vector<16xi32>
      %max3A_942 = arith.maxsi %shift_right_logical3A_924, %max3A_941 : vector<16xi32>
      %min3A_943 = arith.constant 63 : i32
      %min3A_944 = vector.broadcast %min3A_943 : i32 to vector<16xi32>
      %min3A_945 = arith.minsi %max3A_942, %min3A_944 : vector<16xi32>
      %mul3A_946 = arith.constant 16 : i32
      %mul3A_947 = vector.broadcast %mul3A_946 : i32 to vector<16xi32>
      %mul3A_948 = arith.muli %min3A_945, %mul3A_947 : vector<16xi32>
      %add3A_949 = arith.addi %mul3A_948, %iota3A_166 : vector<16xi32>
      %gather3A_950 = tpu.vector_load_idx %arg17[%add3A_949] : memref<1024xi32, #tpu.memory_space<vmem>>[vector<16xi32>], vector<16xi32>,
      %lt3A_951 = arith.constant 8 : i32
      %lt3A_952 = vector.broadcast %lt3A_951 : i32 to vector<16xi32>
      %lt3A_953 = arith.cmpi slt, %gather3A_950, %lt3A_952 : vector<16xi32>
      %mul3A_954 = arith.constant 8 : i32
      %mul3A_955 = vector.broadcast %mul3A_954 : i32 to vector<16xi32>
      %mul3A_956 = arith.muli %add3A_949, %mul3A_955 : vector<16xi32>
      %min3A_957 = arith.constant 7 : i32
      %min3A_958 = vector.broadcast %min3A_957 : i32 to vector<16xi32>
      %min3A_959 = arith.minsi %gather3A_950, %min3A_958 : vector<16xi32>
      %add3A_960 = arith.addi %mul3A_956, %min3A_959 : vector<16xi32>
      %and3A_961 = arith.andi %eq3A_919, %lt3A_953 : vector<16xi1>
      tpu.vector_store_idx %arg16[%add3A_960], %or3A_939 masked %and3A_961 : memref<8192xi32, #tpu.memory_space<vmem>>[vector<16xi32>], vector<16xi32>, vector<16xi1>
      %add3A_962 = arith.constant 1 : i32
      %add3A_963 = vector.broadcast %add3A_962 : i32 to vector<16xi32>
      %add3A_964 = arith.addi %gather3A_950, %add3A_963 : vector<16xi32>
      tpu.vector_store_idx %arg17[%add3A_949], %add3A_964 masked %eq3A_919 : memref<1024xi32, #tpu.memory_space<vmem>>[vector<16xi32>], vector<16xi32>, vector<16xi1>
      %not3A_965 = arith.constant dense<true> : vector<16xi1>
      %not3A_966 = arith.xori %lt3A_953, %not3A_965 : vector<16xi1>
      %and3A_967 = arith.andi %eq3A_919, %not3A_966 : vector<16xi1>
      %jit3A_968 = arith.constant 1 : i32
      %jit3A_969 = arith.constant 0 : i32
      %broadcast_in_dim3A_970 = vector.broadcast %jit3A_968 : i32 to vector<16xi32>
      %broadcast_in_dim3A_971 = vector.broadcast %jit3A_969 : i32 to vector<16xi32>
      %select_n3A_972 = arith.select %and3A_967, %broadcast_in_dim3A_970, %broadcast_in_dim3A_971 : vector<16xi1>, vector<16xi32>
      %add3A_973 = arith.addi %add3A_905, %select_n3A_972 : vector<16xi32>
      %scan3A_974 = arith.constant 7 : i32
      %scan3A_975 = arith.addi %scan3A_509, %scan3A_974 : i32
      %mul3A_976 = arith.constant 16 : i32
      %mul3A_977 = arith.muli %scan3A_975, %mul3A_976 : i32
      %get3A_978 = arith.index_cast %mul3A_977 : i32 to index
      %get3A_979 = tpu.vector_load %arg11[%get3A_978] {strides = array<i32>} : memref<16384xi32, #tpu.memory_space<vmem>>, vector<16xi32>,
      %shift_right_logical3A_980 = arith.constant 9 : i32
      %shift_right_logical3A_981 = vector.broadcast %shift_right_logical3A_980 : i32 to vector<16xi32>
      %shift_right_logical3A_982 = arith.shrui %get3A_979, %shift_right_logical3A_981 : vector<16xi32>
      %and3A_983 = arith.constant 31 : i32
      %and3A_984 = vector.broadcast %and3A_983 : i32 to vector<16xi32>
      %and3A_985 = arith.andi %shift_right_logical3A_982, %and3A_984 : vector<16xi32>
      %eq3A_986 = vector.broadcast %add3A : i32 to vector<16xi32>
      %eq3A_987 = arith.cmpi eq, %and3A_985, %eq3A_986 : vector<16xi32>
      %sub3A_988 = vector.broadcast %add3A : i32 to vector<16xi32>
      %sub3A_989 = arith.subi %shift_right_logical3A_982, %sub3A_988 : vector<16xi32>
      %shift_right_logical3A_990 = arith.constant 5 : i32
      %shift_right_logical3A_991 = vector.broadcast %shift_right_logical3A_990 : i32 to vector<16xi32>
      %shift_right_logical3A_992 = arith.shrui %sub3A_989, %shift_right_logical3A_991 : vector<16xi32>
      %shift_left3A_993 = arith.constant 23 : i32
      %shift_left3A_994 = vector.broadcast %shift_left3A_993 : i32 to vector<16xi32>
      %shift_left3A_995 = arith.shli %shift_right_logical3A_992, %shift_left3A_994 : vector<16xi32>
      %and3A_996 = arith.constant 511 : i32
      %and3A_997 = vector.broadcast %and3A_996 : i32 to vector<16xi32>
      %and3A_998 = arith.andi %get3A_979, %and3A_997 : vector<16xi32>
      %shift_left3A_999 = arith.constant 14 : i32
      %shift_left3A_1000 = vector.broadcast %shift_left3A_999 : i32 to vector<16xi32>
      %shift_left3A_1001 = arith.shli %and3A_998, %shift_left3A_1000 : vector<16xi32>
      %or3A_1002 = arith.ori %shift_left3A_995, %shift_left3A_1001 : vector<16xi32>
      %mul3A_1003 = arith.constant 16 : i32
      %mul3A_1004 = arith.muli %scan3A_975, %mul3A_1003 : i32
      %add3A_1005 = vector.broadcast %mul3A_1004 : i32 to vector<16xi32>
      %add3A_1006 = arith.addi %iota3A_166, %add3A_1005 : vector<16xi32>
      %or3A_1007 = arith.ori %or3A_1002, %add3A_1006 : vector<16xi32>
      %max3A_1008 = arith.constant 0 : i32
      %max3A_1009 = vector.broadcast %max3A_1008 : i32 to vector<16xi32>
      %max3A_1010 = arith.maxsi %shift_right_logical3A_992, %max3A_1009 : vector<16xi32>
      %min3A_1011 = arith.constant 63 : i32
      %min3A_1012 = vector.broadcast %min3A_1011 : i32 to vector<16xi32>
      %min3A_1013 = arith.minsi %max3A_1010, %min3A_1012 : vector<16xi32>
      %mul3A_1014 = arith.constant 16 : i32
      %mul3A_1015 = vector.broadcast %mul3A_1014 : i32 to vector<16xi32>
      %mul3A_1016 = arith.muli %min3A_1013, %mul3A_1015 : vector<16xi32>
      %add3A_1017 = arith.addi %mul3A_1016, %iota3A_166 : vector<16xi32>
      %gather3A_1018 = tpu.vector_load_idx %arg17[%add3A_1017] : memref<1024xi32, #tpu.memory_space<vmem>>[vector<16xi32>], vector<16xi32>,
      %lt3A_1019 = arith.constant 8 : i32
      %lt3A_1020 = vector.broadcast %lt3A_1019 : i32 to vector<16xi32>
      %lt3A_1021 = arith.cmpi slt, %gather3A_1018, %lt3A_1020 : vector<16xi32>
      %mul3A_1022 = arith.constant 8 : i32
      %mul3A_1023 = vector.broadcast %mul3A_1022 : i32 to vector<16xi32>
      %mul3A_1024 = arith.muli %add3A_1017, %mul3A_1023 : vector<16xi32>
      %min3A_1025 = arith.constant 7 : i32
      %min3A_1026 = vector.broadcast %min3A_1025 : i32 to vector<16xi32>
      %min3A_1027 = arith.minsi %gather3A_1018, %min3A_1026 : vector<16xi32>
      %add3A_1028 = arith.addi %mul3A_1024, %min3A_1027 : vector<16xi32>
      %and3A_1029 = arith.andi %eq3A_987, %lt3A_1021 : vector<16xi1>
      tpu.vector_store_idx %arg16[%add3A_1028], %or3A_1007 masked %and3A_1029 : memref<8192xi32, #tpu.memory_space<vmem>>[vector<16xi32>], vector<16xi32>, vector<16xi1>
      %add3A_1030 = arith.constant 1 : i32
      %add3A_1031 = vector.broadcast %add3A_1030 : i32 to vector<16xi32>
      %add3A_1032 = arith.addi %gather3A_1018, %add3A_1031 : vector<16xi32>
      tpu.vector_store_idx %arg17[%add3A_1017], %add3A_1032 masked %eq3A_987 : memref<1024xi32, #tpu.memory_space<vmem>>[vector<16xi32>], vector<16xi32>, vector<16xi1>
      %not3A_1033 = arith.constant dense<true> : vector<16xi1>
      %not3A_1034 = arith.xori %lt3A_1021, %not3A_1033 : vector<16xi1>
      %and3A_1035 = arith.andi %eq3A_987, %not3A_1034 : vector<16xi1>
      %jit3A_1036 = arith.constant 1 : i32
      %jit3A_1037 = arith.constant 0 : i32
      %broadcast_in_dim3A_1038 = vector.broadcast %jit3A_1036 : i32 to vector<16xi32>
      %broadcast_in_dim3A_1039 = vector.broadcast %jit3A_1037 : i32 to vector<16xi32>
      %select_n3A_1040 = arith.select %and3A_1035, %broadcast_in_dim3A_1038, %broadcast_in_dim3A_1039 : vector<16xi1>, vector<16xi32>
      %add3A_1041 = arith.addi %add3A_973, %select_n3A_1040 : vector<16xi32>
      scf.yield %add3A_1041 : vector<16xi32>
    }
    %scan3A_300 = arith.constant 1024 : i32
    %gt3A_301 = arith.constant 0 : i32
    %gt3A_302 = vector.broadcast %gt3A_301 : i32 to vector<16xi32>
    %gt3A_303 = arith.cmpi sgt, %scan3A_299, %gt3A_302 : vector<16xi32>
    %all_reduce_population_count3A_304 = tpu.all_reduce %gt3A_303 {dim = 0 : i64, kind = #tpu.reduction_kind<sum>} : vector<16xi1> -> vector<16xi32>
    %scan3A_305 = arith.constant 0 : i32
    %scan3A_306 = arith.constant 0 : i32
    %scan3A_307 = arith.constant 8 : i32
    %scan3A_308 = arith.addi %scan3A_306, %scan3A_307 : i32
    %scan3A_309 = arith.constant 1 : i32
    %scan3A_310 = scf.for %scan3A_509 = %scan3A_306 to %scan3A_308 step %scan3A_309 iter_args(%scan3A_510 = %scan3A_305) -> (i32)  : i32 {
      %broadcast_in_dim3A_511 = arith.constant 16384 : i32
      %broadcast_in_dim3A_512 = vector.broadcast %broadcast_in_dim3A_511 : i32 to vector<16xi32>
      %mul3A_513 = arith.constant 16 : i32
      %mul3A_514 = arith.muli %scan3A_509, %mul3A_513 : i32
      %swap3A_515 = arith.index_cast %mul3A_514 : i32 to index
      %swap3A_516 = tpu.vector_load %arg15[%swap3A_515] {strides = array<i32>} : memref<128xi32, #tpu.memory_space<vmem>>, vector<16xi32>,
      tpu.vector_store %arg15[%swap3A_515], %broadcast_in_dim3A_512 {strides = array<i32>} : memref<128xi32, #tpu.memory_space<vmem>>, vector<16xi32>,
      %scan3A_517 = arith.constant 0 : i32
      scf.yield %scan3A_517 : i32
    }
    %scan3A_311 = arith.constant 8 : i32
    %scan3A_312 = arith.constant 0 : i32
    %scan3A_313 = arith.constant 4 : i32
    %scan3A_314 = arith.addi %scan3A_312, %scan3A_313 : i32
    %scan3A_315 = arith.constant 1 : i32
    scf.for %scan3A_509 = %scan3A_312 to %scan3A_314 step %scan3A_315  : i32 {
      %mul3A_510 = arith.constant 2 : i32
      %mul3A_511 = arith.muli %mul3A_510, %scan3A_509 : i32
      %add3A_512 = arith.constant 1 : i32
      %add3A_513 = arith.addi %mul3A_511, %add3A_512 : i32
      %mul3A_514 = arith.constant 2 : i32
      %mul3A_515 = arith.muli %mul3A_514, %scan3A_509 : i32
      %mul3A_516 = arith.constant 2 : i32
      %mul3A_517 = arith.muli %mul3A_516, %scan3A_509 : i32
      %add3A_518 = arith.constant 2 : i32
      %add3A_519 = arith.addi %mul3A_517, %add3A_518 : i32
      %mul3A_520 = arith.constant 2 : i32
      %mul3A_521 = arith.muli %mul3A_520, %scan3A_509 : i32
      %add3A_522 = arith.constant 1 : i32
      %add3A_523 = arith.addi %mul3A_521, %add3A_522 : i32
    }
    %scan3A_316 = arith.constant 4 : i32
    %eq3A_317 = arith.constant 3 : i32
    %eq3A_318 = arith.cmpi eq, %add3A, %eq3A_317 : i32
    %convert_element_type3A_319 = arith.extui %eq3A_318 : i1 to i32
    %cond3A_320 = arith.constant 0 : i32
    %cond3A_321 = arith.cmpi ne, %convert_element_type3A_319, %cond3A_320 : i32
    scf.if %cond3A_321 {
      %multiple_of3A = arith.constant 99840 : i32
      %multiple_of3A_509 = tpu.assume_multiple %multiple_of3A, 128 : i32
      %dma_start3A = arith.constant 0 : i32
      %dma_start3A_510 = arith.constant 0 : i32
      %dma_start3A_511 = tpu.memref_slice %arg12[%dma_start3A, %dma_start3A_510] : memref<64x512xf32, #tpu.memory_space<vmem>> -> memref<64x256xf32, #tpu.memory_space<vmem>>
      %dma_start3A_512 = arith.constant 0 : i32
      %dma_start3A_513 = tpu.memref_slice %arg6[%dma_start3A_512, %multiple_of3A_509] : memref<64x100000xf32, #tpu.memory_space<hbm>> -> memref<64x256xf32, #tpu.memory_space<hbm>>
      %dma_start3A_514 = arith.constant 0 : i32
      %dma_start3A_515 = arith.constant 0 : i32
      %dma_start3A_516 = tpu.memref_slice %arg12[%dma_start3A_514, %dma_start3A_515] : memref<64x512xf32, #tpu.memory_space<vmem>> -> memref<64x256xf32, #tpu.memory_space<vmem>>
      %dma_start3A_517 = arith.constant 0 : i32
      %dma_start3A_518 = tpu.memref_slice %arg6[%dma_start3A_517, %multiple_of3A_509] : memref<64x100000xf32, #tpu.memory_space<hbm>> -> memref<64x256xf32, #tpu.memory_space<hbm>>
      tpu.enqueue_dma source(%dma_start3A_518 : memref<64x256xf32, #tpu.memory_space<hbm>>) target(%dma_start3A_516 : memref<64x256xf32, #tpu.memory_space<vmem>>) target_semaphore(%arg18 : memref<!tpu.dma_semaphore, #tpu.memory_space<semaphore_mem>>)
      %dma_wait3A = arith.constant 0 : i32
      %dma_wait3A_519 = arith.constant 0 : i32
      %dma_wait3A_520 = tpu.memref_slice %arg12[%dma_wait3A, %dma_wait3A_519] : memref<64x512xf32, #tpu.memory_space<vmem>> -> memref<64x256xf32, #tpu.memory_space<vmem>>
      %dma_wait3A_521 = arith.constant 0 : i32
      %dma_wait3A_522 = tpu.memref_slice %arg6[%dma_wait3A_521, %multiple_of3A_509] : memref<64x100000xf32, #tpu.memory_space<hbm>> -> memref<64x256xf32, #tpu.memory_space<hbm>>
      %dma_wait3A_523 = arith.constant 0 : i32
      %dma_wait3A_524 = arith.constant 0 : i32
      %dma_wait3A_525 = tpu.memref_slice %arg12[%dma_wait3A_523, %dma_wait3A_524] : memref<64x512xf32, #tpu.memory_space<vmem>> -> memref<64x256xf32, #tpu.memory_space<vmem>>
      %dma_wait3A_526 = arith.constant 0 : i32
      %dma_wait3A_527 = tpu.memref_slice %arg6[%dma_wait3A_526, %multiple_of3A_509] : memref<64x100000xf32, #tpu.memory_space<hbm>> -> memref<64x256xf32, #tpu.memory_space<hbm>>
      tpu.wait_dma2 semaphore(%arg18 : memref<!tpu.dma_semaphore, #tpu.memory_space<semaphore_mem>>) src(%dma_wait3A_527 : memref<64x256xf32, #tpu.memory_space<hbm>>) dst(%dma_wait3A_525 : memref<64x256xf32, #tpu.memory_space<vmem>>)
    } else {
    }
    %sub3A_322 = arith.constant 195 : i32
    %sub3A_323 = arith.subi %sub3A_322, %add3A : i32
    %shift_right_logical3A_324 = arith.constant 5 : i32
    %shift_right_logical3A_325 = arith.shrui %sub3A_323, %shift_right_logical3A_324 : i32
    %eq3A_326 = arith.constant 3 : i32
    %eq3A_327 = arith.cmpi eq, %add3A, %eq3A_326 : i32
    %convert_element_type3A_328 = arith.extui %eq3A_327 : i1 to i32
    %cond3A_329 = arith.constant 0 : i32
    %cond3A_330 = arith.cmpi ne, %convert_element_type3A_328, %cond3A_329 : i32
    scf.if %cond3A_330 {
    } else {
    }
    "tpu.region"() ({
      %run_scoped3A = tpu.sem_alloc : memref<!tpu.dma_semaphore, #tpu.memory_space<semaphore_mem>>
      %dma_start3A = arith.constant 0 : i32
      %dma_start3A_509 = arith.constant 0 : i32
      %dma_start3A_510 = tpu.memref_slice %arg9[%dma_start3A, %dma_start3A_509] : memref<16392x128xf32, #tpu.memory_space<hbm>> -> memref<16392x128xf32, #tpu.memory_space<hbm>>
      tpu.enqueue_indirect_dma source(%arg14 : memref<128x128xf32, #tpu.memory_space<vmem>>) target(%dma_start3A_510 : memref<16392x128xf32, #tpu.memory_space<hbm>>) offsets(%arg15 : memref<128xi32, #tpu.memory_space<vmem>>) semaphore(%run_scoped3A : memref<!tpu.dma_semaphore, #tpu.memory_space<semaphore_mem>>)
      %dma_wait3A = arith.constant 0 : i32
      %dma_wait3A_511 = arith.constant 0 : i32
      %dma_wait3A_512 = tpu.memref_slice %arg9[%dma_wait3A, %dma_wait3A_511] : memref<16392x128xf32, #tpu.memory_space<hbm>> -> memref<16392x128xf32, #tpu.memory_space<hbm>>
      tpu.wait_indirect_dma semaphore(%run_scoped3A : memref<!tpu.dma_semaphore, #tpu.memory_space<semaphore_mem>>) src(%arg14 : memref<128x128xf32, #tpu.memory_space<vmem>>) dst(%dma_wait3A_512 : memref<16392x128xf32, #tpu.memory_space<hbm>>)
      tpu.yield
    }) : () -> ()
    %scan3A_331 = arith.constant 0 : i32
    %scan3A_332 = arith.constant 0 : i32
    %scan3A_333 = arith.constant 8 : i32
    %scan3A_334 = arith.addi %scan3A_332, %scan3A_333 : i32
    %scan3A_335 = arith.constant 1 : i32
    %scan3A_336 = scf.for %scan3A_509 = %scan3A_332 to %scan3A_334 step %scan3A_335 iter_args(%scan3A_510 = %scan3A_331) -> (i32)  : i32 {
      %broadcast_in_dim3A_511 = arith.constant 16384 : i32
      %broadcast_in_dim3A_512 = vector.broadcast %broadcast_in_dim3A_511 : i32 to vector<16xi32>
      %mul3A_513 = arith.constant 16 : i32
      %mul3A_514 = arith.muli %scan3A_509, %mul3A_513 : i32
      %swap3A_515 = arith.index_cast %mul3A_514 : i32 to index
      %swap3A_516 = tpu.vector_load %arg15[%swap3A_515] {strides = array<i32>} : memref<128xi32, #tpu.memory_space<vmem>>, vector<16xi32>,
      tpu.vector_store %arg15[%swap3A_515], %broadcast_in_dim3A_512 {strides = array<i32>} : memref<128xi32, #tpu.memory_space<vmem>>, vector<16xi32>,
      %scan3A_517 = arith.constant 0 : i32
      scf.yield %scan3A_517 : i32
    }
    %scan3A_337 = arith.constant 8 : i32
    "tpu.region"() ({
      %run_scoped3A = tpu.sem_alloc : memref<!tpu.dma_semaphore, #tpu.memory_space<semaphore_mem>>
      tpu.enqueue_dma source(%arg4 : memref<16384xi32, #tpu.memory_space<hbm>>) target(%arg11 : memref<16384xi32, #tpu.memory_space<vmem>>) target_semaphore(%run_scoped3A : memref<!tpu.dma_semaphore, #tpu.memory_space<semaphore_mem>>)
      tpu.wait_dma2 semaphore(%run_scoped3A : memref<!tpu.dma_semaphore, #tpu.memory_space<semaphore_mem>>) src(%arg4 : memref<16384xi32, #tpu.memory_space<hbm>>) dst(%arg11 : memref<16384xi32, #tpu.memory_space<vmem>>)
      tpu.yield
    }) : () -> ()
    %broadcast_in_dim3A_338 = arith.constant 0 : i32
    %broadcast_in_dim3A_339 = vector.broadcast %broadcast_in_dim3A_338 : i32 to vector<16xi32>
    %iota3A_340 = tpu.iota {dimensions = array<i32: 0>} : vector<16xi32>
    %swap3A_341 = arith.constant 0 : index
    %swap3A_342 = tpu.vector_load %arg17[%swap3A_341] {strides = array<i32>} : memref<1024xi32, #tpu.memory_space<vmem>>, vector<16xi32>,
    tpu.vector_store %arg17[%swap3A_341], %broadcast_in_dim3A_339 {strides = array<i32>} : memref<1024xi32, #tpu.memory_space<vmem>>, vector<16xi32>,
    %swap3A_343 = arith.constant 16 : index
    %swap3A_344 = tpu.vector_load %arg17[%swap3A_343] {strides = array<i32>} : memref<1024xi32, #tpu.memory_space<vmem>>, vector<16xi32>,
    tpu.vector_store %arg17[%swap3A_343], %broadcast_in_dim3A_339 {strides = array<i32>} : memref<1024xi32, #tpu.memory_space<vmem>>, vector<16xi32>,
    %swap3A_345 = arith.constant 32 : index
    %swap3A_346 = tpu.vector_load %arg17[%swap3A_345] {strides = array<i32>} : memref<1024xi32, #tpu.memory_space<vmem>>, vector<16xi32>,
    tpu.vector_store %arg17[%swap3A_345], %broadcast_in_dim3A_339 {strides = array<i32>} : memref<1024xi32, #tpu.memory_space<vmem>>, vector<16xi32>,
    %swap3A_347 = arith.constant 48 : index
    %swap3A_348 = tpu.vector_load %arg17[%swap3A_347] {strides = array<i32>} : memref<1024xi32, #tpu.memory_space<vmem>>, vector<16xi32>,
    tpu.vector_store %arg17[%swap3A_347], %broadcast_in_dim3A_339 {strides = array<i32>} : memref<1024xi32, #tpu.memory_space<vmem>>, vector<16xi32>,
    %swap3A_349 = arith.constant 64 : index
    %swap3A_350 = tpu.vector_load %arg17[%swap3A_349] {strides = array<i32>} : memref<1024xi32, #tpu.memory_space<vmem>>, vector<16xi32>,
    tpu.vector_store %arg17[%swap3A_349], %broadcast_in_dim3A_339 {strides = array<i32>} : memref<1024xi32, #tpu.memory_space<vmem>>, vector<16xi32>,
    %swap3A_351 = arith.constant 80 : index
    %swap3A_352 = tpu.vector_load %arg17[%swap3A_351] {strides = array<i32>} : memref<1024xi32, #tpu.memory_space<vmem>>, vector<16xi32>,
    tpu.vector_store %arg17[%swap3A_351], %broadcast_in_dim3A_339 {strides = array<i32>} : memref<1024xi32, #tpu.memory_space<vmem>>, vector<16xi32>,
    %swap3A_353 = arith.constant 96 : index
    %swap3A_354 = tpu.vector_load %arg17[%swap3A_353] {strides = array<i32>} : memref<1024xi32, #tpu.memory_space<vmem>>, vector<16xi32>,
    tpu.vector_store %arg17[%swap3A_353], %broadcast_in_dim3A_339 {strides = array<i32>} : memref<1024xi32, #tpu.memory_space<vmem>>, vector<16xi32>,
    %swap3A_355 = arith.constant 112 : index
    %swap3A_356 = tpu.vector_load %arg17[%swap3A_355] {strides = array<i32>} : memref<1024xi32, #tpu.memory_space<vmem>>, vector<16xi32>,
    tpu.vector_store %arg17[%swap3A_355], %broadcast_in_dim3A_339 {strides = array<i32>} : memref<1024xi32, #tpu.memory_space<vmem>>, vector<16xi32>,
    %swap3A_357 = arith.constant 128 : index
    %swap3A_358 = tpu.vector_load %arg17[%swap3A_357] {strides = array<i32>} : memref<1024xi32, #tpu.memory_space<vmem>>, vector<16xi32>,
    tpu.vector_store %arg17[%swap3A_357], %broadcast_in_dim3A_339 {strides = array<i32>} : memref<1024xi32, #tpu.memory_space<vmem>>, vector<16xi32>,
    %swap3A_359 = arith.constant 144 : index
    %swap3A_360 = tpu.vector_load %arg17[%swap3A_359] {strides = array<i32>} : memref<1024xi32, #tpu.memory_space<vmem>>, vector<16xi32>,
    tpu.vector_store %arg17[%swap3A_359], %broadcast_in_dim3A_339 {strides = array<i32>} : memref<1024xi32, #tpu.memory_space<vmem>>, vector<16xi32>,
    %swap3A_361 = arith.constant 160 : index
    %swap3A_362 = tpu.vector_load %arg17[%swap3A_361] {strides = array<i32>} : memref<1024xi32, #tpu.memory_space<vmem>>, vector<16xi32>,
    tpu.vector_store %arg17[%swap3A_361], %broadcast_in_dim3A_339 {strides = array<i32>} : memref<1024xi32, #tpu.memory_space<vmem>>, vector<16xi32>,
    %swap3A_363 = arith.constant 176 : index
    %swap3A_364 = tpu.vector_load %arg17[%swap3A_363] {strides = array<i32>} : memref<1024xi32, #tpu.memory_space<vmem>>, vector<16xi32>,
    tpu.vector_store %arg17[%swap3A_363], %broadcast_in_dim3A_339 {strides = array<i32>} : memref<1024xi32, #tpu.memory_space<vmem>>, vector<16xi32>,
    %swap3A_365 = arith.constant 192 : index
    %swap3A_366 = tpu.vector_load %arg17[%swap3A_365] {strides = array<i32>} : memref<1024xi32, #tpu.memory_space<vmem>>, vector<16xi32>,
    tpu.vector_store %arg17[%swap3A_365], %broadcast_in_dim3A_339 {strides = array<i32>} : memref<1024xi32, #tpu.memory_space<vmem>>, vector<16xi32>,
    %swap3A_367 = arith.constant 208 : index
    %swap3A_368 = tpu.vector_load %arg17[%swap3A_367] {strides = array<i32>} : memref<1024xi32, #tpu.memory_space<vmem>>, vector<16xi32>,
    tpu.vector_store %arg17[%swap3A_367], %broadcast_in_dim3A_339 {strides = array<i32>} : memref<1024xi32, #tpu.memory_space<vmem>>, vector<16xi32>,
    %swap3A_369 = arith.constant 224 : index
    %swap3A_370 = tpu.vector_load %arg17[%swap3A_369] {strides = array<i32>} : memref<1024xi32, #tpu.memory_space<vmem>>, vector<16xi32>,
    tpu.vector_store %arg17[%swap3A_369], %broadcast_in_dim3A_339 {strides = array<i32>} : memref<1024xi32, #tpu.memory_space<vmem>>, vector<16xi32>,
    %swap3A_371 = arith.constant 240 : index
    %swap3A_372 = tpu.vector_load %arg17[%swap3A_371] {strides = array<i32>} : memref<1024xi32, #tpu.memory_space<vmem>>, vector<16xi32>,
    tpu.vector_store %arg17[%swap3A_371], %broadcast_in_dim3A_339 {strides = array<i32>} : memref<1024xi32, #tpu.memory_space<vmem>>, vector<16xi32>,
    %swap3A_373 = arith.constant 256 : index
    %swap3A_374 = tpu.vector_load %arg17[%swap3A_373] {strides = array<i32>} : memref<1024xi32, #tpu.memory_space<vmem>>, vector<16xi32>,
    tpu.vector_store %arg17[%swap3A_373], %broadcast_in_dim3A_339 {strides = array<i32>} : memref<1024xi32, #tpu.memory_space<vmem>>, vector<16xi32>,
    %swap3A_375 = arith.constant 272 : index
    %swap3A_376 = tpu.vector_load %arg17[%swap3A_375] {strides = array<i32>} : memref<1024xi32, #tpu.memory_space<vmem>>, vector<16xi32>,
    tpu.vector_store %arg17[%swap3A_375], %broadcast_in_dim3A_339 {strides = array<i32>} : memref<1024xi32, #tpu.memory_space<vmem>>, vector<16xi32>,
    %swap3A_377 = arith.constant 288 : index
    %swap3A_378 = tpu.vector_load %arg17[%swap3A_377] {strides = array<i32>} : memref<1024xi32, #tpu.memory_space<vmem>>, vector<16xi32>,
    tpu.vector_store %arg17[%swap3A_377], %broadcast_in_dim3A_339 {strides = array<i32>} : memref<1024xi32, #tpu.memory_space<vmem>>, vector<16xi32>,
    %swap3A_379 = arith.constant 304 : index
    %swap3A_380 = tpu.vector_load %arg17[%swap3A_379] {strides = array<i32>} : memref<1024xi32, #tpu.memory_space<vmem>>, vector<16xi32>,
    tpu.vector_store %arg17[%swap3A_379], %broadcast_in_dim3A_339 {strides = array<i32>} : memref<1024xi32, #tpu.memory_space<vmem>>, vector<16xi32>,
    %swap3A_381 = arith.constant 320 : index
    %swap3A_382 = tpu.vector_load %arg17[%swap3A_381] {strides = array<i32>} : memref<1024xi32, #tpu.memory_space<vmem>>, vector<16xi32>,
    tpu.vector_store %arg17[%swap3A_381], %broadcast_in_dim3A_339 {strides = array<i32>} : memref<1024xi32, #tpu.memory_space<vmem>>, vector<16xi32>,
    %swap3A_383 = arith.constant 336 : index
    %swap3A_384 = tpu.vector_load %arg17[%swap3A_383] {strides = array<i32>} : memref<1024xi32, #tpu.memory_space<vmem>>, vector<16xi32>,
    tpu.vector_store %arg17[%swap3A_383], %broadcast_in_dim3A_339 {strides = array<i32>} : memref<1024xi32, #tpu.memory_space<vmem>>, vector<16xi32>,
    %swap3A_385 = arith.constant 352 : index
    %swap3A_386 = tpu.vector_load %arg17[%swap3A_385] {strides = array<i32>} : memref<1024xi32, #tpu.memory_space<vmem>>, vector<16xi32>,
    tpu.vector_store %arg17[%swap3A_385], %broadcast_in_dim3A_339 {strides = array<i32>} : memref<1024xi32, #tpu.memory_space<vmem>>, vector<16xi32>,
    %swap3A_387 = arith.constant 368 : index
    %swap3A_388 = tpu.vector_load %arg17[%swap3A_387] {strides = array<i32>} : memref<1024xi32, #tpu.memory_space<vmem>>, vector<16xi32>,
    tpu.vector_store %arg17[%swap3A_387], %broadcast_in_dim3A_339 {strides = array<i32>} : memref<1024xi32, #tpu.memory_space<vmem>>, vector<16xi32>,
    %swap3A_389 = arith.constant 384 : index
    %swap3A_390 = tpu.vector_load %arg17[%swap3A_389] {strides = array<i32>} : memref<1024xi32, #tpu.memory_space<vmem>>, vector<16xi32>,
    tpu.vector_store %arg17[%swap3A_389], %broadcast_in_dim3A_339 {strides = array<i32>} : memref<1024xi32, #tpu.memory_space<vmem>>, vector<16xi32>,
    %swap3A_391 = arith.constant 400 : index
    %swap3A_392 = tpu.vector_load %arg17[%swap3A_391] {strides = array<i32>} : memref<1024xi32, #tpu.memory_space<vmem>>, vector<16xi32>,
    tpu.vector_store %arg17[%swap3A_391], %broadcast_in_dim3A_339 {strides = array<i32>} : memref<1024xi32, #tpu.memory_space<vmem>>, vector<16xi32>,
    %swap3A_393 = arith.constant 416 : index
    %swap3A_394 = tpu.vector_load %arg17[%swap3A_393] {strides = array<i32>} : memref<1024xi32, #tpu.memory_space<vmem>>, vector<16xi32>,
    tpu.vector_store %arg17[%swap3A_393], %broadcast_in_dim3A_339 {strides = array<i32>} : memref<1024xi32, #tpu.memory_space<vmem>>, vector<16xi32>,
    %swap3A_395 = arith.constant 432 : index
    %swap3A_396 = tpu.vector_load %arg17[%swap3A_395] {strides = array<i32>} : memref<1024xi32, #tpu.memory_space<vmem>>, vector<16xi32>,
    tpu.vector_store %arg17[%swap3A_395], %broadcast_in_dim3A_339 {strides = array<i32>} : memref<1024xi32, #tpu.memory_space<vmem>>, vector<16xi32>,
    %swap3A_397 = arith.constant 448 : index
    %swap3A_398 = tpu.vector_load %arg17[%swap3A_397] {strides = array<i32>} : memref<1024xi32, #tpu.memory_space<vmem>>, vector<16xi32>,
    tpu.vector_store %arg17[%swap3A_397], %broadcast_in_dim3A_339 {strides = array<i32>} : memref<1024xi32, #tpu.memory_space<vmem>>, vector<16xi32>,
    %swap3A_399 = arith.constant 464 : index
    %swap3A_400 = tpu.vector_load %arg17[%swap3A_399] {strides = array<i32>} : memref<1024xi32, #tpu.memory_space<vmem>>, vector<16xi32>,
    tpu.vector_store %arg17[%swap3A_399], %broadcast_in_dim3A_339 {strides = array<i32>} : memref<1024xi32, #tpu.memory_space<vmem>>, vector<16xi32>,
    %swap3A_401 = arith.constant 480 : index
    %swap3A_402 = tpu.vector_load %arg17[%swap3A_401] {strides = array<i32>} : memref<1024xi32, #tpu.memory_space<vmem>>, vector<16xi32>,
    tpu.vector_store %arg17[%swap3A_401], %broadcast_in_dim3A_339 {strides = array<i32>} : memref<1024xi32, #tpu.memory_space<vmem>>, vector<16xi32>,
    %swap3A_403 = arith.constant 496 : index
    %swap3A_404 = tpu.vector_load %arg17[%swap3A_403] {strides = array<i32>} : memref<1024xi32, #tpu.memory_space<vmem>>, vector<16xi32>,
    tpu.vector_store %arg17[%swap3A_403], %broadcast_in_dim3A_339 {strides = array<i32>} : memref<1024xi32, #tpu.memory_space<vmem>>, vector<16xi32>,
    %swap3A_405 = arith.constant 512 : index
    %swap3A_406 = tpu.vector_load %arg17[%swap3A_405] {strides = array<i32>} : memref<1024xi32, #tpu.memory_space<vmem>>, vector<16xi32>,
    tpu.vector_store %arg17[%swap3A_405], %broadcast_in_dim3A_339 {strides = array<i32>} : memref<1024xi32, #tpu.memory_space<vmem>>, vector<16xi32>,
    %swap3A_407 = arith.constant 528 : index
    %swap3A_408 = tpu.vector_load %arg17[%swap3A_407] {strides = array<i32>} : memref<1024xi32, #tpu.memory_space<vmem>>, vector<16xi32>,
    tpu.vector_store %arg17[%swap3A_407], %broadcast_in_dim3A_339 {strides = array<i32>} : memref<1024xi32, #tpu.memory_space<vmem>>, vector<16xi32>,
    %swap3A_409 = arith.constant 544 : index
    %swap3A_410 = tpu.vector_load %arg17[%swap3A_409] {strides = array<i32>} : memref<1024xi32, #tpu.memory_space<vmem>>, vector<16xi32>,
    tpu.vector_store %arg17[%swap3A_409], %broadcast_in_dim3A_339 {strides = array<i32>} : memref<1024xi32, #tpu.memory_space<vmem>>, vector<16xi32>,
    %swap3A_411 = arith.constant 560 : index
    %swap3A_412 = tpu.vector_load %arg17[%swap3A_411] {strides = array<i32>} : memref<1024xi32, #tpu.memory_space<vmem>>, vector<16xi32>,
    tpu.vector_store %arg17[%swap3A_411], %broadcast_in_dim3A_339 {strides = array<i32>} : memref<1024xi32, #tpu.memory_space<vmem>>, vector<16xi32>,
    %swap3A_413 = arith.constant 576 : index
    %swap3A_414 = tpu.vector_load %arg17[%swap3A_413] {strides = array<i32>} : memref<1024xi32, #tpu.memory_space<vmem>>, vector<16xi32>,
    tpu.vector_store %arg17[%swap3A_413], %broadcast_in_dim3A_339 {strides = array<i32>} : memref<1024xi32, #tpu.memory_space<vmem>>, vector<16xi32>,
    %swap3A_415 = arith.constant 592 : index
    %swap3A_416 = tpu.vector_load %arg17[%swap3A_415] {strides = array<i32>} : memref<1024xi32, #tpu.memory_space<vmem>>, vector<16xi32>,
    tpu.vector_store %arg17[%swap3A_415], %broadcast_in_dim3A_339 {strides = array<i32>} : memref<1024xi32, #tpu.memory_space<vmem>>, vector<16xi32>,
    %swap3A_417 = arith.constant 608 : index
    %swap3A_418 = tpu.vector_load %arg17[%swap3A_417] {strides = array<i32>} : memref<1024xi32, #tpu.memory_space<vmem>>, vector<16xi32>,
    tpu.vector_store %arg17[%swap3A_417], %broadcast_in_dim3A_339 {strides = array<i32>} : memref<1024xi32, #tpu.memory_space<vmem>>, vector<16xi32>,
    %swap3A_419 = arith.constant 624 : index
    %swap3A_420 = tpu.vector_load %arg17[%swap3A_419] {strides = array<i32>} : memref<1024xi32, #tpu.memory_space<vmem>>, vector<16xi32>,
    tpu.vector_store %arg17[%swap3A_419], %broadcast_in_dim3A_339 {strides = array<i32>} : memref<1024xi32, #tpu.memory_space<vmem>>, vector<16xi32>,
    %swap3A_421 = arith.constant 640 : index
    %swap3A_422 = tpu.vector_load %arg17[%swap3A_421] {strides = array<i32>} : memref<1024xi32, #tpu.memory_space<vmem>>, vector<16xi32>,
    tpu.vector_store %arg17[%swap3A_421], %broadcast_in_dim3A_339 {strides = array<i32>} : memref<1024xi32, #tpu.memory_space<vmem>>, vector<16xi32>,
    %swap3A_423 = arith.constant 656 : index
    %swap3A_424 = tpu.vector_load %arg17[%swap3A_423] {strides = array<i32>} : memref<1024xi32, #tpu.memory_space<vmem>>, vector<16xi32>,
    tpu.vector_store %arg17[%swap3A_423], %broadcast_in_dim3A_339 {strides = array<i32>} : memref<1024xi32, #tpu.memory_space<vmem>>, vector<16xi32>,
    %swap3A_425 = arith.constant 672 : index
    %swap3A_426 = tpu.vector_load %arg17[%swap3A_425] {strides = array<i32>} : memref<1024xi32, #tpu.memory_space<vmem>>, vector<16xi32>,
    tpu.vector_store %arg17[%swap3A_425], %broadcast_in_dim3A_339 {strides = array<i32>} : memref<1024xi32, #tpu.memory_space<vmem>>, vector<16xi32>,
    %swap3A_427 = arith.constant 688 : index
    %swap3A_428 = tpu.vector_load %arg17[%swap3A_427] {strides = array<i32>} : memref<1024xi32, #tpu.memory_space<vmem>>, vector<16xi32>,
    tpu.vector_store %arg17[%swap3A_427], %broadcast_in_dim3A_339 {strides = array<i32>} : memref<1024xi32, #tpu.memory_space<vmem>>, vector<16xi32>,
    %swap3A_429 = arith.constant 704 : index
    %swap3A_430 = tpu.vector_load %arg17[%swap3A_429] {strides = array<i32>} : memref<1024xi32, #tpu.memory_space<vmem>>, vector<16xi32>,
    tpu.vector_store %arg17[%swap3A_429], %broadcast_in_dim3A_339 {strides = array<i32>} : memref<1024xi32, #tpu.memory_space<vmem>>, vector<16xi32>,
    %swap3A_431 = arith.constant 720 : index
    %swap3A_432 = tpu.vector_load %arg17[%swap3A_431] {strides = array<i32>} : memref<1024xi32, #tpu.memory_space<vmem>>, vector<16xi32>,
    tpu.vector_store %arg17[%swap3A_431], %broadcast_in_dim3A_339 {strides = array<i32>} : memref<1024xi32, #tpu.memory_space<vmem>>, vector<16xi32>,
    %swap3A_433 = arith.constant 736 : index
    %swap3A_434 = tpu.vector_load %arg17[%swap3A_433] {strides = array<i32>} : memref<1024xi32, #tpu.memory_space<vmem>>, vector<16xi32>,
    tpu.vector_store %arg17[%swap3A_433], %broadcast_in_dim3A_339 {strides = array<i32>} : memref<1024xi32, #tpu.memory_space<vmem>>, vector<16xi32>,
    %swap3A_435 = arith.constant 752 : index
    %swap3A_436 = tpu.vector_load %arg17[%swap3A_435] {strides = array<i32>} : memref<1024xi32, #tpu.memory_space<vmem>>, vector<16xi32>,
    tpu.vector_store %arg17[%swap3A_435], %broadcast_in_dim3A_339 {strides = array<i32>} : memref<1024xi32, #tpu.memory_space<vmem>>, vector<16xi32>,
    %swap3A_437 = arith.constant 768 : index
    %swap3A_438 = tpu.vector_load %arg17[%swap3A_437] {strides = array<i32>} : memref<1024xi32, #tpu.memory_space<vmem>>, vector<16xi32>,
    tpu.vector_store %arg17[%swap3A_437], %broadcast_in_dim3A_339 {strides = array<i32>} : memref<1024xi32, #tpu.memory_space<vmem>>, vector<16xi32>,
    %swap3A_439 = arith.constant 784 : index
    %swap3A_440 = tpu.vector_load %arg17[%swap3A_439] {strides = array<i32>} : memref<1024xi32, #tpu.memory_space<vmem>>, vector<16xi32>,
    tpu.vector_store %arg17[%swap3A_439], %broadcast_in_dim3A_339 {strides = array<i32>} : memref<1024xi32, #tpu.memory_space<vmem>>, vector<16xi32>,
    %swap3A_441 = arith.constant 800 : index
    %swap3A_442 = tpu.vector_load %arg17[%swap3A_441] {strides = array<i32>} : memref<1024xi32, #tpu.memory_space<vmem>>, vector<16xi32>,
    tpu.vector_store %arg17[%swap3A_441], %broadcast_in_dim3A_339 {strides = array<i32>} : memref<1024xi32, #tpu.memory_space<vmem>>, vector<16xi32>,
    %swap3A_443 = arith.constant 816 : index
    %swap3A_444 = tpu.vector_load %arg17[%swap3A_443] {strides = array<i32>} : memref<1024xi32, #tpu.memory_space<vmem>>, vector<16xi32>,
    tpu.vector_store %arg17[%swap3A_443], %broadcast_in_dim3A_339 {strides = array<i32>} : memref<1024xi32, #tpu.memory_space<vmem>>, vector<16xi32>,
    %swap3A_445 = arith.constant 832 : index
    %swap3A_446 = tpu.vector_load %arg17[%swap3A_445] {strides = array<i32>} : memref<1024xi32, #tpu.memory_space<vmem>>, vector<16xi32>,
    tpu.vector_store %arg17[%swap3A_445], %broadcast_in_dim3A_339 {strides = array<i32>} : memref<1024xi32, #tpu.memory_space<vmem>>, vector<16xi32>,
    %swap3A_447 = arith.constant 848 : index
    %swap3A_448 = tpu.vector_load %arg17[%swap3A_447] {strides = array<i32>} : memref<1024xi32, #tpu.memory_space<vmem>>, vector<16xi32>,
    tpu.vector_store %arg17[%swap3A_447], %broadcast_in_dim3A_339 {strides = array<i32>} : memref<1024xi32, #tpu.memory_space<vmem>>, vector<16xi32>,
    %swap3A_449 = arith.constant 864 : index
    %swap3A_450 = tpu.vector_load %arg17[%swap3A_449] {strides = array<i32>} : memref<1024xi32, #tpu.memory_space<vmem>>, vector<16xi32>,
    tpu.vector_store %arg17[%swap3A_449], %broadcast_in_dim3A_339 {strides = array<i32>} : memref<1024xi32, #tpu.memory_space<vmem>>, vector<16xi32>,
    %swap3A_451 = arith.constant 880 : index
    %swap3A_452 = tpu.vector_load %arg17[%swap3A_451] {strides = array<i32>} : memref<1024xi32, #tpu.memory_space<vmem>>, vector<16xi32>,
    tpu.vector_store %arg17[%swap3A_451], %broadcast_in_dim3A_339 {strides = array<i32>} : memref<1024xi32, #tpu.memory_space<vmem>>, vector<16xi32>,
    %swap3A_453 = arith.constant 896 : index
    %swap3A_454 = tpu.vector_load %arg17[%swap3A_453] {strides = array<i32>} : memref<1024xi32, #tpu.memory_space<vmem>>, vector<16xi32>,
    tpu.vector_store %arg17[%swap3A_453], %broadcast_in_dim3A_339 {strides = array<i32>} : memref<1024xi32, #tpu.memory_space<vmem>>, vector<16xi32>,
    %swap3A_455 = arith.constant 912 : index
    %swap3A_456 = tpu.vector_load %arg17[%swap3A_455] {strides = array<i32>} : memref<1024xi32, #tpu.memory_space<vmem>>, vector<16xi32>,
    tpu.vector_store %arg17[%swap3A_455], %broadcast_in_dim3A_339 {strides = array<i32>} : memref<1024xi32, #tpu.memory_space<vmem>>, vector<16xi32>,
    %swap3A_457 = arith.constant 928 : index
    %swap3A_458 = tpu.vector_load %arg17[%swap3A_457] {strides = array<i32>} : memref<1024xi32, #tpu.memory_space<vmem>>, vector<16xi32>,
    tpu.vector_store %arg17[%swap3A_457], %broadcast_in_dim3A_339 {strides = array<i32>} : memref<1024xi32, #tpu.memory_space<vmem>>, vector<16xi32>,
    %swap3A_459 = arith.constant 944 : index
    %swap3A_460 = tpu.vector_load %arg17[%swap3A_459] {strides = array<i32>} : memref<1024xi32, #tpu.memory_space<vmem>>, vector<16xi32>,
    tpu.vector_store %arg17[%swap3A_459], %broadcast_in_dim3A_339 {strides = array<i32>} : memref<1024xi32, #tpu.memory_space<vmem>>, vector<16xi32>,
    %swap3A_461 = arith.constant 960 : index
    %swap3A_462 = tpu.vector_load %arg17[%swap3A_461] {strides = array<i32>} : memref<1024xi32, #tpu.memory_space<vmem>>, vector<16xi32>,
    tpu.vector_store %arg17[%swap3A_461], %broadcast_in_dim3A_339 {strides = array<i32>} : memref<1024xi32, #tpu.memory_space<vmem>>, vector<16xi32>,
    %swap3A_463 = arith.constant 976 : index
    %swap3A_464 = tpu.vector_load %arg17[%swap3A_463] {strides = array<i32>} : memref<1024xi32, #tpu.memory_space<vmem>>, vector<16xi32>,
    tpu.vector_store %arg17[%swap3A_463], %broadcast_in_dim3A_339 {strides = array<i32>} : memref<1024xi32, #tpu.memory_space<vmem>>, vector<16xi32>,
    %swap3A_465 = arith.constant 992 : index
    %swap3A_466 = tpu.vector_load %arg17[%swap3A_465] {strides = array<i32>} : memref<1024xi32, #tpu.memory_space<vmem>>, vector<16xi32>,
    tpu.vector_store %arg17[%swap3A_465], %broadcast_in_dim3A_339 {strides = array<i32>} : memref<1024xi32, #tpu.memory_space<vmem>>, vector<16xi32>,
    %swap3A_467 = arith.constant 1008 : index
    %swap3A_468 = tpu.vector_load %arg17[%swap3A_467] {strides = array<i32>} : memref<1024xi32, #tpu.memory_space<vmem>>, vector<16xi32>,
    tpu.vector_store %arg17[%swap3A_467], %broadcast_in_dim3A_339 {strides = array<i32>} : memref<1024xi32, #tpu.memory_space<vmem>>, vector<16xi32>,
    %scan3A_469 = arith.constant 0 : i32
    %scan3A_470 = arith.constant 1024 : i32
    %scan3A_471 = arith.addi %scan3A_469, %scan3A_470 : i32
    %scan3A_472 = arith.constant 8 : i32
    %scan3A_473 = scf.for %scan3A_509 = %scan3A_469 to %scan3A_471 step %scan3A_472 iter_args(%scan3A_510 = %broadcast_in_dim3A_339) -> (vector<16xi32>)  : i32 {
      %mul3A_511 = arith.constant 16 : i32
      %mul3A_512 = arith.muli %scan3A_509, %mul3A_511 : i32
      %get3A = arith.index_cast %mul3A_512 : i32 to index
      %get3A_513 = tpu.vector_load %arg11[%get3A] {strides = array<i32>} : memref<16384xi32, #tpu.memory_space<vmem>>, vector<16xi32>,
      %shift_right_logical3A_514 = arith.constant 9 : i32
      %shift_right_logical3A_515 = vector.broadcast %shift_right_logical3A_514 : i32 to vector<16xi32>
      %shift_right_logical3A_516 = arith.shrui %get3A_513, %shift_right_logical3A_515 : vector<16xi32>
      %and3A = arith.constant 31 : i32
      %and3A_517 = vector.broadcast %and3A : i32 to vector<16xi32>
      %and3A_518 = arith.andi %shift_right_logical3A_516, %and3A_517 : vector<16xi32>
      %eq3A_519 = vector.broadcast %add3A : i32 to vector<16xi32>
      %eq3A_520 = arith.cmpi eq, %and3A_518, %eq3A_519 : vector<16xi32>
      %sub3A_521 = vector.broadcast %add3A : i32 to vector<16xi32>
      %sub3A_522 = arith.subi %shift_right_logical3A_516, %sub3A_521 : vector<16xi32>
      %shift_right_logical3A_523 = arith.constant 5 : i32
      %shift_right_logical3A_524 = vector.broadcast %shift_right_logical3A_523 : i32 to vector<16xi32>
      %shift_right_logical3A_525 = arith.shrui %sub3A_522, %shift_right_logical3A_524 : vector<16xi32>
      %shift_left3A = arith.constant 23 : i32
      %shift_left3A_526 = vector.broadcast %shift_left3A : i32 to vector<16xi32>
      %shift_left3A_527 = arith.shli %shift_right_logical3A_525, %shift_left3A_526 : vector<16xi32>
      %and3A_528 = arith.constant 511 : i32
      %and3A_529 = vector.broadcast %and3A_528 : i32 to vector<16xi32>
      %and3A_530 = arith.andi %get3A_513, %and3A_529 : vector<16xi32>
      %shift_left3A_531 = arith.constant 14 : i32
      %shift_left3A_532 = vector.broadcast %shift_left3A_531 : i32 to vector<16xi32>
      %shift_left3A_533 = arith.shli %and3A_530, %shift_left3A_532 : vector<16xi32>
      %or3A = arith.ori %shift_left3A_527, %shift_left3A_533 : vector<16xi32>
      %mul3A_534 = arith.constant 16 : i32
      %mul3A_535 = arith.muli %scan3A_509, %mul3A_534 : i32
      %add3A_536 = vector.broadcast %mul3A_535 : i32 to vector<16xi32>
      %add3A_537 = arith.addi %iota3A_340, %add3A_536 : vector<16xi32>
      %or3A_538 = arith.ori %or3A, %add3A_537 : vector<16xi32>
      %max3A = arith.constant 0 : i32
      %max3A_539 = vector.broadcast %max3A : i32 to vector<16xi32>
      %max3A_540 = arith.maxsi %shift_right_logical3A_525, %max3A_539 : vector<16xi32>
      %min3A = arith.constant 63 : i32
      %min3A_541 = vector.broadcast %min3A : i32 to vector<16xi32>
      %min3A_542 = arith.minsi %max3A_540, %min3A_541 : vector<16xi32>
      %mul3A_543 = arith.constant 16 : i32
      %mul3A_544 = vector.broadcast %mul3A_543 : i32 to vector<16xi32>
      %mul3A_545 = arith.muli %min3A_542, %mul3A_544 : vector<16xi32>
      %add3A_546 = arith.addi %mul3A_545, %iota3A_340 : vector<16xi32>
      %gather3A = tpu.vector_load_idx %arg17[%add3A_546] : memref<1024xi32, #tpu.memory_space<vmem>>[vector<16xi32>], vector<16xi32>,
      %lt3A = arith.constant 8 : i32
      %lt3A_547 = vector.broadcast %lt3A : i32 to vector<16xi32>
      %lt3A_548 = arith.cmpi slt, %gather3A, %lt3A_547 : vector<16xi32>
      %mul3A_549 = arith.constant 8 : i32
      %mul3A_550 = vector.broadcast %mul3A_549 : i32 to vector<16xi32>
      %mul3A_551 = arith.muli %add3A_546, %mul3A_550 : vector<16xi32>
      %min3A_552 = arith.constant 7 : i32
      %min3A_553 = vector.broadcast %min3A_552 : i32 to vector<16xi32>
      %min3A_554 = arith.minsi %gather3A, %min3A_553 : vector<16xi32>
      %add3A_555 = arith.addi %mul3A_551, %min3A_554 : vector<16xi32>
      %and3A_556 = arith.andi %eq3A_520, %lt3A_548 : vector<16xi1>
      tpu.vector_store_idx %arg16[%add3A_555], %or3A_538 masked %and3A_556 : memref<8192xi32, #tpu.memory_space<vmem>>[vector<16xi32>], vector<16xi32>, vector<16xi1>
      %add3A_557 = arith.constant 1 : i32
      %add3A_558 = vector.broadcast %add3A_557 : i32 to vector<16xi32>
      %add3A_559 = arith.addi %gather3A, %add3A_558 : vector<16xi32>
      tpu.vector_store_idx %arg17[%add3A_546], %add3A_559 masked %eq3A_520 : memref<1024xi32, #tpu.memory_space<vmem>>[vector<16xi32>], vector<16xi32>, vector<16xi1>
      %not3A = arith.constant dense<true> : vector<16xi1>
      %not3A_560 = arith.xori %lt3A_548, %not3A : vector<16xi1>
      %and3A_561 = arith.andi %eq3A_520, %not3A_560 : vector<16xi1>
      %jit3A = arith.constant 1 : i32
      %jit3A_562 = arith.constant 0 : i32
      %broadcast_in_dim3A_563 = vector.broadcast %jit3A : i32 to vector<16xi32>
      %broadcast_in_dim3A_564 = vector.broadcast %jit3A_562 : i32 to vector<16xi32>
      %select_n3A = arith.select %and3A_561, %broadcast_in_dim3A_563, %broadcast_in_dim3A_564 : vector<16xi1>, vector<16xi32>
      %add3A_565 = arith.addi %scan3A_510, %select_n3A : vector<16xi32>
      %scan3A_566 = arith.constant 1 : i32
      %scan3A_567 = arith.addi %scan3A_509, %scan3A_566 : i32
      %mul3A_568 = arith.constant 16 : i32
      %mul3A_569 = arith.muli %scan3A_567, %mul3A_568 : i32
      %get3A_570 = arith.index_cast %mul3A_569 : i32 to index
      %get3A_571 = tpu.vector_load %arg11[%get3A_570] {strides = array<i32>} : memref<16384xi32, #tpu.memory_space<vmem>>, vector<16xi32>,
      %shift_right_logical3A_572 = arith.constant 9 : i32
      %shift_right_logical3A_573 = vector.broadcast %shift_right_logical3A_572 : i32 to vector<16xi32>
      %shift_right_logical3A_574 = arith.shrui %get3A_571, %shift_right_logical3A_573 : vector<16xi32>
      %and3A_575 = arith.constant 31 : i32
      %and3A_576 = vector.broadcast %and3A_575 : i32 to vector<16xi32>
      %and3A_577 = arith.andi %shift_right_logical3A_574, %and3A_576 : vector<16xi32>
      %eq3A_578 = vector.broadcast %add3A : i32 to vector<16xi32>
      %eq3A_579 = arith.cmpi eq, %and3A_577, %eq3A_578 : vector<16xi32>
      %sub3A_580 = vector.broadcast %add3A : i32 to vector<16xi32>
      %sub3A_581 = arith.subi %shift_right_logical3A_574, %sub3A_580 : vector<16xi32>
      %shift_right_logical3A_582 = arith.constant 5 : i32
      %shift_right_logical3A_583 = vector.broadcast %shift_right_logical3A_582 : i32 to vector<16xi32>
      %shift_right_logical3A_584 = arith.shrui %sub3A_581, %shift_right_logical3A_583 : vector<16xi32>
      %shift_left3A_585 = arith.constant 23 : i32
      %shift_left3A_586 = vector.broadcast %shift_left3A_585 : i32 to vector<16xi32>
      %shift_left3A_587 = arith.shli %shift_right_logical3A_584, %shift_left3A_586 : vector<16xi32>
      %and3A_588 = arith.constant 511 : i32
      %and3A_589 = vector.broadcast %and3A_588 : i32 to vector<16xi32>
      %and3A_590 = arith.andi %get3A_571, %and3A_589 : vector<16xi32>
      %shift_left3A_591 = arith.constant 14 : i32
      %shift_left3A_592 = vector.broadcast %shift_left3A_591 : i32 to vector<16xi32>
      %shift_left3A_593 = arith.shli %and3A_590, %shift_left3A_592 : vector<16xi32>
      %or3A_594 = arith.ori %shift_left3A_587, %shift_left3A_593 : vector<16xi32>
      %mul3A_595 = arith.constant 16 : i32
      %mul3A_596 = arith.muli %scan3A_567, %mul3A_595 : i32
      %add3A_597 = vector.broadcast %mul3A_596 : i32 to vector<16xi32>
      %add3A_598 = arith.addi %iota3A_340, %add3A_597 : vector<16xi32>
      %or3A_599 = arith.ori %or3A_594, %add3A_598 : vector<16xi32>
      %max3A_600 = arith.constant 0 : i32
      %max3A_601 = vector.broadcast %max3A_600 : i32 to vector<16xi32>
      %max3A_602 = arith.maxsi %shift_right_logical3A_584, %max3A_601 : vector<16xi32>
      %min3A_603 = arith.constant 63 : i32
      %min3A_604 = vector.broadcast %min3A_603 : i32 to vector<16xi32>
      %min3A_605 = arith.minsi %max3A_602, %min3A_604 : vector<16xi32>
      %mul3A_606 = arith.constant 16 : i32
      %mul3A_607 = vector.broadcast %mul3A_606 : i32 to vector<16xi32>
      %mul3A_608 = arith.muli %min3A_605, %mul3A_607 : vector<16xi32>
      %add3A_609 = arith.addi %mul3A_608, %iota3A_340 : vector<16xi32>
      %gather3A_610 = tpu.vector_load_idx %arg17[%add3A_609] : memref<1024xi32, #tpu.memory_space<vmem>>[vector<16xi32>], vector<16xi32>,
      %lt3A_611 = arith.constant 8 : i32
      %lt3A_612 = vector.broadcast %lt3A_611 : i32 to vector<16xi32>
      %lt3A_613 = arith.cmpi slt, %gather3A_610, %lt3A_612 : vector<16xi32>
      %mul3A_614 = arith.constant 8 : i32
      %mul3A_615 = vector.broadcast %mul3A_614 : i32 to vector<16xi32>
      %mul3A_616 = arith.muli %add3A_609, %mul3A_615 : vector<16xi32>
      %min3A_617 = arith.constant 7 : i32
      %min3A_618 = vector.broadcast %min3A_617 : i32 to vector<16xi32>
      %min3A_619 = arith.minsi %gather3A_610, %min3A_618 : vector<16xi32>
      %add3A_620 = arith.addi %mul3A_616, %min3A_619 : vector<16xi32>
      %and3A_621 = arith.andi %eq3A_579, %lt3A_613 : vector<16xi1>
      tpu.vector_store_idx %arg16[%add3A_620], %or3A_599 masked %and3A_621 : memref<8192xi32, #tpu.memory_space<vmem>>[vector<16xi32>], vector<16xi32>, vector<16xi1>
      %add3A_622 = arith.constant 1 : i32
      %add3A_623 = vector.broadcast %add3A_622 : i32 to vector<16xi32>
      %add3A_624 = arith.addi %gather3A_610, %add3A_623 : vector<16xi32>
      tpu.vector_store_idx %arg17[%add3A_609], %add3A_624 masked %eq3A_579 : memref<1024xi32, #tpu.memory_space<vmem>>[vector<16xi32>], vector<16xi32>, vector<16xi1>
      %not3A_625 = arith.constant dense<true> : vector<16xi1>
      %not3A_626 = arith.xori %lt3A_613, %not3A_625 : vector<16xi1>
      %and3A_627 = arith.andi %eq3A_579, %not3A_626 : vector<16xi1>
      %jit3A_628 = arith.constant 1 : i32
      %jit3A_629 = arith.constant 0 : i32
      %broadcast_in_dim3A_630 = vector.broadcast %jit3A_628 : i32 to vector<16xi32>
      %broadcast_in_dim3A_631 = vector.broadcast %jit3A_629 : i32 to vector<16xi32>
      %select_n3A_632 = arith.select %and3A_627, %broadcast_in_dim3A_630, %broadcast_in_dim3A_631 : vector<16xi1>, vector<16xi32>
      %add3A_633 = arith.addi %add3A_565, %select_n3A_632 : vector<16xi32>
      %scan3A_634 = arith.constant 2 : i32
      %scan3A_635 = arith.addi %scan3A_509, %scan3A_634 : i32
      %mul3A_636 = arith.constant 16 : i32
      %mul3A_637 = arith.muli %scan3A_635, %mul3A_636 : i32
      %get3A_638 = arith.index_cast %mul3A_637 : i32 to index
      %get3A_639 = tpu.vector_load %arg11[%get3A_638] {strides = array<i32>} : memref<16384xi32, #tpu.memory_space<vmem>>, vector<16xi32>,
      %shift_right_logical3A_640 = arith.constant 9 : i32
      %shift_right_logical3A_641 = vector.broadcast %shift_right_logical3A_640 : i32 to vector<16xi32>
      %shift_right_logical3A_642 = arith.shrui %get3A_639, %shift_right_logical3A_641 : vector<16xi32>
      %and3A_643 = arith.constant 31 : i32
      %and3A_644 = vector.broadcast %and3A_643 : i32 to vector<16xi32>
      %and3A_645 = arith.andi %shift_right_logical3A_642, %and3A_644 : vector<16xi32>
      %eq3A_646 = vector.broadcast %add3A : i32 to vector<16xi32>
      %eq3A_647 = arith.cmpi eq, %and3A_645, %eq3A_646 : vector<16xi32>
      %sub3A_648 = vector.broadcast %add3A : i32 to vector<16xi32>
      %sub3A_649 = arith.subi %shift_right_logical3A_642, %sub3A_648 : vector<16xi32>
      %shift_right_logical3A_650 = arith.constant 5 : i32
      %shift_right_logical3A_651 = vector.broadcast %shift_right_logical3A_650 : i32 to vector<16xi32>
      %shift_right_logical3A_652 = arith.shrui %sub3A_649, %shift_right_logical3A_651 : vector<16xi32>
      %shift_left3A_653 = arith.constant 23 : i32
      %shift_left3A_654 = vector.broadcast %shift_left3A_653 : i32 to vector<16xi32>
      %shift_left3A_655 = arith.shli %shift_right_logical3A_652, %shift_left3A_654 : vector<16xi32>
      %and3A_656 = arith.constant 511 : i32
      %and3A_657 = vector.broadcast %and3A_656 : i32 to vector<16xi32>
      %and3A_658 = arith.andi %get3A_639, %and3A_657 : vector<16xi32>
      %shift_left3A_659 = arith.constant 14 : i32
      %shift_left3A_660 = vector.broadcast %shift_left3A_659 : i32 to vector<16xi32>
      %shift_left3A_661 = arith.shli %and3A_658, %shift_left3A_660 : vector<16xi32>
      %or3A_662 = arith.ori %shift_left3A_655, %shift_left3A_661 : vector<16xi32>
      %mul3A_663 = arith.constant 16 : i32
      %mul3A_664 = arith.muli %scan3A_635, %mul3A_663 : i32
      %add3A_665 = vector.broadcast %mul3A_664 : i32 to vector<16xi32>
      %add3A_666 = arith.addi %iota3A_340, %add3A_665 : vector<16xi32>
      %or3A_667 = arith.ori %or3A_662, %add3A_666 : vector<16xi32>
      %max3A_668 = arith.constant 0 : i32
      %max3A_669 = vector.broadcast %max3A_668 : i32 to vector<16xi32>
      %max3A_670 = arith.maxsi %shift_right_logical3A_652, %max3A_669 : vector<16xi32>
      %min3A_671 = arith.constant 63 : i32
      %min3A_672 = vector.broadcast %min3A_671 : i32 to vector<16xi32>
      %min3A_673 = arith.minsi %max3A_670, %min3A_672 : vector<16xi32>
      %mul3A_674 = arith.constant 16 : i32
      %mul3A_675 = vector.broadcast %mul3A_674 : i32 to vector<16xi32>
      %mul3A_676 = arith.muli %min3A_673, %mul3A_675 : vector<16xi32>
      %add3A_677 = arith.addi %mul3A_676, %iota3A_340 : vector<16xi32>
      %gather3A_678 = tpu.vector_load_idx %arg17[%add3A_677] : memref<1024xi32, #tpu.memory_space<vmem>>[vector<16xi32>], vector<16xi32>,
      %lt3A_679 = arith.constant 8 : i32
      %lt3A_680 = vector.broadcast %lt3A_679 : i32 to vector<16xi32>
      %lt3A_681 = arith.cmpi slt, %gather3A_678, %lt3A_680 : vector<16xi32>
      %mul3A_682 = arith.constant 8 : i32
      %mul3A_683 = vector.broadcast %mul3A_682 : i32 to vector<16xi32>
      %mul3A_684 = arith.muli %add3A_677, %mul3A_683 : vector<16xi32>
      %min3A_685 = arith.constant 7 : i32
      %min3A_686 = vector.broadcast %min3A_685 : i32 to vector<16xi32>
      %min3A_687 = arith.minsi %gather3A_678, %min3A_686 : vector<16xi32>
      %add3A_688 = arith.addi %mul3A_684, %min3A_687 : vector<16xi32>
      %and3A_689 = arith.andi %eq3A_647, %lt3A_681 : vector<16xi1>
      tpu.vector_store_idx %arg16[%add3A_688], %or3A_667 masked %and3A_689 : memref<8192xi32, #tpu.memory_space<vmem>>[vector<16xi32>], vector<16xi32>, vector<16xi1>
      %add3A_690 = arith.constant 1 : i32
      %add3A_691 = vector.broadcast %add3A_690 : i32 to vector<16xi32>
      %add3A_692 = arith.addi %gather3A_678, %add3A_691 : vector<16xi32>
      tpu.vector_store_idx %arg17[%add3A_677], %add3A_692 masked %eq3A_647 : memref<1024xi32, #tpu.memory_space<vmem>>[vector<16xi32>], vector<16xi32>, vector<16xi1>
      %not3A_693 = arith.constant dense<true> : vector<16xi1>
      %not3A_694 = arith.xori %lt3A_681, %not3A_693 : vector<16xi1>
      %and3A_695 = arith.andi %eq3A_647, %not3A_694 : vector<16xi1>
      %jit3A_696 = arith.constant 1 : i32
      %jit3A_697 = arith.constant 0 : i32
      %broadcast_in_dim3A_698 = vector.broadcast %jit3A_696 : i32 to vector<16xi32>
      %broadcast_in_dim3A_699 = vector.broadcast %jit3A_697 : i32 to vector<16xi32>
      %select_n3A_700 = arith.select %and3A_695, %broadcast_in_dim3A_698, %broadcast_in_dim3A_699 : vector<16xi1>, vector<16xi32>
      %add3A_701 = arith.addi %add3A_633, %select_n3A_700 : vector<16xi32>
      %scan3A_702 = arith.constant 3 : i32
      %scan3A_703 = arith.addi %scan3A_509, %scan3A_702 : i32
      %mul3A_704 = arith.constant 16 : i32
      %mul3A_705 = arith.muli %scan3A_703, %mul3A_704 : i32
      %get3A_706 = arith.index_cast %mul3A_705 : i32 to index
      %get3A_707 = tpu.vector_load %arg11[%get3A_706] {strides = array<i32>} : memref<16384xi32, #tpu.memory_space<vmem>>, vector<16xi32>,
      %shift_right_logical3A_708 = arith.constant 9 : i32
      %shift_right_logical3A_709 = vector.broadcast %shift_right_logical3A_708 : i32 to vector<16xi32>
      %shift_right_logical3A_710 = arith.shrui %get3A_707, %shift_right_logical3A_709 : vector<16xi32>
      %and3A_711 = arith.constant 31 : i32
      %and3A_712 = vector.broadcast %and3A_711 : i32 to vector<16xi32>
      %and3A_713 = arith.andi %shift_right_logical3A_710, %and3A_712 : vector<16xi32>
      %eq3A_714 = vector.broadcast %add3A : i32 to vector<16xi32>
      %eq3A_715 = arith.cmpi eq, %and3A_713, %eq3A_714 : vector<16xi32>
      %sub3A_716 = vector.broadcast %add3A : i32 to vector<16xi32>
      %sub3A_717 = arith.subi %shift_right_logical3A_710, %sub3A_716 : vector<16xi32>
      %shift_right_logical3A_718 = arith.constant 5 : i32
      %shift_right_logical3A_719 = vector.broadcast %shift_right_logical3A_718 : i32 to vector<16xi32>
      %shift_right_logical3A_720 = arith.shrui %sub3A_717, %shift_right_logical3A_719 : vector<16xi32>
      %shift_left3A_721 = arith.constant 23 : i32
      %shift_left3A_722 = vector.broadcast %shift_left3A_721 : i32 to vector<16xi32>
      %shift_left3A_723 = arith.shli %shift_right_logical3A_720, %shift_left3A_722 : vector<16xi32>
      %and3A_724 = arith.constant 511 : i32
      %and3A_725 = vector.broadcast %and3A_724 : i32 to vector<16xi32>
      %and3A_726 = arith.andi %get3A_707, %and3A_725 : vector<16xi32>
      %shift_left3A_727 = arith.constant 14 : i32
      %shift_left3A_728 = vector.broadcast %shift_left3A_727 : i32 to vector<16xi32>
      %shift_left3A_729 = arith.shli %and3A_726, %shift_left3A_728 : vector<16xi32>
      %or3A_730 = arith.ori %shift_left3A_723, %shift_left3A_729 : vector<16xi32>
      %mul3A_731 = arith.constant 16 : i32
      %mul3A_732 = arith.muli %scan3A_703, %mul3A_731 : i32
      %add3A_733 = vector.broadcast %mul3A_732 : i32 to vector<16xi32>
      %add3A_734 = arith.addi %iota3A_340, %add3A_733 : vector<16xi32>
      %or3A_735 = arith.ori %or3A_730, %add3A_734 : vector<16xi32>
      %max3A_736 = arith.constant 0 : i32
      %max3A_737 = vector.broadcast %max3A_736 : i32 to vector<16xi32>
      %max3A_738 = arith.maxsi %shift_right_logical3A_720, %max3A_737 : vector<16xi32>
      %min3A_739 = arith.constant 63 : i32
      %min3A_740 = vector.broadcast %min3A_739 : i32 to vector<16xi32>
      %min3A_741 = arith.minsi %max3A_738, %min3A_740 : vector<16xi32>
      %mul3A_742 = arith.constant 16 : i32
      %mul3A_743 = vector.broadcast %mul3A_742 : i32 to vector<16xi32>
      %mul3A_744 = arith.muli %min3A_741, %mul3A_743 : vector<16xi32>
      %add3A_745 = arith.addi %mul3A_744, %iota3A_340 : vector<16xi32>
      %gather3A_746 = tpu.vector_load_idx %arg17[%add3A_745] : memref<1024xi32, #tpu.memory_space<vmem>>[vector<16xi32>], vector<16xi32>,
      %lt3A_747 = arith.constant 8 : i32
      %lt3A_748 = vector.broadcast %lt3A_747 : i32 to vector<16xi32>
      %lt3A_749 = arith.cmpi slt, %gather3A_746, %lt3A_748 : vector<16xi32>
      %mul3A_750 = arith.constant 8 : i32
      %mul3A_751 = vector.broadcast %mul3A_750 : i32 to vector<16xi32>
      %mul3A_752 = arith.muli %add3A_745, %mul3A_751 : vector<16xi32>
      %min3A_753 = arith.constant 7 : i32
      %min3A_754 = vector.broadcast %min3A_753 : i32 to vector<16xi32>
      %min3A_755 = arith.minsi %gather3A_746, %min3A_754 : vector<16xi32>
      %add3A_756 = arith.addi %mul3A_752, %min3A_755 : vector<16xi32>
      %and3A_757 = arith.andi %eq3A_715, %lt3A_749 : vector<16xi1>
      tpu.vector_store_idx %arg16[%add3A_756], %or3A_735 masked %and3A_757 : memref<8192xi32, #tpu.memory_space<vmem>>[vector<16xi32>], vector<16xi32>, vector<16xi1>
      %add3A_758 = arith.constant 1 : i32
      %add3A_759 = vector.broadcast %add3A_758 : i32 to vector<16xi32>
      %add3A_760 = arith.addi %gather3A_746, %add3A_759 : vector<16xi32>
      tpu.vector_store_idx %arg17[%add3A_745], %add3A_760 masked %eq3A_715 : memref<1024xi32, #tpu.memory_space<vmem>>[vector<16xi32>], vector<16xi32>, vector<16xi1>
      %not3A_761 = arith.constant dense<true> : vector<16xi1>
      %not3A_762 = arith.xori %lt3A_749, %not3A_761 : vector<16xi1>
      %and3A_763 = arith.andi %eq3A_715, %not3A_762 : vector<16xi1>
      %jit3A_764 = arith.constant 1 : i32
      %jit3A_765 = arith.constant 0 : i32
      %broadcast_in_dim3A_766 = vector.broadcast %jit3A_764 : i32 to vector<16xi32>
      %broadcast_in_dim3A_767 = vector.broadcast %jit3A_765 : i32 to vector<16xi32>
      %select_n3A_768 = arith.select %and3A_763, %broadcast_in_dim3A_766, %broadcast_in_dim3A_767 : vector<16xi1>, vector<16xi32>
      %add3A_769 = arith.addi %add3A_701, %select_n3A_768 : vector<16xi32>
      %scan3A_770 = arith.constant 4 : i32
      %scan3A_771 = arith.addi %scan3A_509, %scan3A_770 : i32
      %mul3A_772 = arith.constant 16 : i32
      %mul3A_773 = arith.muli %scan3A_771, %mul3A_772 : i32
      %get3A_774 = arith.index_cast %mul3A_773 : i32 to index
      %get3A_775 = tpu.vector_load %arg11[%get3A_774] {strides = array<i32>} : memref<16384xi32, #tpu.memory_space<vmem>>, vector<16xi32>,
      %shift_right_logical3A_776 = arith.constant 9 : i32
      %shift_right_logical3A_777 = vector.broadcast %shift_right_logical3A_776 : i32 to vector<16xi32>
      %shift_right_logical3A_778 = arith.shrui %get3A_775, %shift_right_logical3A_777 : vector<16xi32>
      %and3A_779 = arith.constant 31 : i32
      %and3A_780 = vector.broadcast %and3A_779 : i32 to vector<16xi32>
      %and3A_781 = arith.andi %shift_right_logical3A_778, %and3A_780 : vector<16xi32>
      %eq3A_782 = vector.broadcast %add3A : i32 to vector<16xi32>
      %eq3A_783 = arith.cmpi eq, %and3A_781, %eq3A_782 : vector<16xi32>
      %sub3A_784 = vector.broadcast %add3A : i32 to vector<16xi32>
      %sub3A_785 = arith.subi %shift_right_logical3A_778, %sub3A_784 : vector<16xi32>
      %shift_right_logical3A_786 = arith.constant 5 : i32
      %shift_right_logical3A_787 = vector.broadcast %shift_right_logical3A_786 : i32 to vector<16xi32>
      %shift_right_logical3A_788 = arith.shrui %sub3A_785, %shift_right_logical3A_787 : vector<16xi32>
      %shift_left3A_789 = arith.constant 23 : i32
      %shift_left3A_790 = vector.broadcast %shift_left3A_789 : i32 to vector<16xi32>
      %shift_left3A_791 = arith.shli %shift_right_logical3A_788, %shift_left3A_790 : vector<16xi32>
      %and3A_792 = arith.constant 511 : i32
      %and3A_793 = vector.broadcast %and3A_792 : i32 to vector<16xi32>
      %and3A_794 = arith.andi %get3A_775, %and3A_793 : vector<16xi32>
      %shift_left3A_795 = arith.constant 14 : i32
      %shift_left3A_796 = vector.broadcast %shift_left3A_795 : i32 to vector<16xi32>
      %shift_left3A_797 = arith.shli %and3A_794, %shift_left3A_796 : vector<16xi32>
      %or3A_798 = arith.ori %shift_left3A_791, %shift_left3A_797 : vector<16xi32>
      %mul3A_799 = arith.constant 16 : i32
      %mul3A_800 = arith.muli %scan3A_771, %mul3A_799 : i32
      %add3A_801 = vector.broadcast %mul3A_800 : i32 to vector<16xi32>
      %add3A_802 = arith.addi %iota3A_340, %add3A_801 : vector<16xi32>
      %or3A_803 = arith.ori %or3A_798, %add3A_802 : vector<16xi32>
      %max3A_804 = arith.constant 0 : i32
      %max3A_805 = vector.broadcast %max3A_804 : i32 to vector<16xi32>
      %max3A_806 = arith.maxsi %shift_right_logical3A_788, %max3A_805 : vector<16xi32>
      %min3A_807 = arith.constant 63 : i32
      %min3A_808 = vector.broadcast %min3A_807 : i32 to vector<16xi32>
      %min3A_809 = arith.minsi %max3A_806, %min3A_808 : vector<16xi32>
      %mul3A_810 = arith.constant 16 : i32
      %mul3A_811 = vector.broadcast %mul3A_810 : i32 to vector<16xi32>
      %mul3A_812 = arith.muli %min3A_809, %mul3A_811 : vector<16xi32>
      %add3A_813 = arith.addi %mul3A_812, %iota3A_340 : vector<16xi32>
      %gather3A_814 = tpu.vector_load_idx %arg17[%add3A_813] : memref<1024xi32, #tpu.memory_space<vmem>>[vector<16xi32>], vector<16xi32>,
      %lt3A_815 = arith.constant 8 : i32
      %lt3A_816 = vector.broadcast %lt3A_815 : i32 to vector<16xi32>
      %lt3A_817 = arith.cmpi slt, %gather3A_814, %lt3A_816 : vector<16xi32>
      %mul3A_818 = arith.constant 8 : i32
      %mul3A_819 = vector.broadcast %mul3A_818 : i32 to vector<16xi32>
      %mul3A_820 = arith.muli %add3A_813, %mul3A_819 : vector<16xi32>
      %min3A_821 = arith.constant 7 : i32
      %min3A_822 = vector.broadcast %min3A_821 : i32 to vector<16xi32>
      %min3A_823 = arith.minsi %gather3A_814, %min3A_822 : vector<16xi32>
      %add3A_824 = arith.addi %mul3A_820, %min3A_823 : vector<16xi32>
      %and3A_825 = arith.andi %eq3A_783, %lt3A_817 : vector<16xi1>
      tpu.vector_store_idx %arg16[%add3A_824], %or3A_803 masked %and3A_825 : memref<8192xi32, #tpu.memory_space<vmem>>[vector<16xi32>], vector<16xi32>, vector<16xi1>
      %add3A_826 = arith.constant 1 : i32
      %add3A_827 = vector.broadcast %add3A_826 : i32 to vector<16xi32>
      %add3A_828 = arith.addi %gather3A_814, %add3A_827 : vector<16xi32>
      tpu.vector_store_idx %arg17[%add3A_813], %add3A_828 masked %eq3A_783 : memref<1024xi32, #tpu.memory_space<vmem>>[vector<16xi32>], vector<16xi32>, vector<16xi1>
      %not3A_829 = arith.constant dense<true> : vector<16xi1>
      %not3A_830 = arith.xori %lt3A_817, %not3A_829 : vector<16xi1>
      %and3A_831 = arith.andi %eq3A_783, %not3A_830 : vector<16xi1>
      %jit3A_832 = arith.constant 1 : i32
      %jit3A_833 = arith.constant 0 : i32
      %broadcast_in_dim3A_834 = vector.broadcast %jit3A_832 : i32 to vector<16xi32>
      %broadcast_in_dim3A_835 = vector.broadcast %jit3A_833 : i32 to vector<16xi32>
      %select_n3A_836 = arith.select %and3A_831, %broadcast_in_dim3A_834, %broadcast_in_dim3A_835 : vector<16xi1>, vector<16xi32>
      %add3A_837 = arith.addi %add3A_769, %select_n3A_836 : vector<16xi32>
      %scan3A_838 = arith.constant 5 : i32
      %scan3A_839 = arith.addi %scan3A_509, %scan3A_838 : i32
      %mul3A_840 = arith.constant 16 : i32
      %mul3A_841 = arith.muli %scan3A_839, %mul3A_840 : i32
      %get3A_842 = arith.index_cast %mul3A_841 : i32 to index
      %get3A_843 = tpu.vector_load %arg11[%get3A_842] {strides = array<i32>} : memref<16384xi32, #tpu.memory_space<vmem>>, vector<16xi32>,
      %shift_right_logical3A_844 = arith.constant 9 : i32
      %shift_right_logical3A_845 = vector.broadcast %shift_right_logical3A_844 : i32 to vector<16xi32>
      %shift_right_logical3A_846 = arith.shrui %get3A_843, %shift_right_logical3A_845 : vector<16xi32>
      %and3A_847 = arith.constant 31 : i32
      %and3A_848 = vector.broadcast %and3A_847 : i32 to vector<16xi32>
      %and3A_849 = arith.andi %shift_right_logical3A_846, %and3A_848 : vector<16xi32>
      %eq3A_850 = vector.broadcast %add3A : i32 to vector<16xi32>
      %eq3A_851 = arith.cmpi eq, %and3A_849, %eq3A_850 : vector<16xi32>
      %sub3A_852 = vector.broadcast %add3A : i32 to vector<16xi32>
      %sub3A_853 = arith.subi %shift_right_logical3A_846, %sub3A_852 : vector<16xi32>
      %shift_right_logical3A_854 = arith.constant 5 : i32
      %shift_right_logical3A_855 = vector.broadcast %shift_right_logical3A_854 : i32 to vector<16xi32>
      %shift_right_logical3A_856 = arith.shrui %sub3A_853, %shift_right_logical3A_855 : vector<16xi32>
      %shift_left3A_857 = arith.constant 23 : i32
      %shift_left3A_858 = vector.broadcast %shift_left3A_857 : i32 to vector<16xi32>
      %shift_left3A_859 = arith.shli %shift_right_logical3A_856, %shift_left3A_858 : vector<16xi32>
      %and3A_860 = arith.constant 511 : i32
      %and3A_861 = vector.broadcast %and3A_860 : i32 to vector<16xi32>
      %and3A_862 = arith.andi %get3A_843, %and3A_861 : vector<16xi32>
      %shift_left3A_863 = arith.constant 14 : i32
      %shift_left3A_864 = vector.broadcast %shift_left3A_863 : i32 to vector<16xi32>
      %shift_left3A_865 = arith.shli %and3A_862, %shift_left3A_864 : vector<16xi32>
      %or3A_866 = arith.ori %shift_left3A_859, %shift_left3A_865 : vector<16xi32>
      %mul3A_867 = arith.constant 16 : i32
      %mul3A_868 = arith.muli %scan3A_839, %mul3A_867 : i32
      %add3A_869 = vector.broadcast %mul3A_868 : i32 to vector<16xi32>
      %add3A_870 = arith.addi %iota3A_340, %add3A_869 : vector<16xi32>
      %or3A_871 = arith.ori %or3A_866, %add3A_870 : vector<16xi32>
      %max3A_872 = arith.constant 0 : i32
      %max3A_873 = vector.broadcast %max3A_872 : i32 to vector<16xi32>
      %max3A_874 = arith.maxsi %shift_right_logical3A_856, %max3A_873 : vector<16xi32>
      %min3A_875 = arith.constant 63 : i32
      %min3A_876 = vector.broadcast %min3A_875 : i32 to vector<16xi32>
      %min3A_877 = arith.minsi %max3A_874, %min3A_876 : vector<16xi32>
      %mul3A_878 = arith.constant 16 : i32
      %mul3A_879 = vector.broadcast %mul3A_878 : i32 to vector<16xi32>
      %mul3A_880 = arith.muli %min3A_877, %mul3A_879 : vector<16xi32>
      %add3A_881 = arith.addi %mul3A_880, %iota3A_340 : vector<16xi32>
      %gather3A_882 = tpu.vector_load_idx %arg17[%add3A_881] : memref<1024xi32, #tpu.memory_space<vmem>>[vector<16xi32>], vector<16xi32>,
      %lt3A_883 = arith.constant 8 : i32
      %lt3A_884 = vector.broadcast %lt3A_883 : i32 to vector<16xi32>
      %lt3A_885 = arith.cmpi slt, %gather3A_882, %lt3A_884 : vector<16xi32>
      %mul3A_886 = arith.constant 8 : i32
      %mul3A_887 = vector.broadcast %mul3A_886 : i32 to vector<16xi32>
      %mul3A_888 = arith.muli %add3A_881, %mul3A_887 : vector<16xi32>
      %min3A_889 = arith.constant 7 : i32
      %min3A_890 = vector.broadcast %min3A_889 : i32 to vector<16xi32>
      %min3A_891 = arith.minsi %gather3A_882, %min3A_890 : vector<16xi32>
      %add3A_892 = arith.addi %mul3A_888, %min3A_891 : vector<16xi32>
      %and3A_893 = arith.andi %eq3A_851, %lt3A_885 : vector<16xi1>
      tpu.vector_store_idx %arg16[%add3A_892], %or3A_871 masked %and3A_893 : memref<8192xi32, #tpu.memory_space<vmem>>[vector<16xi32>], vector<16xi32>, vector<16xi1>
      %add3A_894 = arith.constant 1 : i32
      %add3A_895 = vector.broadcast %add3A_894 : i32 to vector<16xi32>
      %add3A_896 = arith.addi %gather3A_882, %add3A_895 : vector<16xi32>
      tpu.vector_store_idx %arg17[%add3A_881], %add3A_896 masked %eq3A_851 : memref<1024xi32, #tpu.memory_space<vmem>>[vector<16xi32>], vector<16xi32>, vector<16xi1>
      %not3A_897 = arith.constant dense<true> : vector<16xi1>
      %not3A_898 = arith.xori %lt3A_885, %not3A_897 : vector<16xi1>
      %and3A_899 = arith.andi %eq3A_851, %not3A_898 : vector<16xi1>
      %jit3A_900 = arith.constant 1 : i32
      %jit3A_901 = arith.constant 0 : i32
      %broadcast_in_dim3A_902 = vector.broadcast %jit3A_900 : i32 to vector<16xi32>
      %broadcast_in_dim3A_903 = vector.broadcast %jit3A_901 : i32 to vector<16xi32>
      %select_n3A_904 = arith.select %and3A_899, %broadcast_in_dim3A_902, %broadcast_in_dim3A_903 : vector<16xi1>, vector<16xi32>
      %add3A_905 = arith.addi %add3A_837, %select_n3A_904 : vector<16xi32>
      %scan3A_906 = arith.constant 6 : i32
      %scan3A_907 = arith.addi %scan3A_509, %scan3A_906 : i32
      %mul3A_908 = arith.constant 16 : i32
      %mul3A_909 = arith.muli %scan3A_907, %mul3A_908 : i32
      %get3A_910 = arith.index_cast %mul3A_909 : i32 to index
      %get3A_911 = tpu.vector_load %arg11[%get3A_910] {strides = array<i32>} : memref<16384xi32, #tpu.memory_space<vmem>>, vector<16xi32>,
      %shift_right_logical3A_912 = arith.constant 9 : i32
      %shift_right_logical3A_913 = vector.broadcast %shift_right_logical3A_912 : i32 to vector<16xi32>
      %shift_right_logical3A_914 = arith.shrui %get3A_911, %shift_right_logical3A_913 : vector<16xi32>
      %and3A_915 = arith.constant 31 : i32
      %and3A_916 = vector.broadcast %and3A_915 : i32 to vector<16xi32>
      %and3A_917 = arith.andi %shift_right_logical3A_914, %and3A_916 : vector<16xi32>
      %eq3A_918 = vector.broadcast %add3A : i32 to vector<16xi32>
      %eq3A_919 = arith.cmpi eq, %and3A_917, %eq3A_918 : vector<16xi32>
      %sub3A_920 = vector.broadcast %add3A : i32 to vector<16xi32>
      %sub3A_921 = arith.subi %shift_right_logical3A_914, %sub3A_920 : vector<16xi32>
      %shift_right_logical3A_922 = arith.constant 5 : i32
      %shift_right_logical3A_923 = vector.broadcast %shift_right_logical3A_922 : i32 to vector<16xi32>
      %shift_right_logical3A_924 = arith.shrui %sub3A_921, %shift_right_logical3A_923 : vector<16xi32>
      %shift_left3A_925 = arith.constant 23 : i32
      %shift_left3A_926 = vector.broadcast %shift_left3A_925 : i32 to vector<16xi32>
      %shift_left3A_927 = arith.shli %shift_right_logical3A_924, %shift_left3A_926 : vector<16xi32>
      %and3A_928 = arith.constant 511 : i32
      %and3A_929 = vector.broadcast %and3A_928 : i32 to vector<16xi32>
      %and3A_930 = arith.andi %get3A_911, %and3A_929 : vector<16xi32>
      %shift_left3A_931 = arith.constant 14 : i32
      %shift_left3A_932 = vector.broadcast %shift_left3A_931 : i32 to vector<16xi32>
      %shift_left3A_933 = arith.shli %and3A_930, %shift_left3A_932 : vector<16xi32>
      %or3A_934 = arith.ori %shift_left3A_927, %shift_left3A_933 : vector<16xi32>
      %mul3A_935 = arith.constant 16 : i32
      %mul3A_936 = arith.muli %scan3A_907, %mul3A_935 : i32
      %add3A_937 = vector.broadcast %mul3A_936 : i32 to vector<16xi32>
      %add3A_938 = arith.addi %iota3A_340, %add3A_937 : vector<16xi32>
      %or3A_939 = arith.ori %or3A_934, %add3A_938 : vector<16xi32>
      %max3A_940 = arith.constant 0 : i32
      %max3A_941 = vector.broadcast %max3A_940 : i32 to vector<16xi32>
      %max3A_942 = arith.maxsi %shift_right_logical3A_924, %max3A_941 : vector<16xi32>
      %min3A_943 = arith.constant 63 : i32
      %min3A_944 = vector.broadcast %min3A_943 : i32 to vector<16xi32>
      %min3A_945 = arith.minsi %max3A_942, %min3A_944 : vector<16xi32>
      %mul3A_946 = arith.constant 16 : i32
      %mul3A_947 = vector.broadcast %mul3A_946 : i32 to vector<16xi32>
      %mul3A_948 = arith.muli %min3A_945, %mul3A_947 : vector<16xi32>
      %add3A_949 = arith.addi %mul3A_948, %iota3A_340 : vector<16xi32>
      %gather3A_950 = tpu.vector_load_idx %arg17[%add3A_949] : memref<1024xi32, #tpu.memory_space<vmem>>[vector<16xi32>], vector<16xi32>,
      %lt3A_951 = arith.constant 8 : i32
      %lt3A_952 = vector.broadcast %lt3A_951 : i32 to vector<16xi32>
      %lt3A_953 = arith.cmpi slt, %gather3A_950, %lt3A_952 : vector<16xi32>
      %mul3A_954 = arith.constant 8 : i32
      %mul3A_955 = vector.broadcast %mul3A_954 : i32 to vector<16xi32>
      %mul3A_956 = arith.muli %add3A_949, %mul3A_955 : vector<16xi32>
      %min3A_957 = arith.constant 7 : i32
      %min3A_958 = vector.broadcast %min3A_957 : i32 to vector<16xi32>
      %min3A_959 = arith.minsi %gather3A_950, %min3A_958 : vector<16xi32>
      %add3A_960 = arith.addi %mul3A_956, %min3A_959 : vector<16xi32>
      %and3A_961 = arith.andi %eq3A_919, %lt3A_953 : vector<16xi1>
      tpu.vector_store_idx %arg16[%add3A_960], %or3A_939 masked %and3A_961 : memref<8192xi32, #tpu.memory_space<vmem>>[vector<16xi32>], vector<16xi32>, vector<16xi1>
      %add3A_962 = arith.constant 1 : i32
      %add3A_963 = vector.broadcast %add3A_962 : i32 to vector<16xi32>
      %add3A_964 = arith.addi %gather3A_950, %add3A_963 : vector<16xi32>
      tpu.vector_store_idx %arg17[%add3A_949], %add3A_964 masked %eq3A_919 : memref<1024xi32, #tpu.memory_space<vmem>>[vector<16xi32>], vector<16xi32>, vector<16xi1>
      %not3A_965 = arith.constant dense<true> : vector<16xi1>
      %not3A_966 = arith.xori %lt3A_953, %not3A_965 : vector<16xi1>
      %and3A_967 = arith.andi %eq3A_919, %not3A_966 : vector<16xi1>
      %jit3A_968 = arith.constant 1 : i32
      %jit3A_969 = arith.constant 0 : i32
      %broadcast_in_dim3A_970 = vector.broadcast %jit3A_968 : i32 to vector<16xi32>
      %broadcast_in_dim3A_971 = vector.broadcast %jit3A_969 : i32 to vector<16xi32>
      %select_n3A_972 = arith.select %and3A_967, %broadcast_in_dim3A_970, %broadcast_in_dim3A_971 : vector<16xi1>, vector<16xi32>
      %add3A_973 = arith.addi %add3A_905, %select_n3A_972 : vector<16xi32>
      %scan3A_974 = arith.constant 7 : i32
      %scan3A_975 = arith.addi %scan3A_509, %scan3A_974 : i32
      %mul3A_976 = arith.constant 16 : i32
      %mul3A_977 = arith.muli %scan3A_975, %mul3A_976 : i32
      %get3A_978 = arith.index_cast %mul3A_977 : i32 to index
      %get3A_979 = tpu.vector_load %arg11[%get3A_978] {strides = array<i32>} : memref<16384xi32, #tpu.memory_space<vmem>>, vector<16xi32>,
      %shift_right_logical3A_980 = arith.constant 9 : i32
      %shift_right_logical3A_981 = vector.broadcast %shift_right_logical3A_980 : i32 to vector<16xi32>
      %shift_right_logical3A_982 = arith.shrui %get3A_979, %shift_right_logical3A_981 : vector<16xi32>
      %and3A_983 = arith.constant 31 : i32
      %and3A_984 = vector.broadcast %and3A_983 : i32 to vector<16xi32>
      %and3A_985 = arith.andi %shift_right_logical3A_982, %and3A_984 : vector<16xi32>
      %eq3A_986 = vector.broadcast %add3A : i32 to vector<16xi32>
      %eq3A_987 = arith.cmpi eq, %and3A_985, %eq3A_986 : vector<16xi32>
      %sub3A_988 = vector.broadcast %add3A : i32 to vector<16xi32>
      %sub3A_989 = arith.subi %shift_right_logical3A_982, %sub3A_988 : vector<16xi32>
      %shift_right_logical3A_990 = arith.constant 5 : i32
      %shift_right_logical3A_991 = vector.broadcast %shift_right_logical3A_990 : i32 to vector<16xi32>
      %shift_right_logical3A_992 = arith.shrui %sub3A_989, %shift_right_logical3A_991 : vector<16xi32>
      %shift_left3A_993 = arith.constant 23 : i32
      %shift_left3A_994 = vector.broadcast %shift_left3A_993 : i32 to vector<16xi32>
      %shift_left3A_995 = arith.shli %shift_right_logical3A_992, %shift_left3A_994 : vector<16xi32>
      %and3A_996 = arith.constant 511 : i32
      %and3A_997 = vector.broadcast %and3A_996 : i32 to vector<16xi32>
      %and3A_998 = arith.andi %get3A_979, %and3A_997 : vector<16xi32>
      %shift_left3A_999 = arith.constant 14 : i32
      %shift_left3A_1000 = vector.broadcast %shift_left3A_999 : i32 to vector<16xi32>
      %shift_left3A_1001 = arith.shli %and3A_998, %shift_left3A_1000 : vector<16xi32>
      %or3A_1002 = arith.ori %shift_left3A_995, %shift_left3A_1001 : vector<16xi32>
      %mul3A_1003 = arith.constant 16 : i32
      %mul3A_1004 = arith.muli %scan3A_975, %mul3A_1003 : i32
      %add3A_1005 = vector.broadcast %mul3A_1004 : i32 to vector<16xi32>
      %add3A_1006 = arith.addi %iota3A_340, %add3A_1005 : vector<16xi32>
      %or3A_1007 = arith.ori %or3A_1002, %add3A_1006 : vector<16xi32>
      %max3A_1008 = arith.constant 0 : i32
      %max3A_1009 = vector.broadcast %max3A_1008 : i32 to vector<16xi32>
      %max3A_1010 = arith.maxsi %shift_right_logical3A_992, %max3A_1009 : vector<16xi32>
      %min3A_1011 = arith.constant 63 : i32
      %min3A_1012 = vector.broadcast %min3A_1011 : i32 to vector<16xi32>
      %min3A_1013 = arith.minsi %max3A_1010, %min3A_1012 : vector<16xi32>
      %mul3A_1014 = arith.constant 16 : i32
      %mul3A_1015 = vector.broadcast %mul3A_1014 : i32 to vector<16xi32>
      %mul3A_1016 = arith.muli %min3A_1013, %mul3A_1015 : vector<16xi32>
      %add3A_1017 = arith.addi %mul3A_1016, %iota3A_340 : vector<16xi32>
      %gather3A_1018 = tpu.vector_load_idx %arg17[%add3A_1017] : memref<1024xi32, #tpu.memory_space<vmem>>[vector<16xi32>], vector<16xi32>,
      %lt3A_1019 = arith.constant 8 : i32
      %lt3A_1020 = vector.broadcast %lt3A_1019 : i32 to vector<16xi32>
      %lt3A_1021 = arith.cmpi slt, %gather3A_1018, %lt3A_1020 : vector<16xi32>
      %mul3A_1022 = arith.constant 8 : i32
      %mul3A_1023 = vector.broadcast %mul3A_1022 : i32 to vector<16xi32>
      %mul3A_1024 = arith.muli %add3A_1017, %mul3A_1023 : vector<16xi32>
      %min3A_1025 = arith.constant 7 : i32
      %min3A_1026 = vector.broadcast %min3A_1025 : i32 to vector<16xi32>
      %min3A_1027 = arith.minsi %gather3A_1018, %min3A_1026 : vector<16xi32>
      %add3A_1028 = arith.addi %mul3A_1024, %min3A_1027 : vector<16xi32>
      %and3A_1029 = arith.andi %eq3A_987, %lt3A_1021 : vector<16xi1>
      tpu.vector_store_idx %arg16[%add3A_1028], %or3A_1007 masked %and3A_1029 : memref<8192xi32, #tpu.memory_space<vmem>>[vector<16xi32>], vector<16xi32>, vector<16xi1>
      %add3A_1030 = arith.constant 1 : i32
      %add3A_1031 = vector.broadcast %add3A_1030 : i32 to vector<16xi32>
      %add3A_1032 = arith.addi %gather3A_1018, %add3A_1031 : vector<16xi32>
      tpu.vector_store_idx %arg17[%add3A_1017], %add3A_1032 masked %eq3A_987 : memref<1024xi32, #tpu.memory_space<vmem>>[vector<16xi32>], vector<16xi32>, vector<16xi1>
      %not3A_1033 = arith.constant dense<true> : vector<16xi1>
      %not3A_1034 = arith.xori %lt3A_1021, %not3A_1033 : vector<16xi1>
      %and3A_1035 = arith.andi %eq3A_987, %not3A_1034 : vector<16xi1>
      %jit3A_1036 = arith.constant 1 : i32
      %jit3A_1037 = arith.constant 0 : i32
      %broadcast_in_dim3A_1038 = vector.broadcast %jit3A_1036 : i32 to vector<16xi32>
      %broadcast_in_dim3A_1039 = vector.broadcast %jit3A_1037 : i32 to vector<16xi32>
      %select_n3A_1040 = arith.select %and3A_1035, %broadcast_in_dim3A_1038, %broadcast_in_dim3A_1039 : vector<16xi1>, vector<16xi32>
      %add3A_1041 = arith.addi %add3A_973, %select_n3A_1040 : vector<16xi32>
      scf.yield %add3A_1041 : vector<16xi32>
    }
    %scan3A_474 = arith.constant 1024 : i32
    %gt3A_475 = arith.constant 0 : i32
    %gt3A_476 = vector.broadcast %gt3A_475 : i32 to vector<16xi32>
    %gt3A_477 = arith.cmpi sgt, %scan3A_473, %gt3A_476 : vector<16xi32>
    %all_reduce_population_count3A_478 = tpu.all_reduce %gt3A_477 {dim = 0 : i64, kind = #tpu.reduction_kind<sum>} : vector<16xi1> -> vector<16xi32>
    %scan3A_479 = arith.constant 0 : i32
    %scan3A_480 = arith.constant 0 : i32
    %scan3A_481 = arith.constant 8 : i32
    %scan3A_482 = arith.addi %scan3A_480, %scan3A_481 : i32
    %scan3A_483 = arith.constant 1 : i32
    %scan3A_484 = scf.for %scan3A_509 = %scan3A_480 to %scan3A_482 step %scan3A_483 iter_args(%scan3A_510 = %scan3A_479) -> (i32)  : i32 {
      %broadcast_in_dim3A_511 = arith.constant 16384 : i32
      %broadcast_in_dim3A_512 = vector.broadcast %broadcast_in_dim3A_511 : i32 to vector<16xi32>
      %mul3A_513 = arith.constant 16 : i32
      %mul3A_514 = arith.muli %scan3A_509, %mul3A_513 : i32
      %swap3A_515 = arith.index_cast %mul3A_514 : i32 to index
      %swap3A_516 = tpu.vector_load %arg15[%swap3A_515] {strides = array<i32>} : memref<128xi32, #tpu.memory_space<vmem>>, vector<16xi32>,
      tpu.vector_store %arg15[%swap3A_515], %broadcast_in_dim3A_512 {strides = array<i32>} : memref<128xi32, #tpu.memory_space<vmem>>, vector<16xi32>,
      %scan3A_517 = arith.constant 0 : i32
      scf.yield %scan3A_517 : i32
    }
    %scan3A_485 = arith.constant 8 : i32
    %scan3A_486 = arith.constant 0 : i32
    %mul3A_487 = arith.constant 2 : i32
    %mul3A_488 = arith.muli %mul3A_487, %scan3A_486 : i32
    %add3A_489 = arith.constant 1 : i32
    %add3A_490 = arith.addi %mul3A_488, %add3A_489 : i32
    %mul3A_491 = arith.constant 2 : i32
    %mul3A_492 = arith.muli %mul3A_491, %scan3A_486 : i32
    %mul3A_493 = arith.constant 2 : i32
    %mul3A_494 = arith.muli %mul3A_493, %scan3A_486 : i32
    %add3A_495 = arith.constant 2 : i32
    %add3A_496 = arith.addi %mul3A_494, %add3A_495 : i32
    %mul3A_497 = arith.constant 2 : i32
    %mul3A_498 = arith.muli %mul3A_497, %scan3A_486 : i32
    %add3A_499 = arith.constant 1 : i32
    %add3A_500 = arith.addi %mul3A_498, %add3A_499 : i32
    %scan3A_501 = arith.constant 1 : i32
    "tpu.region"() ({
      %run_scoped3A = tpu.sem_alloc : memref<!tpu.dma_semaphore, #tpu.memory_space<semaphore_mem>>
      %dma_start3A = arith.constant 0 : i32
      %dma_start3A_509 = arith.constant 0 : i32
      %dma_start3A_510 = tpu.memref_slice %arg10[%dma_start3A, %dma_start3A_509] : memref<16392x128xf32, #tpu.memory_space<hbm>> -> memref<16392x128xf32, #tpu.memory_space<hbm>>
      tpu.enqueue_indirect_dma source(%arg14 : memref<128x128xf32, #tpu.memory_space<vmem>>) target(%dma_start3A_510 : memref<16392x128xf32, #tpu.memory_space<hbm>>) offsets(%arg15 : memref<128xi32, #tpu.memory_space<vmem>>) semaphore(%run_scoped3A : memref<!tpu.dma_semaphore, #tpu.memory_space<semaphore_mem>>)
      %dma_wait3A = arith.constant 0 : i32
      %dma_wait3A_511 = arith.constant 0 : i32
      %dma_wait3A_512 = tpu.memref_slice %arg10[%dma_wait3A, %dma_wait3A_511] : memref<16392x128xf32, #tpu.memory_space<hbm>> -> memref<16392x128xf32, #tpu.memory_space<hbm>>
      tpu.wait_indirect_dma semaphore(%run_scoped3A : memref<!tpu.dma_semaphore, #tpu.memory_space<semaphore_mem>>) src(%arg14 : memref<128x128xf32, #tpu.memory_space<vmem>>) dst(%dma_wait3A_512 : memref<16392x128xf32, #tpu.memory_space<hbm>>)
      tpu.yield
    }) : () -> ()
    %scan3A_502 = arith.constant 0 : i32
    %scan3A_503 = arith.constant 0 : i32
    %scan3A_504 = arith.constant 8 : i32
    %scan3A_505 = arith.addi %scan3A_503, %scan3A_504 : i32
    %scan3A_506 = arith.constant 1 : i32
    %scan3A_507 = scf.for %scan3A_509 = %scan3A_503 to %scan3A_505 step %scan3A_506 iter_args(%scan3A_510 = %scan3A_502) -> (i32)  : i32 {
      %broadcast_in_dim3A_511 = arith.constant 16384 : i32
      %broadcast_in_dim3A_512 = vector.broadcast %broadcast_in_dim3A_511 : i32 to vector<16xi32>
      %mul3A_513 = arith.constant 16 : i32
      %mul3A_514 = arith.muli %scan3A_509, %mul3A_513 : i32
      %swap3A_515 = arith.index_cast %mul3A_514 : i32 to index
      %swap3A_516 = tpu.vector_load %arg15[%swap3A_515] {strides = array<i32>} : memref<128xi32, #tpu.memory_space<vmem>>, vector<16xi32>,
      tpu.vector_store %arg15[%swap3A_515], %broadcast_in_dim3A_512 {strides = array<i32>} : memref<128xi32, #tpu.memory_space<vmem>>, vector<16xi32>,
      %scan3A_517 = arith.constant 0 : i32
      scf.yield %scan3A_517 : i32
    }
    %scan3A_508 = arith.constant 8 : i32
    return
  }
}

module attributes {stable_mosaic.version = 14 : i64} {
  func.func @_mlp_body(%arg0: memref<16392x128xf32, #tpu.memory_space<vmem>>, %arg1: memref<16392x128xf32, #tpu.memory_space<vmem>>, %arg2: memref<16392x128xf32, #tpu.memory_space<vmem>>, %arg3: memref<13x16384xf32, #tpu.memory_space<vmem>>, %arg4: memref<64x128xf32, #tpu.memory_space<vmem>>, %arg5: memref<64x128xf32, #tpu.memory_space<vmem>>, %arg6: memref<16x128xf32, #tpu.memory_space<vmem>>, %arg7: memref<13x128xf32, #tpu.memory_space<vmem>>, %arg8: memref<1x128xf32, #tpu.memory_space<vmem>>, %arg9: memref<1x128xf32, #tpu.memory_space<vmem>>, %arg10: memref<1x128xf32, #tpu.memory_space<vmem>>, %arg11: memref<64x128xf32, #tpu.memory_space<vmem>>, %arg12: memref<1x64xf32, #tpu.memory_space<vmem>>, %arg13: memref<1x64xf32, #tpu.memory_space<vmem>>, %arg14: memref<1x64xf32, #tpu.memory_space<vmem>>, %arg15: memref<64x1xf32, #tpu.memory_space<vmem>>, %arg16: memref<1x1xf32, #tpu.memory_space<vmem>>, %arg17: memref<16384x1xf32, #tpu.memory_space<vmem>>) attributes {dimension_semantics = [], scalar_prefetch = 0 : i64, scratch_operands = 0 : i64, tpu.core_type = #tpu.core_type<tc>} {
    %get3A = arith.constant 0 : index
    %get3A_0 = arith.constant 0 : index
    %get3A_1 = vector.load %arg0[%get3A, %get3A_0] : memref<16392x128xf32, #tpu.memory_space<vmem>>, vector<16392x128xf32>
    %slice3A = vector.extract_strided_slice %get3A_1 {offsets = [0, 0], sizes = [16384, 64], strides = [1, 1]} : vector<16392x128xf32> to vector<16384x64xf32>
    %get3A_2 = arith.constant 0 : index
    %get3A_3 = arith.constant 0 : index
    %get3A_4 = vector.load %arg4[%get3A_2, %get3A_3] : memref<64x128xf32, #tpu.memory_space<vmem>>, vector<64x128xf32>
    %dot_general3A = arith.constant dense<0.000000e+00> : vector<16384x128xf32>
    %dot_general3A_5 = tpu.matmul %slice3A, %get3A_4, %dot_general3A {dimension_numbers = #tpu.dot_dimension_numbers<[1], [0], [0], [1], [0, 0, 1, 1], [], []>, transpose_lhs_hint = false} : vector<16384x64xf32>, vector<64x128xf32>, vector<16384x128xf32> -> vector<16384x128xf32>
    %get3A_6 = arith.constant 0 : index
    %get3A_7 = arith.constant 0 : index
    %get3A_8 = vector.load %arg1[%get3A_6, %get3A_7] : memref<16392x128xf32, #tpu.memory_space<vmem>>, vector<16392x128xf32>
    %slice3A_9 = vector.extract_strided_slice %get3A_8 {offsets = [0, 0], sizes = [16384, 64], strides = [1, 1]} : vector<16392x128xf32> to vector<16384x64xf32>
    %get3A_10 = arith.constant 0 : index
    %get3A_11 = arith.constant 0 : index
    %get3A_12 = vector.load %arg5[%get3A_10, %get3A_11] : memref<64x128xf32, #tpu.memory_space<vmem>>, vector<64x128xf32>
    %dot_general3A_13 = arith.constant dense<0.000000e+00> : vector<16384x128xf32>
    %dot_general3A_14 = tpu.matmul %slice3A_9, %get3A_12, %dot_general3A_13 {dimension_numbers = #tpu.dot_dimension_numbers<[1], [0], [0], [1], [0, 0, 1, 1], [], []>, transpose_lhs_hint = false} : vector<16384x64xf32>, vector<64x128xf32>, vector<16384x128xf32> -> vector<16384x128xf32>
    %add3A = arith.addf %dot_general3A_5, %dot_general3A_14 : vector<16384x128xf32>
    %get3A_15 = arith.constant 0 : index
    %get3A_16 = arith.constant 0 : index
    %get3A_17 = vector.load %arg2[%get3A_15, %get3A_16] : memref<16392x128xf32, #tpu.memory_space<vmem>>, vector<16392x128xf32>
    %slice3A_18 = vector.extract_strided_slice %get3A_17 {offsets = [0, 0], sizes = [16384, 16], strides = [1, 1]} : vector<16392x128xf32> to vector<16384x16xf32>
    %get3A_19 = arith.constant 0 : index
    %get3A_20 = arith.constant 0 : index
    %get3A_21 = vector.load %arg6[%get3A_19, %get3A_20] : memref<16x128xf32, #tpu.memory_space<vmem>>, vector<16x128xf32>
    %dot_general3A_22 = arith.constant dense<0.000000e+00> : vector<16384x128xf32>
    %dot_general3A_23 = tpu.matmul %slice3A_18, %get3A_21, %dot_general3A_22 {dimension_numbers = #tpu.dot_dimension_numbers<[1], [0], [0], [1], [0, 0, 1, 1], [], []>, transpose_lhs_hint = false} : vector<16384x16xf32>, vector<16x128xf32>, vector<16384x128xf32> -> vector<16384x128xf32>
    %add3A_24 = arith.addf %add3A, %dot_general3A_23 : vector<16384x128xf32>
    %get3A_25 = arith.constant 0 : index
    %get3A_26 = arith.constant 0 : index
    %get3A_27 = vector.load %arg3[%get3A_25, %get3A_26] : memref<13x16384xf32, #tpu.memory_space<vmem>>, vector<13x16384xf32>
    %transpose3A = tpu.transpose %get3A_27, [1, 0] : vector<13x16384xf32> -> vector<16384x13xf32>
    %get3A_28 = arith.constant 0 : index
    %get3A_29 = arith.constant 0 : index
    %get3A_30 = vector.load %arg7[%get3A_28, %get3A_29] : memref<13x128xf32, #tpu.memory_space<vmem>>, vector<13x128xf32>
    %dot_general3A_31 = arith.constant dense<0.000000e+00> : vector<16384x128xf32>
    %dot_general3A_32 = tpu.matmul %transpose3A, %get3A_30, %dot_general3A_31 {dimension_numbers = #tpu.dot_dimension_numbers<[1], [0], [0], [1], [0, 0, 1, 1], [], []>, transpose_lhs_hint = false} : vector<16384x13xf32>, vector<13x128xf32>, vector<16384x128xf32> -> vector<16384x128xf32>
    %add3A_33 = arith.addf %add3A_24, %dot_general3A_32 : vector<16384x128xf32>
    %get3A_34 = arith.constant 0 : index
    %get3A_35 = arith.constant 0 : index
    %get3A_36 = vector.load %arg8[%get3A_34, %get3A_35] : memref<1x128xf32, #tpu.memory_space<vmem>>, vector<1x128xf32>
    %add3A_37 = vector.broadcast %get3A_36 : vector<1x128xf32> to vector<16384x128xf32>
    %add3A_38 = arith.addf %add3A_33, %add3A_37 : vector<16384x128xf32>
    %reduce_sum3A = arith.constant dense<0.000000e+00> : vector<128xf32>
    %reduce_sum3A_39 = vector.multi_reduction <add>, %add3A_38, %reduce_sum3A [0] : vector<16384x128xf32> to vector<128xf32>
    %broadcast_in_dim3A = vector.shape_cast %reduce_sum3A_39 : vector<128xf32> to vector<1x128xf32>
    %div3A = arith.constant 1.638400e+04 : f32
    %div3A_40 = vector.broadcast %div3A : f32 to vector<1x128xf32>
    %div3A_41 = arith.divf %broadcast_in_dim3A, %div3A_40 : vector<1x128xf32>
    %sub3A = vector.broadcast %div3A_41 : vector<1x128xf32> to vector<16384x128xf32>
    %sub3A_42 = arith.subf %add3A_38, %sub3A : vector<16384x128xf32>
    %mul3A = arith.mulf %sub3A_42, %sub3A_42 : vector<16384x128xf32>
    %reduce_sum3A_43 = arith.constant dense<0.000000e+00> : vector<128xf32>
    %reduce_sum3A_44 = vector.multi_reduction <add>, %mul3A, %reduce_sum3A_43 [0] : vector<16384x128xf32> to vector<128xf32>
    %broadcast_in_dim3A_45 = vector.shape_cast %reduce_sum3A_44 : vector<128xf32> to vector<1x128xf32>
    %div3A_46 = arith.constant 1.638400e+04 : f32
    %div3A_47 = vector.broadcast %div3A_46 : f32 to vector<1x128xf32>
    %div3A_48 = arith.divf %broadcast_in_dim3A_45, %div3A_47 : vector<1x128xf32>
    %get3A_49 = arith.constant 0 : index
    %get3A_50 = arith.constant 0 : index
    %get3A_51 = vector.load %arg9[%get3A_49, %get3A_50] : memref<1x128xf32, #tpu.memory_space<vmem>>, vector<1x128xf32>
    %mul3A_52 = vector.broadcast %get3A_51 : vector<1x128xf32> to vector<16384x128xf32>
    %mul3A_53 = arith.mulf %mul3A_52, %sub3A_42 : vector<16384x128xf32>
    %add3A_54 = arith.constant 9.99999974E-6 : f32
    %add3A_55 = vector.broadcast %add3A_54 : f32 to vector<1x128xf32>
    %add3A_56 = arith.addf %div3A_48, %add3A_55 : vector<1x128xf32>
    %rsqrt3A = math.rsqrt %add3A_56 : vector<1x128xf32>
    %mul3A_57 = vector.broadcast %rsqrt3A : vector<1x128xf32> to vector<16384x128xf32>
    %mul3A_58 = arith.mulf %mul3A_53, %mul3A_57 : vector<16384x128xf32>
    %get3A_59 = arith.constant 0 : index
    %get3A_60 = arith.constant 0 : index
    %get3A_61 = vector.load %arg10[%get3A_59, %get3A_60] : memref<1x128xf32, #tpu.memory_space<vmem>>, vector<1x128xf32>
    %add3A_62 = vector.broadcast %get3A_61 : vector<1x128xf32> to vector<16384x128xf32>
    %add3A_63 = arith.addf %mul3A_58, %add3A_62 : vector<16384x128xf32>
    %max3A = arith.constant 0.000000e+00 : f32
    %max3A_64 = vector.broadcast %max3A : f32 to vector<16384x128xf32>
    %max3A_65 = arith.maximumf %add3A_63, %max3A_64 : vector<16384x128xf32>
    %get3A_66 = arith.constant 0 : index
    %get3A_67 = arith.constant 0 : index
    %get3A_68 = vector.load %arg11[%get3A_66, %get3A_67] : memref<64x128xf32, #tpu.memory_space<vmem>>, vector<64x128xf32>
    %dot_general3A_69 = arith.constant dense<0.000000e+00> : vector<16384x64xf32>
    %dot_general3A_70 = tpu.matmul %max3A_65, %get3A_68, %dot_general3A_69 {dimension_numbers = #tpu.dot_dimension_numbers<[1], [1], [0], [0], [0, 0, 1, 0], [], []>, transpose_lhs_hint = false} : vector<16384x128xf32>, vector<64x128xf32>, vector<16384x64xf32> -> vector<16384x64xf32>
    %get3A_71 = arith.constant 0 : index
    %get3A_72 = arith.constant 0 : index
    %get3A_73 = vector.load %arg12[%get3A_71, %get3A_72] : memref<1x64xf32, #tpu.memory_space<vmem>>, vector<1x64xf32>
    %add3A_74 = vector.broadcast %get3A_73 : vector<1x64xf32> to vector<16384x64xf32>
    %add3A_75 = arith.addf %dot_general3A_70, %add3A_74 : vector<16384x64xf32>
    %reduce_sum3A_76 = arith.constant dense<0.000000e+00> : vector<64xf32>
    %reduce_sum3A_77 = vector.multi_reduction <add>, %add3A_75, %reduce_sum3A_76 [0] : vector<16384x64xf32> to vector<64xf32>
    %broadcast_in_dim3A_78 = vector.shape_cast %reduce_sum3A_77 : vector<64xf32> to vector<1x64xf32>
    %div3A_79 = arith.constant 1.638400e+04 : f32
    %div3A_80 = vector.broadcast %div3A_79 : f32 to vector<1x64xf32>
    %div3A_81 = arith.divf %broadcast_in_dim3A_78, %div3A_80 : vector<1x64xf32>
    %sub3A_82 = vector.broadcast %div3A_81 : vector<1x64xf32> to vector<16384x64xf32>
    %sub3A_83 = arith.subf %add3A_75, %sub3A_82 : vector<16384x64xf32>
    %mul3A_84 = arith.mulf %sub3A_83, %sub3A_83 : vector<16384x64xf32>
    %reduce_sum3A_85 = arith.constant dense<0.000000e+00> : vector<64xf32>
    %reduce_sum3A_86 = vector.multi_reduction <add>, %mul3A_84, %reduce_sum3A_85 [0] : vector<16384x64xf32> to vector<64xf32>
    %broadcast_in_dim3A_87 = vector.shape_cast %reduce_sum3A_86 : vector<64xf32> to vector<1x64xf32>
    %div3A_88 = arith.constant 1.638400e+04 : f32
    %div3A_89 = vector.broadcast %div3A_88 : f32 to vector<1x64xf32>
    %div3A_90 = arith.divf %broadcast_in_dim3A_87, %div3A_89 : vector<1x64xf32>
    %get3A_91 = arith.constant 0 : index
    %get3A_92 = arith.constant 0 : index
    %get3A_93 = vector.load %arg13[%get3A_91, %get3A_92] : memref<1x64xf32, #tpu.memory_space<vmem>>, vector<1x64xf32>
    %mul3A_94 = vector.broadcast %get3A_93 : vector<1x64xf32> to vector<16384x64xf32>
    %mul3A_95 = arith.mulf %mul3A_94, %sub3A_83 : vector<16384x64xf32>
    %add3A_96 = arith.constant 9.99999974E-6 : f32
    %add3A_97 = vector.broadcast %add3A_96 : f32 to vector<1x64xf32>
    %add3A_98 = arith.addf %div3A_90, %add3A_97 : vector<1x64xf32>
    %rsqrt3A_99 = math.rsqrt %add3A_98 : vector<1x64xf32>
    %mul3A_100 = vector.broadcast %rsqrt3A_99 : vector<1x64xf32> to vector<16384x64xf32>
    %mul3A_101 = arith.mulf %mul3A_95, %mul3A_100 : vector<16384x64xf32>
    %get3A_102 = arith.constant 0 : index
    %get3A_103 = arith.constant 0 : index
    %get3A_104 = vector.load %arg14[%get3A_102, %get3A_103] : memref<1x64xf32, #tpu.memory_space<vmem>>, vector<1x64xf32>
    %add3A_105 = vector.broadcast %get3A_104 : vector<1x64xf32> to vector<16384x64xf32>
    %add3A_106 = arith.addf %mul3A_101, %add3A_105 : vector<16384x64xf32>
    %max3A_107 = arith.constant 0.000000e+00 : f32
    %max3A_108 = vector.broadcast %max3A_107 : f32 to vector<16384x64xf32>
    %max3A_109 = arith.maximumf %add3A_106, %max3A_108 : vector<16384x64xf32>
    %get3A_110 = arith.constant 0 : index
    %get3A_111 = arith.constant 0 : index
    %get3A_112 = vector.load %arg15[%get3A_110, %get3A_111] : memref<64x1xf32, #tpu.memory_space<vmem>>, vector<64x1xf32>
    %dot_general3A_113 = arith.constant dense<0.000000e+00> : vector<16384x1xf32>
    %dot_general3A_114 = tpu.matmul %max3A_109, %get3A_112, %dot_general3A_113 {dimension_numbers = #tpu.dot_dimension_numbers<[1], [0], [0], [1], [0, 0, 1, 1], [], []>, transpose_lhs_hint = false} : vector<16384x64xf32>, vector<64x1xf32>, vector<16384x1xf32> -> vector<16384x1xf32>
    %get3A_115 = arith.constant 0 : index
    %get3A_116 = arith.constant 0 : index
    %get3A_117 = vector.load %arg16[%get3A_115, %get3A_116] : memref<1x1xf32, #tpu.memory_space<vmem>>, vector<1x1xf32>
    %add3A_118 = vector.broadcast %get3A_117 : vector<1x1xf32> to vector<16384x1xf32>
    %add3A_119 = arith.addf %dot_general3A_114, %add3A_118 : vector<16384x1xf32>
    %neg3A = arith.constant 0.000000e+00 : f32
    %neg3A_120 = vector.broadcast %neg3A : f32 to vector<16384x1xf32>
    %neg3A_121 = arith.subf %neg3A_120, %add3A_119 : vector<16384x1xf32>
    %exp3A = math.exp %neg3A_121 : vector<16384x1xf32>
    %add3A_122 = arith.constant 1.000000e+00 : f32
    %add3A_123 = vector.broadcast %add3A_122 : f32 to vector<16384x1xf32>
    %add3A_124 = arith.addf %add3A_123, %exp3A : vector<16384x1xf32>
    %div3A_125 = arith.constant 1.000000e+00 : f32
    %div3A_126 = vector.broadcast %div3A_125 : f32 to vector<16384x1xf32>
    %div3A_127 = arith.divf %div3A_126, %add3A_124 : vector<16384x1xf32>
    %swap3A = arith.constant 0 : index
    %swap3A_128 = arith.constant 0 : index
    %swap3A_129 = vector.load %arg17[%swap3A, %swap3A_128] : memref<16384x1xf32, #tpu.memory_space<vmem>>, vector<16384x1xf32>
    tpu.vector_store %arg17[%swap3A, %swap3A_128], %div3A_127 {strides = array<i32>} : memref<16384x1xf32, #tpu.memory_space<vmem>>, vector<16384x1xf32>,
    return
  }
}

</mosaic_0001>

<sc_bundles>
// kernel: kernel.4.cloned.1.call-start
scs
__scs_entry_jumppad:
0x0: {  	(pc) =	sbr.rel $0x88, $3  }
0x1: {  	(tag) =	ssettag $0x0;
	lr =	simm.s32 $0x1  }
0x2: {  	[smem:$0x3F90] =	sst lr;
	_ =	strace $0xD0000000  }
0x3: {  	_ = 	snop  }
0x4: {  	_ = 	snop  }
0x5: {  	_ = 	snop  }
0x6: {  	_ = 	snop  }
0x7: {  	_ = 	snop  }
__scs_overlays_trampoline_lowered:
0x8: {  	[smem:$0x3F9F] =	sst s0  }
0x9: {  	[smem:$0x3FA0] =	sst s1  }
0xa: {  	[smem:$0x3FA1] =	sst s2  }
0xb: {  	[smem:$0x3FA2] =	sst s3  }
0xc: {  	[smem:$0x3FA3] =	sst s4  }
0xd: {  	[smem:$0x3FA4] =	sst s5  }
0xe: {  	[smem:$0x3FA5] =	sst s6  }
0xf: {  	[smem:$0x3FA6] =	sst s7  }
0x10: {  	[smem:$0x3FA7] =	sst s8  }
0x11: {  	[smem:$0x3FA8] =	sst s9;
	s0 =	simm.s32 @!p0 $0x0  }
0x12: {  	s1 =	sld [smem:$0x3F8E];
	s0 =	simm.s32 @p0 $0x1  }
0x13: {  	[smem:$0x3FA9] =	sst s0;
	s0 =	simm.s32 @!p1 $0x0  }
0x14: {  	s2 =	sld [smem:$0x3F8D];
	s0 =	simm.s32 @p1 $0x1  }
0x15: {  	[smem:$0x3FAA] =	sst s0;
	s0 =	simm.s32 @!p2 $0x0  }
0x16: {  	s3 =	sld [smem:$0x3FDB];
	s0 =	simm.s32 @p2 $0x1  }
0x17: {  	s4 =	simm.s32 $0x1BF5;
	[smem:$0x3FAC] =	sst s0  }
0x18: {  	s0 =	sld [smem:$0x3F8F];
	_ =	swait.ge [sflag:s4], $0x0  }
0x19: {  	s7 =	sld [smem:$0x3F90]  }
0x1a: {  	s8 =	sadd.s32 $0xFFFFE003, lr  }
0x1b: {  	s9 =	sadd.s32 $0xFFFFFEF7, lr;
	s5 =	simm.s32 $0xFFFFFFFF;
	p2 =	slt.u32 s8, $0xFFFFF086  }
0x1c: {  	p1 =	slt.u32 s9, $0xF7A;
	s5 =	simm.s32 @!p2 $0x0  }
0x1d: {  	s5 =	simm.s32 @p1 $0x1;
	p0 =	seq.s32 s7, s2  }
0x1e: {  	s7 =	smul.u32 @!p0 $0xF7A, s2;
	p2 =	seq.s32 @!p0 s5, $0x0  }
0x1f: {  	s9 =	smul.u32 $0xF7A, s1;
	s8 =	simm.s32 @!p0 $0x1BF5;
	p2 =	por !p2, p0  }
0x20: {  	[sflag:s8] =	ssyncset.s32 @!p0 $0xFFFFF086;
	s6 =	sadd.s32 @!p0 s3, s7;
	s7 =	simm.s32 @!p0 $0x108  }
0x21: {  	s3 =	sadd.s32 s3, s9;
	s6 =	sadd.s32 @!p0 $0x88, s6;
	s7 =	simm.s32 @p2 $0x1082  }
0x22: {  	[simem:s7], [sflag:s8] =	dma.local @!p0 [hbm:s6], $0xF7A  }
0x23: {  	s9 =	sor.u32 $0xD0000000, s2;
	s6 =	simm.s32 $0x108;
	_ =	swait.ge @!p0 [sflag:s8], $0x0  }
0x24: {  	s3 =	sadd.s32 $0x88, s3;
	s6 =	simm.s32 @!p1 $0x1082;
	[sflag:s4] =	ssyncset.s32 $0xFFFFF086  }
0x25: {  	[simem:s6], [sflag:s4] =	dma.local [hbm:s3], $0xF7A  }
0x26: {  	[smem:$0x3F90] =	sst s1;
	(tag) =	ssettag s2;
	_ =	strace s9  }
0x27: {  	s1 =	sld [smem:$0x3FA0]  }
0x28: {  	s2 =	sld [smem:$0x3FA1]  }
0x29: {  	s4 =	sld [smem:$0x3FA3]  }
0x2a: {  	p0 =	seq.s32 s5, $0x0;
	s5 =	sld [smem:$0x3FA4]  }
0x2b: {  	s6 =	sld [smem:$0x3FA5]  }
0x2c: {  	s7 =	sld [smem:$0x3FA6]  }
0x2d: {  	s3 =	simm.s32 $0x108;
	s8 =	sld [smem:$0x3FA7]  }
0x2e: {  	s3 =	simm.s32 @!p0 $0x1082;
	s9 =	sld [smem:$0x3FA8]  }
0x2f: {  	lr =	sadd.s32 s0, s3;
	s0 =	sld [smem:$0x3F9F]  }
0x30: {  	s3 =	sld [smem:$0x3FA2]  }
0x31: {  	[smem:$0x3FAB] =	sst s10  }
0x32: {  	s10 =	sld [smem:$0x3FA9];
	_ =	sdelay $0x3  }
0x33: {  	p0 =	seq.s32 s10, $0x1;
	s10 =	sld [smem:$0x3FAB];
	_ =	sdelay $0x3  }
0x34: {  	[smem:$0x3FAB] =	sst s10  }
0x35: {  	s10 =	sld [smem:$0x3FAA];
	_ =	sdelay $0x3  }
0x36: {  	p1 =	seq.s32 s10, $0x1;
	s10 =	sld [smem:$0x3FAB];
	_ =	sdelay $0x3  }
0x37: {  	[smem:$0x3FAB] =	sst s10  }
0x38: {  	s10 =	sld [smem:$0x3FAC]  }
0x39: {  	_ = 	snop;
	(pc) =	sbr.ind lr, $3  }
0x3a: {  	_ = 	snop  }
0x3b: {  	_ = 	snop  }
0x3c: {  	p2 =	seq.s32 s10, $0x1;
	s10 =	sld [smem:$0x3FAB]  }
0x3d: {  	_ =	shalt  }
0x3e: {  	_ =	shalt  }
0x3f: {  	_ =	shalt  }
0x40: {  	_ =	shalt  }
0x41: {  	_ =	shalt  }
0x42: {  	_ =	shalt  }
0x43: {  	_ =	shalt  }
0x44: {  	_ =	shalt  }
0x45: {  	_ =	shalt  }
0x46: {  	_ =	shalt  }
0x47: {  	_ =	shalt  }
0x48: {  	_ =	shalt  }
0x49: {  	_ =	shalt  }
0x4a: {  	_ =	shalt  }
0x4b: {  	_ =	shalt  }
0x4c: {  	_ =	shalt  }
0x4d: {  	_ =	shalt  }
0x4e: {  	_ =	shalt  }
0x4f: {  	_ =	shalt  }
0x50: {  	_ =	shalt  }
0x51: {  	_ =	shalt  }
0x52: {  	_ =	shalt  }
0x53: {  	_ =	shalt  }
0x54: {  	_ =	shalt  }
0x55: {  	_ =	shalt  }
0x56: {  	_ =	shalt  }
0x57: {  	_ =	shalt  }
0x58: {  	_ =	shalt  }
0x59: {  	_ =	shalt  }
0x5a: {  	_ =	shalt  }
0x5b: {  	_ =	shalt  }
0x5c: {  	_ =	shalt  }
0x5d: {  	_ =	shalt  }
0x5e: {  	_ =	shalt  }
0x5f: {  	_ =	shalt  }
0x60: {  	_ =	shalt  }
0x61: {  	_ =	shalt  }
0x62: {  	_ =	shalt  }
0x63: {  	_ =	shalt  }
0x64: {  	_ =	shalt  }
0x65: {  	_ =	shalt  }
0x66: {  	_ =	shalt  }
0x67: {  	_ =	shalt  }
0x68: {  	_ =	shalt  }
0x69: {  	_ =	shalt  }
0x6a: {  	_ =	shalt  }
0x6b: {  	_ =	shalt  }
0x6c: {  	_ =	shalt  }
0x6d: {  	_ =	shalt  }
0x6e: {  	_ =	shalt  }
0x6f: {  	_ =	shalt  }
0x70: {  	_ =	shalt  }
0x71: {  	_ =	shalt  }
0x72: {  	_ =	shalt  }
0x73: {  	_ =	shalt  }
0x74: {  	_ =	shalt  }
0x75: {  	_ =	shalt  }
0x76: {  	_ =	shalt  }
0x77: {  	_ =	shalt  }
0x78: {  	_ =	shalt  }
0x79: {  	_ =	shalt  }
0x7a: {  	_ =	shalt  }
0x7b: {  	_ =	shalt  }
0x7c: {  	_ =	shalt  }
0x7d: {  	_ =	shalt  }
0x7e: {  	_ =	shalt  }
0x7f: {  	_ =	shalt  }
0x80: {  	_ =	shalt  }
0x81: {  	_ =	shalt  }
0x82: {  	_ =	shalt  }
0x83: {  	_ =	shalt  }
0x84: {  	_ =	shalt  }
0x85: {  	_ =	shalt  }
0x86: {  	_ =	shalt  }
0x87: {  	_ =	shalt  }
.Lfunc_end0:
.L_simem_size_0:
called_computation_lowered:
.L_overlay_start_0:
0x88: {  	s2 =	sld [smem:$0x3FD9]  }
0x89: {  	s3 =	sld [smem:$0x3FFE];
	_ =	sdelay $0x1  }
0x8a: {  	s1 =	srdreg.scid  }
0x8b: {  	s0 =	sand.u32 $0x1, s1  }
0x8c: {  	s17 =	sshll.u32 s0, $0xA;
	s2 =	sadd.s32 s3, s2  }
0x8d: {  	s2 =	sadd.s32 s2, s17  }
0x8e: {  	[smem:$0x3FB7] =	sst s2  }
0x8f: {  	_ = 	snop  }
0x90: {  	s2 =	sld [smem:$0x3FC9]  }
0x91: {  	s18 =	sld [smem:$0x3FC8]  }
0x92: {  	s4 =	sld [smem:$0x3FC7]  }
0x93: {  	s5 =	sld [smem:$0x3FC5]  }
0x94: {  	s6 =	sld [smem:$0x3FC4];
	(tm) =	ssettm $0x1  }
0x95: {  	s7 =	sld [smem:$0x3FFB];
	_ =	sdelay $0x3  }
0x96: {  	_ =	strace s7  }
0x97: {  	s7 =	sld [smem:$0x3FFC];
	_ =	sdelay $0x3  }
0x98: {  	_ =	strace s7  }
0x99: {  	s7 =	sld [smem:$0x3FFD];
	_ =	sdelay $0x3  }
0x9a: {  	_ =	strace s7  }
0x9b: {  	_ =	strace $0x8FFFFFFF  }
0x9c: {  	s19 =	sld [smem:$0x3FDB];
	_ =	sdelay $0x1  }
0x9d: {  	s8 =	simm.s32 $_scs_section_size  }
0x9e: {  	s9 =	simm.s32 $_size__tile_overlayer_lowered;
	s10 =	simm.s32 $_tile_overlayer_lowered  }
0x9f: {  	s22 =	simm.s32 $0x1BFF;
	s21 =	sshll.u32 s10, $0x1;
	s7 =	sadd.s32 s8, s19  }
0xa0: {  	s11 =	simm.s32 $0x0;
	s20 =	sshll.u32 s9, $0x1;
	s9 =	sadd.s32 s21, s7  }
0xa1: {  	[timem:s11], [sflag:s22] =	dma.local [hbm:s9], s20  }
0xa2: {  	_ =	swait.ge [sflag:s22], s20  }
0xa3: {  	s8 =	ssub.s32 $0x0, s20;
	[sflag:s22] =	ssyncset.done $0x0  }
0xa4: {  	[sflag:s22] =	ssyncadd.s32 s8;
	_ =	sdelay $0x1  }
0xa5: {  	s23 =	simm.s32 $0x1B8B  }
0xa6: {  	_ =	swait.ge [sflag:s23], $0x1  }
0xa7: {  	[sflag:s23] =	ssyncset.done $0x0  }
0xa8: {  	s25 =	simm.s32 $0x1B8E;
	s24 =	sld [smem:$0x3FFE];
	[sflag:s23] =	ssyncadd.s32 $0xFFFFFFFF  }
0xa9: {  	s26 =	simm.s32 $execute0_lowered;
	[smem:$0x3FD2] =	sst s25  }
0xaa: {  	s9 =	sshll.u32 s26, $0x1;
	_ =	strace $0x80000046;
	[dreg:$0x1] =	wrdreg $0xFFFFFFFF  }
0xab: {  	s28 =	simm.s32 $_size_execute0_lowered;
	s7 =	sadd.s32 s7, s9;
	[dreg:$0x0] =	wrdreg $0x0  }
0xac: {  	s9 =	sshll.u32 s28, $0x1;
	[dreg:$0x2] =	wrdreg s7  }
0xad: {  	[dreg:$0x3] =	wrdreg s9  }
0xae: {  	[dreg:$0x4] =	wrdreg $0xC0  }
0xaf: {  	_ =	task [dreg:s11], $0x5FFFF  }
0xb0: {  	[dreg:$0x1] =	wrdreg $0xFFFFFFFF  }
0xb1: {  	[dreg:$0x0] =	wrdreg $0x60  }
0xb2: {  	[dreg:$0x2] =	wrdreg s2  }
0xb3: {  	[dreg:$0x3] =	wrdreg s18  }
0xb4: {  	[dreg:$0x4] =	wrdreg s4  }
0xb5: {  	[dreg:$0x5] =	wrdreg s5  }
0xb6: {  	[dreg:$0x6] =	wrdreg s6  }
0xb7: {  	[dreg:$0x7] =	wrdreg s24  }
0xb8: {  	[dreg:$0x8] =	wrdreg $0x9  }
0xb9: {  	_ =	task.clear_ibuf [dreg:s11], $0x9FFFF;
	_ =	strace $0x90000046  }
0xba: {  	s29 =	simm.s32 $0x9;
	_ =	strace $0x80000048  }
0xbb: {  	_ =	swait.ge [sflag:s29], $0x1  }
0xbc: {  	[sflag:s29] =	ssyncadd.s32 $0xFFFFFFFF  }
0xbd: {  	_ =	strace $0x90000048  }
0xbe: {  	_ =	sfence  }
0xbf: {  	s30 =	sld [smem:$0x0];
	_ =	sdelay $0x2  }
0xc0: {  	s31 =	sshll.u32 s1, $0xD;
	s1 =	sshrl.u32 s1, $0x2  }
0xc1: {  	s3 =	sand.u32 $0x4000, s31;
	s1 =	sadd.s32 s1, s30  }
0xc2: {  	s0 =	sor.u32 s3, s0;
	s1 =	sshll.u32 s1, $0x11  }
0xc3: {  	s0 =	sor.u32 s1, s0  }
0xc4: {  	s0 =	sadd.s32 $0x8F2B, s0  }
0xc5: {  	[sflag:s0] =	ssyncadd.remote.s32 $0x1  }
0xc6: {  	_ =	sfence.sel $0xFFFF  }
0xc7: {  	[dreg:$0x0] =	wrdreg $0xFFFFFFFF;
	(pc) =	sbr.abs _section_cstart, $3  }
0xc8: {  	[dreg:$0x1] =	wrdreg $0xFFFFFFFF  }
0xc9: {  	_ =	task.clear_ibuf [dreg:s11], $0x2FFFF;
	_ =	strace $0x9FFFFFFF  }
0xca: {  	(tm) =	ssettm $0x7FFFFFFF  }
0xcb: {  	_ =	shalt  }
tec
execute0_lowered:
.L_overlay_start_1:
0x0: {  	(tag) =	ssettag $0x1  }
0x1: {  	s1 =	rddreg [dreg:$0x0]  }
0x2: {  	s2 =	rddreg [dreg:$0x1]  }
0x3: {  	s3 =	rddreg [dreg:$0x2]  }
0x4: {  	s9 =	rddreg [dreg:$0x3]  }
0x5: {  	s10 =	rddreg [dreg:$0x4]  }
0x6: {  	s8 =	rddreg [dreg:$0x5]  }
0x7: {  	s0 =	rddreg [dreg:$0x6]  }
0x8: {  	s4 =	simm.s32 $0x0;
	s5 =	srdreg.scid;
	s15 =	simm.s32 $0x2  }
0x9: {  	s19 =	simm.s32 $0x80;
	s20 =	simm.s32 $0x10000;
	s21 =	simm.s32 $0xC000  }
0xa: {  	[smem:$0x7FF] =	sst s4;
	s6 =	sadd.s32 $0x2000, s8;
	s11 =	sand.u32 $0x1, s5  }
0xb: {  	s7 =	sadd.s32 $0x42200, s8;
	s5 =	stileid.u32;
	s8 =	sadd.s32 $0x82400, s8  }
0xc: {  	s9 =	sadd.s32 $0xF4200, s9;
	s12 =	ssub.s32 $0x2, s11;
	s14 =	sshll.u32 s5, $0x1  }
0xd: {  	s10 =	sadd.s32 $0x18600, s10;
	s13 =	sshrl.u32 s12, $0x1;
	s22 =	sor.u32 s11, s14  }
0xe: {  	_ =	strace $0x80000047;
	s12 =	ssub.s32 s12, s13;
	p0 =	sne.s32 s22, $0x1  }
0xf: {  	s13 =	simm.s32 $0x10080;
	p1 =	sne.s32 s22, $0x3;
	s11 =	smax.u32 s12, $0x1  }
0x10: {  	v1 =	vimm.s32 $0x0;
	s12 =	simm.s32 $0x12080;
	s14 =	sadd.s32 @!p0 $0xF4280, s9;
	s16 =	sadd.s32 @!p0 $0x1E8500, s9  }
0x11: {  	v2 =	vlaneseq.u32;
	v3 =	vimm.s32 $0x4000;
	v0 =	vmov s22;
	s22 =	simm.s32 $0x0;
	s17 =	sadd.s32 @!p0 $0x2DC780, s9;
	s18 =	sadd.s32 @!p0 $0x3D0A00, s9  }
.LBB2_1:
0x12: {  	[tilespmem:s4], [sflag:$0x2] =	stream.linear.gather [hbm4b:s1+s4], $0x4000, $0x38;
	[tilespmem:$0x12480] =	vst v63  }
0x13: {  	_ =	swait.ge [sflag:s15], $0x4000  }
0x14: {  	[sflag:s15] =	ssyncset.done $0x0  }
0x15: {  	[sflag:s15] =	ssyncadd.s32 $0xFFFFC000  }
0x16: {  	[tilespmem:$0x12080] =	vst v1  }
0x17: {  	[tilespmem:$0x12090] =	vst v1  }
0x18: {  	[tilespmem:$0x120A0] =	vst v1  }
0x19: {  	[tilespmem:$0x120B0] =	vst v1  }
0x1a: {  	[tilespmem:$0x120C0] =	vst v1  }
0x1b: {  	[tilespmem:$0x120D0] =	vst v1  }
0x1c: {  	[tilespmem:$0x120E0] =	vst v1  }
0x1d: {  	[tilespmem:$0x120F0] =	vst v1  }
0x1e: {  	[tilespmem:$0x12100] =	vst v1  }
0x1f: {  	[tilespmem:$0x12110] =	vst v1  }
0x20: {  	[tilespmem:$0x12120] =	vst v1  }
0x21: {  	[tilespmem:$0x12130] =	vst v1  }
0x22: {  	[tilespmem:$0x12140] =	vst v1  }
0x23: {  	[tilespmem:$0x12150] =	vst v1  }
0x24: {  	[tilespmem:$0x12160] =	vst v1  }
0x25: {  	[tilespmem:$0x12170] =	vst v1  }
0x26: {  	[tilespmem:$0x12180] =	vst v1  }
0x27: {  	[tilespmem:$0x12190] =	vst v1  }
0x28: {  	[tilespmem:$0x121A0] =	vst v1  }
0x29: {  	[tilespmem:$0x121B0] =	vst v1  }
0x2a: {  	[tilespmem:$0x121C0] =	vst v1  }
0x2b: {  	[tilespmem:$0x121D0] =	vst v1  }
0x2c: {  	[tilespmem:$0x121E0] =	vst v1  }
0x2d: {  	[tilespmem:$0x121F0] =	vst v1  }
0x2e: {  	[tilespmem:$0x12200] =	vst v1  }
0x2f: {  	[tilespmem:$0x12210] =	vst v1  }
0x30: {  	[tilespmem:$0x12220] =	vst v1  }
0x31: {  	[tilespmem:$0x12230] =	vst v1  }
0x32: {  	[tilespmem:$0x12240] =	vst v1  }
0x33: {  	[tilespmem:$0x12250] =	vst v1  }
0x34: {  	[tilespmem:$0x12260] =	vst v1  }
0x35: {  	[tilespmem:$0x12270] =	vst v1  }
0x36: {  	[tilespmem:$0x12280] =	vst v1  }
0x37: {  	[tilespmem:$0x12290] =	vst v1  }
0x38: {  	[tilespmem:$0x122A0] =	vst v1  }
0x39: {  	[tilespmem:$0x122B0] =	vst v1  }
0x3a: {  	[tilespmem:$0x122C0] =	vst v1  }
0x3b: {  	[tilespmem:$0x122D0] =	vst v1  }
0x3c: {  	[tilespmem:$0x122E0] =	vst v1  }
0x3d: {  	[tilespmem:$0x122F0] =	vst v1  }
0x3e: {  	[tilespmem:$0x12300] =	vst v1  }
0x3f: {  	[tilespmem:$0x12310] =	vst v1  }
0x40: {  	[tilespmem:$0x12320] =	vst v1  }
0x41: {  	[tilespmem:$0x12330] =	vst v1  }
0x42: {  	[tilespmem:$0x12340] =	vst v1  }
0x43: {  	[tilespmem:$0x12350] =	vst v1  }
0x44: {  	[tilespmem:$0x12360] =	vst v1  }
0x45: {  	[tilespmem:$0x12370] =	vst v1  }
0x46: {  	[tilespmem:$0x12380] =	vst v1  }
0x47: {  	[tilespmem:$0x12390] =	vst v1  }
0x48: {  	[tilespmem:$0x123A0] =	vst v1  }
0x49: {  	[tilespmem:$0x123B0] =	vst v1  }
0x4a: {  	[tilespmem:$0x123C0] =	vst v1  }
0x4b: {  	[tilespmem:$0x123D0] =	vst v1  }
0x4c: {  	[tilespmem:$0x123E0] =	vst v1  }
0x4d: {  	[tilespmem:$0x123F0] =	vst v1  }
0x4e: {  	[tilespmem:$0x12400] =	vst v1  }
0x4f: {  	[tilespmem:$0x12410] =	vst v1  }
0x50: {  	[tilespmem:$0x12420] =	vst v1  }
0x51: {  	[tilespmem:$0x12430] =	vst v1  }
0x52: {  	[tilespmem:$0x12440] =	vst v1  }
0x53: {  	[tilespmem:$0x12450] =	vst v1  }
0x54: {  	[tilespmem:$0x12460] =	vst v1  }
0x55: {  	s23 =	simm.s32 $0xFFFFFFF8;
	s24 =	simm.s32 $0x70;
	s25 =	simm.s32 $0x40;
	[tilespmem:$0x12470] =	vst v1  }
.LBB2_2:
0x56: {  	v4 =	vld [tilespmem:s25+$0xFFFFFFC0];
	_ =	sdelay $0x4  }
0x57: {  	v5 =	vshrl.u32 v4, $0x9  }
0x58: {  	v6 =	vsub.s32 v5, v0  }
0x59: {  	v6 =	vshrl.u32 v6, $0x5  }
0x5a: {  	v7 =	vmin.u32 v6, $0x3F  }
0x5b: {  	v7 =	vshll.u32 v7, $0x4  }
0x5c: {  	v7 =	vor.u32 v2, v7;
	_ =	sdelay $0x4  }
0x5d: {  	v8 =	vld.idx.msk [tilespmem:v7+s12+$0x0], $0xffff;
	_ =	sdelay $0x3  }
0x5e: {  	v5 =	vand.u32 $0x1F, v5  }
0x5f: {  	vm0 =	veq.s32 v5, v0;
	vm1 =	vlt.s32 v8, $0x8;
	vm2 =	vlt.s32 v8, $0x7  }
0x60: {  	v5 =	vshll.u32 v7, $0x3;
	v9 =	vnsel vm2, $0x7, v8;
	vm1 =	vmand vm1, vm0  }
0x61: {  	v4 =	vshll.u32 v4, $0xE;
	v5 =	vadd.s32 v9, v5  }
0x62: {  	v4 =	vand.u32 $0x7FC000, v4;
	v6 =	vshll.u32 v6, $0x17  }
0x63: {  	s26 =	sadd.s32 $0xFFFFFF90, s24;
	v4 =	vor.u32 v4, v6  }
0x64: {  	v4 =	vadd.s32 s26, v4  }
0x65: {  	v4 =	vadd.s32 v2, v4  }
0x66: {  	[tilespmem:v5+s13+$0x0] =	vst.idx.msk vm1, v4;
	v4 =	vadd.s32 $0x1, v8  }
0x67: {  	[tilespmem:v7+s12+$0x0] =	vst.idx.msk vm0, v4  }
0x68: {  	v4 =	vld [tilespmem:s25+$0xFFFFFFD0];
	_ =	sdelay $0x4  }
0x69: {  	v5 =	vshrl.u32 v4, $0x9  }
0x6a: {  	v36 =	vsub.s32 v5, v0  }
0x6b: {  	v6 =	vshrl.u32 v36, $0x5  }
0x6c: {  	v37 =	vmin.u32 v6, $0x3F  }
0x6d: {  	v7 =	vshll.u32 v37, $0x4  }
0x6e: {  	v7 =	vor.u32 v2, v7;
	_ =	sdelay $0x4  }
0x6f: {  	v38 =	vld.idx.msk [tilespmem:v7+s12+$0x0], $0xffff;
	_ =	sdelay $0x3  }
0x70: {  	v5 =	vand.u32 $0x1F, v5  }
0x71: {  	vm7 =	veq.s32 v5, v0;
	vm8 =	vlt.s32 v38, $0x8;
	vm9 =	vlt.s32 v38, $0x7  }
0x72: {  	v5 =	vshll.u32 v7, $0x3;
	v39 =	vnsel vm9, $0x7, v38;
	vm1 =	vmand vm8, vm7  }
0x73: {  	v4 =	vshll.u32 v4, $0xE;
	v5 =	vadd.s32 v39, v5  }
0x74: {  	v4 =	vand.u32 $0x7FC000, v4;
	v6 =	vshll.u32 v6, $0x17  }
0x75: {  	s30 =	sadd.s32 $0xFFFFFFA0, s24;
	v4 =	vor.u32 v4, v6  }
0x76: {  	v4 =	vadd.s32 s30, v4  }
0x77: {  	v4 =	vadd.s32 v2, v4  }
0x78: {  	[tilespmem:v5+s13+$0x0] =	vst.idx.msk vm1, v4;
	v4 =	vadd.s32 $0x1, v38  }
0x79: {  	[tilespmem:v7+s12+$0x0] =	vst.idx.msk vm7, v4  }
0x7a: {  	v4 =	vld [tilespmem:s25+$0xFFFFFFE0];
	_ =	sdelay $0x4  }
0x7b: {  	v5 =	vshrl.u32 v4, $0x9  }
0x7c: {  	v40 =	vsub.s32 v5, v0  }
0x7d: {  	v6 =	vshrl.u32 v40, $0x5  }
0x7e: {  	v41 =	vmin.u32 v6, $0x3F  }
0x7f: {  	v7 =	vshll.u32 v41, $0x4  }
0x80: {  	v7 =	vor.u32 v2, v7;
	_ =	sdelay $0x4  }
0x81: {  	v42 =	vld.idx.msk [tilespmem:v7+s12+$0x0], $0xffff;
	_ =	sdelay $0x3  }
0x82: {  	v5 =	vand.u32 $0x1F, v5  }
0x83: {  	vm10 =	veq.s32 v5, v0;
	vm11 =	vlt.s32 v42, $0x8;
	vm12 =	vlt.s32 v42, $0x7  }
0x84: {  	v5 =	vshll.u32 v7, $0x3;
	v43 =	vnsel vm12, $0x7, v42;
	vm1 =	vmand vm11, vm10  }
0x85: {  	v4 =	vshll.u32 v4, $0xE;
	v5 =	vadd.s32 v43, v5  }
0x86: {  	v4 =	vand.u32 $0x7FC000, v4;
	v6 =	vshll.u32 v6, $0x17  }
0x87: {  	s31 =	sadd.s32 $0xFFFFFFB0, s24;
	v4 =	vor.u32 v4, v6  }
0x88: {  	v4 =	vadd.s32 s31, v4  }
0x89: {  	v4 =	vadd.s32 v2, v4  }
0x8a: {  	[tilespmem:v5+s13+$0x0] =	vst.idx.msk vm1, v4;
	v4 =	vadd.s32 $0x1, v42  }
0x8b: {  	[tilespmem:v7+s12+$0x0] =	vst.idx.msk vm10, v4  }
0x8c: {  	v4 =	vld [tilespmem:s25+$0xFFFFFFF0];
	_ =	sdelay $0x4  }
0x8d: {  	v5 =	vshrl.u32 v4, $0x9  }
0x8e: {  	v44 =	vsub.s32 v5, v0  }
0x8f: {  	v6 =	vshrl.u32 v44, $0x5  }
0x90: {  	v45 =	vmin.u32 v6, $0x3F  }
0x91: {  	v7 =	vshll.u32 v45, $0x4  }
0x92: {  	v7 =	vor.u32 v2, v7;
	_ =	sdelay $0x4  }
0x93: {  	v46 =	vld.idx.msk [tilespmem:v7+s12+$0x0], $0xffff;
	_ =	sdelay $0x3  }
0x94: {  	v5 =	vand.u32 $0x1F, v5  }
0x95: {  	vm13 =	veq.s32 v5, v0;
	vm14 =	vlt.s32 v46, $0x8;
	vm15 =	vlt.s32 v46, $0x7  }
0x96: {  	v5 =	vshll.u32 v7, $0x3;
	v47 =	vnsel vm15, $0x7, v46;
	vm1 =	vmand vm14, vm13  }
0x97: {  	v4 =	vshll.u32 v4, $0xE;
	v5 =	vadd.s32 v47, v5  }
0x98: {  	v4 =	vand.u32 $0x7FC000, v4;
	v6 =	vshll.u32 v6, $0x17  }
0x99: {  	s28 =	sadd.s32 $0xFFFFFFC0, s24;
	v4 =	vor.u32 v4, v6  }
0x9a: {  	v4 =	vadd.s32 s28, v4  }
0x9b: {  	v4 =	vadd.s32 v2, v4  }
0x9c: {  	[tilespmem:v5+s13+$0x0] =	vst.idx.msk vm1, v4;
	v4 =	vadd.s32 $0x1, v46  }
0x9d: {  	[tilespmem:v7+s12+$0x0] =	vst.idx.msk vm13, v4  }
0x9e: {  	v4 =	vld [tilespmem:s25+$0x0];
	_ =	sdelay $0x4  }
0x9f: {  	v5 =	vshrl.u32 v4, $0x9  }
0xa0: {  	v48 =	vsub.s32 v5, v0  }
0xa1: {  	v6 =	vshrl.u32 v48, $0x5  }
0xa2: {  	v49 =	vmin.u32 v6, $0x3F  }
0xa3: {  	v7 =	vshll.u32 v49, $0x4  }
0xa4: {  	v7 =	vor.u32 v2, v7;
	_ =	sdelay $0x4  }
0xa5: {  	v50 =	vld.idx.msk [tilespmem:v7+s12+$0x0], $0xffff;
	_ =	sdelay $0x3  }
0xa6: {  	v5 =	vand.u32 $0x1F, v5  }
0xa7: {  	vm4 =	veq.s32 v5, v0;
	vm5 =	vlt.s32 v50, $0x8;
	vm6 =	vlt.s32 v50, $0x7  }
0xa8: {  	v5 =	vshll.u32 v7, $0x3;
	v51 =	vnsel vm6, $0x7, v50;
	vm1 =	vmand vm5, vm4  }
0xa9: {  	v4 =	vshll.u32 v4, $0xE;
	v5 =	vadd.s32 v51, v5  }
0xaa: {  	v4 =	vand.u32 $0x7FC000, v4;
	v6 =	vshll.u32 v6, $0x17  }
0xab: {  	s29 =	sadd.s32 $0xFFFFFFD0, s24;
	v4 =	vor.u32 v4, v6  }
0xac: {  	v4 =	vadd.s32 s29, v4  }
0xad: {  	v4 =	vadd.s32 v2, v4  }
0xae: {  	[tilespmem:v5+s13+$0x0] =	vst.idx.msk vm1, v4;
	v4 =	vadd.s32 $0x1, v50  }
0xaf: {  	[tilespmem:v7+s12+$0x0] =	vst.idx.msk vm4, v4  }
0xb0: {  	v4 =	vld [tilespmem:s25+$0x10];
	_ =	sdelay $0x4  }
0xb1: {  	v5 =	vshrl.u32 v4, $0x9  }
0xb2: {  	v52 =	vsub.s32 v5, v0  }
0xb3: {  	v6 =	vshrl.u32 v52, $0x5  }
0xb4: {  	v53 =	vmin.u32 v6, $0x3F  }
0xb5: {  	v7 =	vshll.u32 v53, $0x4  }
0xb6: {  	v7 =	vor.u32 v2, v7;
	_ =	sdelay $0x4  }
0xb7: {  	v54 =	vld.idx.msk [tilespmem:v7+s12+$0x0], $0xffff;
	_ =	sdelay $0x3  }
0xb8: {  	v5 =	vand.u32 $0x1F, v5  }
0xb9: {  	vm7 =	veq.s32 v5, v0;
	vm8 =	vlt.s32 v54, $0x8;
	vm9 =	vlt.s32 v54, $0x7  }
0xba: {  	v5 =	vshll.u32 v7, $0x3;
	v55 =	vnsel vm9, $0x7, v54;
	vm1 =	vmand vm8, vm7  }
0xbb: {  	v4 =	vshll.u32 v4, $0xE;
	v5 =	vadd.s32 v55, v5  }
0xbc: {  	v4 =	vand.u32 $0x7FC000, v4;
	v6 =	vshll.u32 v6, $0x17  }
0xbd: {  	s30 =	sadd.s32 $0xFFFFFFE0, s24;
	v4 =	vor.u32 v4, v6  }
0xbe: {  	v4 =	vadd.s32 s30, v4  }
0xbf: {  	v4 =	vadd.s32 v2, v4  }
0xc0: {  	[tilespmem:v5+s13+$0x0] =	vst.idx.msk vm1, v4;
	v4 =	vadd.s32 $0x1, v54  }
0xc1: {  	[tilespmem:v7+s12+$0x0] =	vst.idx.msk vm7, v4  }
0xc2: {  	v4 =	vld [tilespmem:s25+$0x20];
	_ =	sdelay $0x4  }
0xc3: {  	v5 =	vshrl.u32 v4, $0x9  }
0xc4: {  	v56 =	vsub.s32 v5, v0  }
0xc5: {  	v6 =	vshrl.u32 v56, $0x5  }
0xc6: {  	v57 =	vmin.u32 v6, $0x3F  }
0xc7: {  	v7 =	vshll.u32 v57, $0x4  }
0xc8: {  	v7 =	vor.u32 v2, v7;
	_ =	sdelay $0x4  }
0xc9: {  	v58 =	vld.idx.msk [tilespmem:v7+s12+$0x0], $0xffff;
	_ =	sdelay $0x3  }
0xca: {  	v5 =	vand.u32 $0x1F, v5  }
0xcb: {  	vm10 =	veq.s32 v5, v0;
	vm11 =	vlt.s32 v58, $0x8;
	vm12 =	vlt.s32 v58, $0x7  }
0xcc: {  	v5 =	vshll.u32 v7, $0x3;
	v59 =	vnsel vm12, $0x7, v58;
	vm1 =	vmand vm11, vm10  }
0xcd: {  	v4 =	vshll.u32 v4, $0xE;
	v5 =	vadd.s32 v59, v5  }
0xce: {  	v4 =	vand.u32 $0x7FC000, v4;
	v6 =	vshll.u32 v6, $0x17  }
0xcf: {  	s31 =	sadd.s32 $0xFFFFFFF0, s24;
	v4 =	vor.u32 v4, v6  }
0xd0: {  	v4 =	vadd.s32 s31, v4  }
0xd1: {  	v4 =	vadd.s32 v2, v4  }
0xd2: {  	[tilespmem:v5+s13+$0x0] =	vst.idx.msk vm1, v4;
	v4 =	vadd.s32 $0x1, v58  }
0xd3: {  	[tilespmem:v7+s12+$0x0] =	vst.idx.msk vm10, v4  }
0xd4: {  	v4 =	vld [tilespmem:s25+$0x30];
	_ =	sdelay $0x4  }
0xd5: {  	v5 =	vshrl.u32 v4, $0x9  }
0xd6: {  	v60 =	vsub.s32 v5, v0  }
0xd7: {  	v6 =	vshrl.u32 v60, $0x5  }
0xd8: {  	v61 =	vmin.u32 v6, $0x3F  }
0xd9: {  	v7 =	vshll.u32 v61, $0x4  }
0xda: {  	v7 =	vor.u32 v2, v7;
	_ =	sdelay $0x4  }
0xdb: {  	v62 =	vld.idx.msk [tilespmem:v7+s12+$0x0], $0xffff;
	_ =	sdelay $0x3  }
0xdc: {  	v5 =	vand.u32 $0x1F, v5  }
0xdd: {  	vm13 =	veq.s32 v5, v0;
	vm14 =	vlt.s32 v62, $0x8;
	vm15 =	vlt.s32 v62, $0x7  }
0xde: {  	v5 =	vshll.u32 v7, $0x3;
	v63 =	vnsel vm15, $0x7, v62;
	vm1 =	vmand vm14, vm13  }
0xdf: {  	s23 =	sadd.s32 $0x8, s23;
	v4 =	vshll.u32 v4, $0xE;
	v5 =	vadd.s32 v63, v5  }
0xe0: {  	p2 =	slt.u32 s23, $0x3F8;
	v4 =	vand.u32 $0x7FC000, v4;
	v6 =	vshll.u32 v6, $0x17  }
.Ltmp0:
0xe1: {  	v4 =	vor.u32 v4, v6;
	(pc) =	sbr.rel @p2 .LBB2_2-.Ltmp0, $4  }
0xe2: {  	v4 =	vadd.s32 s24, v4  }
0xe3: {  	v4 =	vadd.s32 v2, v4  }
0xe4: {  	[tilespmem:v5+s13+$0x0] =	vst.idx.msk vm1, v4;
	v4 =	vadd.s32 $0x1, v62  }
0xe5: {  	s25 =	sadd.s32 $0x80, s25;
	s24 =	sadd.s32 $0x80, s24;
	[tilespmem:v7+s12+$0x0] =	vst.idx.msk vm13, v4  }
0xe6: {  	[tilespmem:$0x10000] =	vst v3  }
0xe7: {  	[tilespmem:$0x10010] =	vst v3  }
0xe8: {  	[tilespmem:$0x10020] =	vst v3  }
0xe9: {  	[tilespmem:$0x10030] =	vst v3  }
0xea: {  	[tilespmem:$0x10040] =	vst v3  }
0xeb: {  	[tilespmem:$0x10050] =	vst v3  }
0xec: {  	[tilespmem:$0x10060] =	vst v3  }
0xed: {  	[tilespmem:$0x10070] =	vst v3;
	s23 =	simm.s32 @!p0 $0x0;
	s24 =	simm.s32 @!p0 $0x4000  }
0xee: {  	[tilespmem:s24], [sflag:$0x1] =	stream.linear.gather @!p0 [hbm4b:s9+s23], $0x400, $0x38;
	[tilespmem:$0x12480] =	vst v63  }
0xef: {  	s24 =	simm.s32 @!p0 $0x5000  }
0xf0: {  	[tilespmem:s24], [sflag:$0x1] =	stream.linear.gather @!p0 [hbm4b:s14+s23], $0x400, $0x38;
	[tilespmem:$0x12480] =	vst v63  }
0xf1: {  	s24 =	simm.s32 @!p0 $0x6000  }
0xf2: {  	[tilespmem:s24], [sflag:$0x1] =	stream.linear.gather @!p0 [hbm4b:s16+s23], $0x400, $0x38;
	[tilespmem:$0x12480] =	vst v63  }
0xf3: {  	s24 =	simm.s32 @!p0 $0x7000  }
0xf4: {  	[tilespmem:s24], [sflag:$0x1] =	stream.linear.gather @!p0 [hbm4b:s17+s23], $0x400, $0x38;
	[tilespmem:$0x12480] =	vst v63  }
0xf5: {  	s24 =	simm.s32 @!p0 $0x8000  }
0xf6: {  	[tilespmem:s24], [sflag:$0x1] =	stream.linear.gather @!p0 [hbm4b:s18+s23], $0x400, $0x38;
	[tilespmem:$0x12480] =	vst v63  }
0xf7: {  	s25 =	simm.s32 @!p0 $0x9000;
	s24 =	sadd.s32 @!p0 $0x4C4C80, s9  }
0xf8: {  	[tilespmem:s25], [sflag:$0x1] =	stream.linear.gather @!p0 [hbm4b:s24+s23], $0x400, $0x38;
	[tilespmem:$0x12480] =	vst v63  }
0xf9: {  	s24 =	sadd.s32 @!p0 $0x5B8F00, s9;
	s25 =	simm.s32 @!p0 $0xA000  }
0xfa: {  	[tilespmem:s25], [sflag:$0x1] =	stream.linear.gather @!p0 [hbm4b:s24+s23], $0x400, $0x38;
	[tilespmem:$0x12480] =	vst v63  }
0xfb: {  	s24 =	sadd.s32 @!p0 $0x6AD180, s9;
	s25 =	simm.s32 @!p0 $0xB000  }
0xfc: {  	[tilespmem:s25], [sflag:$0x1] =	stream.linear.gather @!p0 [hbm4b:s24+s23], $0x400, $0x38;
	[tilespmem:$0x12480] =	vst v63  }
0xfd: {  	s23 =	simm.s32 @!p0 $0x1  }
0xfe: {  	_ =	swait.ge @!p0 [sflag:s23], $0x2000  }
0xff: {  	[sflag:s23] =	ssyncset.done @!p0 $0x0  }
0x100: {  	[sflag:s23] =	ssyncadd.s32 @!p0 $0xFFFFE000  }
0x101: {  	[hbm4b:s6+s19] =	stream.indirect.scatter [tilespmem:s21], [sflag:$0x2], $0x80, s20, s19, $0xb8;
	[tilespmem:$0x12480] =	vst v63  }
0x102: {  	_ =	swait.ge [sflag:s15], $0x4000  }
0x103: {  	[sflag:s15] =	ssyncset.done $0x0  }
0x104: {  	[sflag:s15] =	ssyncadd.s32 $0xFFFFC000  }
0x105: {  	[tilespmem:$0x10000] =	vst v3  }
0x106: {  	[tilespmem:$0x10010] =	vst v3  }
0x107: {  	[tilespmem:$0x10020] =	vst v3  }
0x108: {  	[tilespmem:$0x10030] =	vst v3  }
0x109: {  	[tilespmem:$0x10040] =	vst v3  }
0x10a: {  	[tilespmem:$0x10050] =	vst v3  }
0x10b: {  	[tilespmem:$0x10060] =	vst v3  }
0x10c: {  	[tilespmem:$0x10070] =	vst v3  }
0x10d: {  	[tilespmem:s4], [sflag:$0x2] =	stream.linear.gather [hbm4b:s2+s4], $0x4000, $0x38;
	[tilespmem:$0x12480] =	vst v63  }
0x10e: {  	_ =	swait.ge [sflag:s15], $0x4000  }
0x10f: {  	[sflag:s15] =	ssyncset.done $0x0  }
0x110: {  	[sflag:s15] =	ssyncadd.s32 $0xFFFFC000  }
0x111: {  	[tilespmem:$0x12080] =	vst v1  }
0x112: {  	[tilespmem:$0x12090] =	vst v1  }
0x113: {  	[tilespmem:$0x120A0] =	vst v1  }
0x114: {  	[tilespmem:$0x120B0] =	vst v1  }
0x115: {  	[tilespmem:$0x120C0] =	vst v1  }
0x116: {  	[tilespmem:$0x120D0] =	vst v1  }
0x117: {  	[tilespmem:$0x120E0] =	vst v1  }
0x118: {  	[tilespmem:$0x120F0] =	vst v1  }
0x119: {  	[tilespmem:$0x12100] =	vst v1  }
0x11a: {  	[tilespmem:$0x12110] =	vst v1  }
0x11b: {  	[tilespmem:$0x12120] =	vst v1  }
0x11c: {  	[tilespmem:$0x12130] =	vst v1  }
0x11d: {  	[tilespmem:$0x12140] =	vst v1  }
0x11e: {  	[tilespmem:$0x12150] =	vst v1  }
0x11f: {  	[tilespmem:$0x12160] =	vst v1  }
0x120: {  	[tilespmem:$0x12170] =	vst v1  }
0x121: {  	[tilespmem:$0x12180] =	vst v1  }
0x122: {  	[tilespmem:$0x12190] =	vst v1  }
0x123: {  	[tilespmem:$0x121A0] =	vst v1  }
0x124: {  	[tilespmem:$0x121B0] =	vst v1  }
0x125: {  	[tilespmem:$0x121C0] =	vst v1  }
0x126: {  	[tilespmem:$0x121D0] =	vst v1  }
0x127: {  	[tilespmem:$0x121E0] =	vst v1  }
0x128: {  	[tilespmem:$0x121F0] =	vst v1  }
0x129: {  	[tilespmem:$0x12200] =	vst v1  }
0x12a: {  	[tilespmem:$0x12210] =	vst v1  }
0x12b: {  	[tilespmem:$0x12220] =	vst v1  }
0x12c: {  	[tilespmem:$0x12230] =	vst v1  }
0x12d: {  	[tilespmem:$0x12240] =	vst v1  }
0x12e: {  	[tilespmem:$0x12250] =	vst v1  }
0x12f: {  	[tilespmem:$0x12260] =	vst v1  }
0x130: {  	[tilespmem:$0x12270] =	vst v1  }
0x131: {  	[tilespmem:$0x12280] =	vst v1  }
0x132: {  	[tilespmem:$0x12290] =	vst v1  }
0x133: {  	[tilespmem:$0x122A0] =	vst v1  }
0x134: {  	[tilespmem:$0x122B0] =	vst v1  }
0x135: {  	[tilespmem:$0x122C0] =	vst v1  }
0x136: {  	[tilespmem:$0x122D0] =	vst v1  }
0x137: {  	[tilespmem:$0x122E0] =	vst v1  }
0x138: {  	[tilespmem:$0x122F0] =	vst v1  }
0x139: {  	[tilespmem:$0x12300] =	vst v1  }
0x13a: {  	[tilespmem:$0x12310] =	vst v1  }
0x13b: {  	[tilespmem:$0x12320] =	vst v1  }
0x13c: {  	[tilespmem:$0x12330] =	vst v1  }
0x13d: {  	[tilespmem:$0x12340] =	vst v1  }
0x13e: {  	[tilespmem:$0x12350] =	vst v1  }
0x13f: {  	[tilespmem:$0x12360] =	vst v1  }
0x140: {  	[tilespmem:$0x12370] =	vst v1  }
0x141: {  	[tilespmem:$0x12380] =	vst v1  }
0x142: {  	[tilespmem:$0x12390] =	vst v1  }
0x143: {  	[tilespmem:$0x123A0] =	vst v1  }
0x144: {  	[tilespmem:$0x123B0] =	vst v1  }
0x145: {  	[tilespmem:$0x123C0] =	vst v1  }
0x146: {  	[tilespmem:$0x123D0] =	vst v1  }
0x147: {  	[tilespmem:$0x123E0] =	vst v1  }
0x148: {  	[tilespmem:$0x123F0] =	vst v1  }
0x149: {  	[tilespmem:$0x12400] =	vst v1  }
0x14a: {  	[tilespmem:$0x12410] =	vst v1  }
0x14b: {  	[tilespmem:$0x12420] =	vst v1  }
0x14c: {  	[tilespmem:$0x12430] =	vst v1  }
0x14d: {  	[tilespmem:$0x12440] =	vst v1  }
0x14e: {  	[tilespmem:$0x12450] =	vst v1  }
0x14f: {  	[tilespmem:$0x12460] =	vst v1  }
0x150: {  	s24 =	simm.s32 $0x70;
	s25 =	simm.s32 $0x40;
	s23 =	simm.s32 $0xFFFFFFF8;
	[tilespmem:$0x12470] =	vst v1  }
.LBB2_4:
0x151: {  	v4 =	vld [tilespmem:s25+$0xFFFFFFC0];
	_ =	sdelay $0x4  }
0x152: {  	v5 =	vshrl.u32 v4, $0x9  }
0x153: {  	v6 =	vsub.s32 v5, v0  }
0x154: {  	v6 =	vshrl.u32 v6, $0x5  }
0x155: {  	v7 =	vmin.u32 v6, $0x3F  }
0x156: {  	v7 =	vshll.u32 v7, $0x4  }
0x157: {  	v7 =	vor.u32 v2, v7;
	_ =	sdelay $0x4  }
0x158: {  	v8 =	vld.idx.msk [tilespmem:v7+s12+$0x0], $0xffff;
	_ =	sdelay $0x3  }
0x159: {  	v5 =	vand.u32 $0x1F, v5  }
0x15a: {  	vm0 =	veq.s32 v5, v0;
	vm1 =	vlt.s32 v8, $0x8;
	vm2 =	vlt.s32 v8, $0x7  }
0x15b: {  	v5 =	vshll.u32 v7, $0x3;
	v9 =	vnsel vm2, $0x7, v8;
	vm1 =	vmand vm1, vm0  }
0x15c: {  	v4 =	vshll.u32 v4, $0xE;
	v5 =	vadd.s32 v9, v5  }
0x15d: {  	v4 =	vand.u32 $0x7FC000, v4;
	v6 =	vshll.u32 v6, $0x17  }
0x15e: {  	s26 =	sadd.s32 $0xFFFFFF90, s24;
	v4 =	vor.u32 v4, v6  }
0x15f: {  	v4 =	vadd.s32 s26, v4  }
0x160: {  	v4 =	vadd.s32 v2, v4  }
0x161: {  	[tilespmem:v5+s13+$0x0] =	vst.idx.msk vm1, v4;
	v4 =	vadd.s32 $0x1, v8  }
0x162: {  	[tilespmem:v7+s12+$0x0] =	vst.idx.msk vm0, v4  }
0x163: {  	v4 =	vld [tilespmem:s25+$0xFFFFFFD0];
	_ =	sdelay $0x4  }
0x164: {  	v5 =	vshrl.u32 v4, $0x9  }
0x165: {  	v36 =	vsub.s32 v5, v0  }
0x166: {  	v6 =	vshrl.u32 v36, $0x5  }
0x167: {  	v37 =	vmin.u32 v6, $0x3F  }
0x168: {  	v7 =	vshll.u32 v37, $0x4  }
0x169: {  	v7 =	vor.u32 v2, v7;
	_ =	sdelay $0x4  }
0x16a: {  	v38 =	vld.idx.msk [tilespmem:v7+s12+$0x0], $0xffff;
	_ =	sdelay $0x3  }
0x16b: {  	v5 =	vand.u32 $0x1F, v5  }
0x16c: {  	vm7 =	veq.s32 v5, v0;
	vm8 =	vlt.s32 v38, $0x8;
	vm9 =	vlt.s32 v38, $0x7  }
0x16d: {  	v5 =	vshll.u32 v7, $0x3;
	v39 =	vnsel vm9, $0x7, v38;
	vm1 =	vmand vm8, vm7  }
0x16e: {  	v4 =	vshll.u32 v4, $0xE;
	v5 =	vadd.s32 v39, v5  }
0x16f: {  	v4 =	vand.u32 $0x7FC000, v4;
	v6 =	vshll.u32 v6, $0x17  }
0x170: {  	s30 =	sadd.s32 $0xFFFFFFA0, s24;
	v4 =	vor.u32 v4, v6  }
0x171: {  	v4 =	vadd.s32 s30, v4  }
0x172: {  	v4 =	vadd.s32 v2, v4  }
0x173: {  	[tilespmem:v5+s13+$0x0] =	vst.idx.msk vm1, v4;
	v4 =	vadd.s32 $0x1, v38  }
0x174: {  	[tilespmem:v7+s12+$0x0] =	vst.idx.msk vm7, v4  }
0x175: {  	v4 =	vld [tilespmem:s25+$0xFFFFFFE0];
	_ =	sdelay $0x4  }
0x176: {  	v5 =	vshrl.u32 v4, $0x9  }
0x177: {  	v40 =	vsub.s32 v5, v0  }
0x178: {  	v6 =	vshrl.u32 v40, $0x5  }
0x179: {  	v41 =	vmin.u32 v6, $0x3F  }
0x17a: {  	v7 =	vshll.u32 v41, $0x4  }
0x17b: {  	v7 =	vor.u32 v2, v7;
	_ =	sdelay $0x4  }
0x17c: {  	v42 =	vld.idx.msk [tilespmem:v7+s12+$0x0], $0xffff;
	_ =	sdelay $0x3  }
0x17d: {  	v5 =	vand.u32 $0x1F, v5  }
0x17e: {  	vm10 =	veq.s32 v5, v0;
	vm11 =	vlt.s32 v42, $0x8;
	vm12 =	vlt.s32 v42, $0x7  }
0x17f: {  	v5 =	vshll.u32 v7, $0x3;
	v43 =	vnsel vm12, $0x7, v42;
	vm1 =	vmand vm11, vm10  }
0x180: {  	v4 =	vshll.u32 v4, $0xE;
	v5 =	vadd.s32 v43, v5  }
0x181: {  	v4 =	vand.u32 $0x7FC000, v4;
	v6 =	vshll.u32 v6, $0x17  }
0x182: {  	s31 =	sadd.s32 $0xFFFFFFB0, s24;
	v4 =	vor.u32 v4, v6  }
0x183: {  	v4 =	vadd.s32 s31, v4  }
0x184: {  	v4 =	vadd.s32 v2, v4  }
0x185: {  	[tilespmem:v5+s13+$0x0] =	vst.idx.msk vm1, v4;
	v4 =	vadd.s32 $0x1, v42  }
0x186: {  	[tilespmem:v7+s12+$0x0] =	vst.idx.msk vm10, v4  }
0x187: {  	v4 =	vld [tilespmem:s25+$0xFFFFFFF0];
	_ =	sdelay $0x4  }
0x188: {  	v5 =	vshrl.u32 v4, $0x9  }
0x189: {  	v44 =	vsub.s32 v5, v0  }
0x18a: {  	v6 =	vshrl.u32 v44, $0x5  }
0x18b: {  	v45 =	vmin.u32 v6, $0x3F  }
0x18c: {  	v7 =	vshll.u32 v45, $0x4  }
0x18d: {  	v7 =	vor.u32 v2, v7;
	_ =	sdelay $0x4  }
0x18e: {  	v46 =	vld.idx.msk [tilespmem:v7+s12+$0x0], $0xffff;
	_ =	sdelay $0x3  }
0x18f: {  	v5 =	vand.u32 $0x1F, v5  }
0x190: {  	vm13 =	veq.s32 v5, v0;
	vm14 =	vlt.s32 v46, $0x8;
	vm15 =	vlt.s32 v46, $0x7  }
0x191: {  	v5 =	vshll.u32 v7, $0x3;
	v47 =	vnsel vm15, $0x7, v46;
	vm1 =	vmand vm14, vm13  }
0x192: {  	v4 =	vshll.u32 v4, $0xE;
	v5 =	vadd.s32 v47, v5  }
0x193: {  	v4 =	vand.u32 $0x7FC000, v4;
	v6 =	vshll.u32 v6, $0x17  }
0x194: {  	s28 =	sadd.s32 $0xFFFFFFC0, s24;
	v4 =	vor.u32 v4, v6  }
0x195: {  	v4 =	vadd.s32 s28, v4  }
0x196: {  	v4 =	vadd.s32 v2, v4  }
0x197: {  	[tilespmem:v5+s13+$0x0] =	vst.idx.msk vm1, v4;
	v4 =	vadd.s32 $0x1, v46  }
0x198: {  	[tilespmem:v7+s12+$0x0] =	vst.idx.msk vm13, v4  }
0x199: {  	v4 =	vld [tilespmem:s25+$0x0];
	_ =	sdelay $0x4  }
0x19a: {  	v5 =	vshrl.u32 v4, $0x9  }
0x19b: {  	v48 =	vsub.s32 v5, v0  }
0x19c: {  	v6 =	vshrl.u32 v48, $0x5  }
0x19d: {  	v49 =	vmin.u32 v6, $0x3F  }
0x19e: {  	v7 =	vshll.u32 v49, $0x4  }
0x19f: {  	v7 =	vor.u32 v2, v7;
	_ =	sdelay $0x4  }
0x1a0: {  	v50 =	vld.idx.msk [tilespmem:v7+s12+$0x0], $0xffff;
	_ =	sdelay $0x3  }
0x1a1: {  	v5 =	vand.u32 $0x1F, v5  }
0x1a2: {  	vm4 =	veq.s32 v5, v0;
	vm5 =	vlt.s32 v50, $0x8;
	vm6 =	vlt.s32 v50, $0x7  }
0x1a3: {  	v5 =	vshll.u32 v7, $0x3;
	v51 =	vnsel vm6, $0x7, v50;
	vm1 =	vmand vm5, vm4  }
0x1a4: {  	v4 =	vshll.u32 v4, $0xE;
	v5 =	vadd.s32 v51, v5  }
0x1a5: {  	v4 =	vand.u32 $0x7FC000, v4;
	v6 =	vshll.u32 v6, $0x17  }
0x1a6: {  	s29 =	sadd.s32 $0xFFFFFFD0, s24;
	v4 =	vor.u32 v4, v6  }
0x1a7: {  	v4 =	vadd.s32 s29, v4  }
0x1a8: {  	v4 =	vadd.s32 v2, v4  }
0x1a9: {  	[tilespmem:v5+s13+$0x0] =	vst.idx.msk vm1, v4;
	v4 =	vadd.s32 $0x1, v50  }
0x1aa: {  	[tilespmem:v7+s12+$0x0] =	vst.idx.msk vm4, v4  }
0x1ab: {  	v4 =	vld [tilespmem:s25+$0x10];
	_ =	sdelay $0x4  }
0x1ac: {  	v5 =	vshrl.u32 v4, $0x9  }
0x1ad: {  	v52 =	vsub.s32 v5, v0  }
0x1ae: {  	v6 =	vshrl.u32 v52, $0x5  }
0x1af: {  	v53 =	vmin.u32 v6, $0x3F  }
0x1b0: {  	v7 =	vshll.u32 v53, $0x4  }
0x1b1: {  	v7 =	vor.u32 v2, v7;
	_ =	sdelay $0x4  }
0x1b2: {  	v54 =	vld.idx.msk [tilespmem:v7+s12+$0x0], $0xffff;
	_ =	sdelay $0x3  }
0x1b3: {  	v5 =	vand.u32 $0x1F, v5  }
0x1b4: {  	vm7 =	veq.s32 v5, v0;
	vm8 =	vlt.s32 v54, $0x8;
	vm9 =	vlt.s32 v54, $0x7  }
0x1b5: {  	v5 =	vshll.u32 v7, $0x3;
	v55 =	vnsel vm9, $0x7, v54;
	vm1 =	vmand vm8, vm7  }
0x1b6: {  	v4 =	vshll.u32 v4, $0xE;
	v5 =	vadd.s32 v55, v5  }
0x1b7: {  	v4 =	vand.u32 $0x7FC000, v4;
	v6 =	vshll.u32 v6, $0x17  }
0x1b8: {  	s30 =	sadd.s32 $0xFFFFFFE0, s24;
	v4 =	vor.u32 v4, v6  }
0x1b9: {  	v4 =	vadd.s32 s30, v4  }
0x1ba: {  	v4 =	vadd.s32 v2, v4  }
0x1bb: {  	[tilespmem:v5+s13+$0x0] =	vst.idx.msk vm1, v4;
	v4 =	vadd.s32 $0x1, v54  }
0x1bc: {  	[tilespmem:v7+s12+$0x0] =	vst.idx.msk vm7, v4  }
0x1bd: {  	v4 =	vld [tilespmem:s25+$0x20];
	_ =	sdelay $0x4  }
0x1be: {  	v5 =	vshrl.u32 v4, $0x9  }
0x1bf: {  	v56 =	vsub.s32 v5, v0  }
0x1c0: {  	v6 =	vshrl.u32 v56, $0x5  }
0x1c1: {  	v57 =	vmin.u32 v6, $0x3F  }
0x1c2: {  	v7 =	vshll.u32 v57, $0x4  }
0x1c3: {  	v7 =	vor.u32 v2, v7;
	_ =	sdelay $0x4  }
0x1c4: {  	v58 =	vld.idx.msk [tilespmem:v7+s12+$0x0], $0xffff;
	_ =	sdelay $0x3  }
0x1c5: {  	v5 =	vand.u32 $0x1F, v5  }
0x1c6: {  	vm10 =	veq.s32 v5, v0;
	vm11 =	vlt.s32 v58, $0x8;
	vm12 =	vlt.s32 v58, $0x7  }
0x1c7: {  	v5 =	vshll.u32 v7, $0x3;
	v59 =	vnsel vm12, $0x7, v58;
	vm1 =	vmand vm11, vm10  }
0x1c8: {  	v4 =	vshll.u32 v4, $0xE;
	v5 =	vadd.s32 v59, v5  }
0x1c9: {  	v4 =	vand.u32 $0x7FC000, v4;
	v6 =	vshll.u32 v6, $0x17  }
0x1ca: {  	s31 =	sadd.s32 $0xFFFFFFF0, s24;
	v4 =	vor.u32 v4, v6  }
0x1cb: {  	v4 =	vadd.s32 s31, v4  }
0x1cc: {  	v4 =	vadd.s32 v2, v4  }
0x1cd: {  	[tilespmem:v5+s13+$0x0] =	vst.idx.msk vm1, v4;
	v4 =	vadd.s32 $0x1, v58  }
0x1ce: {  	[tilespmem:v7+s12+$0x0] =	vst.idx.msk vm10, v4  }
0x1cf: {  	v4 =	vld [tilespmem:s25+$0x30];
	_ =	sdelay $0x4  }
0x1d0: {  	v5 =	vshrl.u32 v4, $0x9  }
0x1d1: {  	v60 =	vsub.s32 v5, v0  }
0x1d2: {  	v6 =	vshrl.u32 v60, $0x5  }
0x1d3: {  	v61 =	vmin.u32 v6, $0x3F  }
0x1d4: {  	v7 =	vshll.u32 v61, $0x4  }
0x1d5: {  	v7 =	vor.u32 v2, v7;
	_ =	sdelay $0x4  }
0x1d6: {  	v62 =	vld.idx.msk [tilespmem:v7+s12+$0x0], $0xffff;
	_ =	sdelay $0x3  }
0x1d7: {  	v5 =	vand.u32 $0x1F, v5  }
0x1d8: {  	vm13 =	veq.s32 v5, v0;
	vm14 =	vlt.s32 v62, $0x8;
	vm15 =	vlt.s32 v62, $0x7  }
0x1d9: {  	v5 =	vshll.u32 v7, $0x3;
	v63 =	vnsel vm15, $0x7, v62;
	vm1 =	vmand vm14, vm13  }
0x1da: {  	s23 =	sadd.s32 $0x8, s23;
	v4 =	vshll.u32 v4, $0xE;
	v5 =	vadd.s32 v63, v5  }
0x1db: {  	p2 =	slt.u32 s23, $0x3F8;
	v4 =	vand.u32 $0x7FC000, v4;
	v6 =	vshll.u32 v6, $0x17  }
.Ltmp1:
0x1dc: {  	v4 =	vor.u32 v4, v6;
	(pc) =	sbr.rel @p2 .LBB2_4-.Ltmp1, $4  }
0x1dd: {  	v4 =	vadd.s32 s24, v4  }
0x1de: {  	v4 =	vadd.s32 v2, v4  }
0x1df: {  	[tilespmem:v5+s13+$0x0] =	vst.idx.msk vm1, v4;
	v4 =	vadd.s32 $0x1, v62  }
0x1e0: {  	s25 =	sadd.s32 $0x80, s25;
	s24 =	sadd.s32 $0x80, s24;
	[tilespmem:v7+s12+$0x0] =	vst.idx.msk vm13, v4  }
0x1e1: {  	[tilespmem:$0x10000] =	vst v3  }
0x1e2: {  	[tilespmem:$0x10010] =	vst v3  }
0x1e3: {  	[tilespmem:$0x10020] =	vst v3  }
0x1e4: {  	[tilespmem:$0x10030] =	vst v3  }
0x1e5: {  	[tilespmem:$0x10040] =	vst v3  }
0x1e6: {  	[tilespmem:$0x10050] =	vst v3  }
0x1e7: {  	[tilespmem:$0x10060] =	vst v3  }
0x1e8: {  	[tilespmem:$0x10070] =	vst v3;
	s23 =	simm.s32 @!p1 $0x0;
	s24 =	simm.s32 @!p1 $0x4000  }
0x1e9: {  	[tilespmem:s24], [sflag:$0x1] =	stream.linear.gather @!p1 [hbm4b:s10+s23], $0x800, $0x38;
	[tilespmem:$0x12480] =	vst v63  }
0x1ea: {  	s25 =	simm.s32 @!p1 $0x5000;
	s24 =	sadd.s32 @!p1 $0x18700, s10  }
0x1eb: {  	[tilespmem:s25], [sflag:$0x1] =	stream.linear.gather @!p1 [hbm4b:s24+s23], $0x800, $0x38;
	[tilespmem:$0x12480] =	vst v63  }
0x1ec: {  	s24 =	sadd.s32 @!p1 $0x30E00, s10;
	s25 =	simm.s32 @!p1 $0x6000  }
0x1ed: {  	[tilespmem:s25], [sflag:$0x1] =	stream.linear.gather @!p1 [hbm4b:s24+s23], $0x800, $0x38;
	[tilespmem:$0x12480] =	vst v63  }
0x1ee: {  	s24 =	sadd.s32 @!p1 $0x49500, s10;
	s25 =	simm.s32 @!p1 $0x7000  }
0x1ef: {  	[tilespmem:s25], [sflag:$0x1] =	stream.linear.gather @!p1 [hbm4b:s24+s23], $0x800, $0x38;
	[tilespmem:$0x12480] =	vst v63  }
0x1f0: {  	s24 =	sadd.s32 @!p1 $0x61C00, s10;
	s25 =	simm.s32 @!p1 $0x8000  }
0x1f1: {  	[tilespmem:s25], [sflag:$0x1] =	stream.linear.gather @!p1 [hbm4b:s24+s23], $0x800, $0x38;
	[tilespmem:$0x12480] =	vst v63  }
0x1f2: {  	s24 =	sadd.s32 @!p1 $0x7A300, s10;
	s25 =	simm.s32 @!p1 $0x9000  }
0x1f3: {  	[tilespmem:s25], [sflag:$0x1] =	stream.linear.gather @!p1 [hbm4b:s24+s23], $0x800, $0x38;
	[tilespmem:$0x12480] =	vst v63  }
0x1f4: {  	s24 =	sadd.s32 @!p1 $0x92A00, s10;
	s25 =	simm.s32 @!p1 $0xA000  }
0x1f5: {  	[tilespmem:s25], [sflag:$0x1] =	stream.linear.gather @!p1 [hbm4b:s24+s23], $0x800, $0x38;
	[tilespmem:$0x12480] =	vst v63  }
0x1f6: {  	s24 =	sadd.s32 @!p1 $0xAB100, s10;
	s25 =	simm.s32 @!p1 $0xB000  }
0x1f7: {  	[tilespmem:s25], [sflag:$0x1] =	stream.linear.gather @!p1 [hbm4b:s24+s23], $0x800, $0x38;
	[tilespmem:$0x12480] =	vst v63  }
0x1f8: {  	s23 =	simm.s32 @!p1 $0x1  }
0x1f9: {  	_ =	swait.ge @!p1 [sflag:s23], $0x4000  }
0x1fa: {  	[sflag:s23] =	ssyncset.done @!p1 $0x0  }
0x1fb: {  	[sflag:s23] =	ssyncadd.s32 @!p1 $0xFFFFC000  }
0x1fc: {  	[hbm4b:s7+s19] =	stream.indirect.scatter [tilespmem:s21], [sflag:$0x2], $0x80, s20, s19, $0xb8;
	[tilespmem:$0x12480] =	vst v63  }
0x1fd: {  	_ =	swait.ge [sflag:s15], $0x4000  }
0x1fe: {  	[sflag:s15] =	ssyncset.done $0x0  }
0x1ff: {  	[sflag:s15] =	ssyncadd.s32 $0xFFFFC000  }
0x200: {  	[tilespmem:$0x10000] =	vst v3  }
0x201: {  	[tilespmem:$0x10010] =	vst v3  }
0x202: {  	[tilespmem:$0x10020] =	vst v3  }
0x203: {  	[tilespmem:$0x10030] =	vst v3  }
0x204: {  	[tilespmem:$0x10040] =	vst v3  }
0x205: {  	[tilespmem:$0x10050] =	vst v3  }
0x206: {  	[tilespmem:$0x10060] =	vst v3  }
0x207: {  	[tilespmem:$0x10070] =	vst v3  }
0x208: {  	[tilespmem:s4], [sflag:$0x2] =	stream.linear.gather [hbm4b:s3+s4], $0x4000, $0x38;
	[tilespmem:$0x12480] =	vst v63  }
0x209: {  	_ =	swait.ge [sflag:s15], $0x4000  }
0x20a: {  	[sflag:s15] =	ssyncset.done $0x0  }
0x20b: {  	[sflag:s15] =	ssyncadd.s32 $0xFFFFC000  }
0x20c: {  	[tilespmem:$0x12080] =	vst v1  }
0x20d: {  	[tilespmem:$0x12090] =	vst v1  }
0x20e: {  	[tilespmem:$0x120A0] =	vst v1  }
0x20f: {  	[tilespmem:$0x120B0] =	vst v1  }
0x210: {  	[tilespmem:$0x120C0] =	vst v1  }
0x211: {  	[tilespmem:$0x120D0] =	vst v1  }
0x212: {  	[tilespmem:$0x120E0] =	vst v1  }
0x213: {  	[tilespmem:$0x120F0] =	vst v1  }
0x214: {  	[tilespmem:$0x12100] =	vst v1  }
0x215: {  	[tilespmem:$0x12110] =	vst v1  }
0x216: {  	[tilespmem:$0x12120] =	vst v1  }
0x217: {  	[tilespmem:$0x12130] =	vst v1  }
0x218: {  	[tilespmem:$0x12140] =	vst v1  }
0x219: {  	[tilespmem:$0x12150] =	vst v1  }
0x21a: {  	[tilespmem:$0x12160] =	vst v1  }
0x21b: {  	[tilespmem:$0x12170] =	vst v1  }
0x21c: {  	[tilespmem:$0x12180] =	vst v1  }
0x21d: {  	[tilespmem:$0x12190] =	vst v1  }
0x21e: {  	[tilespmem:$0x121A0] =	vst v1  }
0x21f: {  	[tilespmem:$0x121B0] =	vst v1  }
0x220: {  	[tilespmem:$0x121C0] =	vst v1  }
0x221: {  	[tilespmem:$0x121D0] =	vst v1  }
0x222: {  	[tilespmem:$0x121E0] =	vst v1  }
0x223: {  	[tilespmem:$0x121F0] =	vst v1  }
0x224: {  	[tilespmem:$0x12200] =	vst v1  }
0x225: {  	[tilespmem:$0x12210] =	vst v1  }
0x226: {  	[tilespmem:$0x12220] =	vst v1  }
0x227: {  	[tilespmem:$0x12230] =	vst v1  }
0x228: {  	[tilespmem:$0x12240] =	vst v1  }
0x229: {  	[tilespmem:$0x12250] =	vst v1  }
0x22a: {  	[tilespmem:$0x12260] =	vst v1  }
0x22b: {  	[tilespmem:$0x12270] =	vst v1  }
0x22c: {  	[tilespmem:$0x12280] =	vst v1  }
0x22d: {  	[tilespmem:$0x12290] =	vst v1  }
0x22e: {  	[tilespmem:$0x122A0] =	vst v1  }
0x22f: {  	[tilespmem:$0x122B0] =	vst v1  }
0x230: {  	[tilespmem:$0x122C0] =	vst v1  }
0x231: {  	[tilespmem:$0x122D0] =	vst v1  }
0x232: {  	[tilespmem:$0x122E0] =	vst v1  }
0x233: {  	[tilespmem:$0x122F0] =	vst v1  }
0x234: {  	[tilespmem:$0x12300] =	vst v1  }
0x235: {  	[tilespmem:$0x12310] =	vst v1  }
0x236: {  	[tilespmem:$0x12320] =	vst v1  }
0x237: {  	[tilespmem:$0x12330] =	vst v1  }
0x238: {  	[tilespmem:$0x12340] =	vst v1  }
0x239: {  	[tilespmem:$0x12350] =	vst v1  }
0x23a: {  	[tilespmem:$0x12360] =	vst v1  }
0x23b: {  	[tilespmem:$0x12370] =	vst v1  }
0x23c: {  	[tilespmem:$0x12380] =	vst v1  }
0x23d: {  	[tilespmem:$0x12390] =	vst v1  }
0x23e: {  	[tilespmem:$0x123A0] =	vst v1  }
0x23f: {  	[tilespmem:$0x123B0] =	vst v1  }
0x240: {  	[tilespmem:$0x123C0] =	vst v1  }
0x241: {  	[tilespmem:$0x123D0] =	vst v1  }
0x242: {  	[tilespmem:$0x123E0] =	vst v1  }
0x243: {  	[tilespmem:$0x123F0] =	vst v1  }
0x244: {  	[tilespmem:$0x12400] =	vst v1  }
0x245: {  	[tilespmem:$0x12410] =	vst v1  }
0x246: {  	[tilespmem:$0x12420] =	vst v1  }
0x247: {  	[tilespmem:$0x12430] =	vst v1  }
0x248: {  	[tilespmem:$0x12440] =	vst v1  }
0x249: {  	[tilespmem:$0x12450] =	vst v1  }
0x24a: {  	[tilespmem:$0x12460] =	vst v1  }
0x24b: {  	s24 =	simm.s32 $0x70;
	s25 =	simm.s32 $0x40;
	s23 =	simm.s32 $0xFFFFFFF8;
	[tilespmem:$0x12470] =	vst v1  }
.LBB2_6:
0x24c: {  	v4 =	vld [tilespmem:s25+$0xFFFFFFC0];
	_ =	sdelay $0x4  }
0x24d: {  	v5 =	vshrl.u32 v4, $0x9  }
0x24e: {  	v6 =	vsub.s32 v5, v0  }
0x24f: {  	v6 =	vshrl.u32 v6, $0x5  }
0x250: {  	v7 =	vmin.u32 v6, $0x3F  }
0x251: {  	v7 =	vshll.u32 v7, $0x4  }
0x252: {  	v7 =	vor.u32 v2, v7;
	_ =	sdelay $0x4  }
0x253: {  	v8 =	vld.idx.msk [tilespmem:v7+s12+$0x0], $0xffff;
	_ =	sdelay $0x3  }
0x254: {  	v5 =	vand.u32 $0x1F, v5  }
0x255: {  	vm0 =	veq.s32 v5, v0;
	vm1 =	vlt.s32 v8, $0x8;
	vm2 =	vlt.s32 v8, $0x7  }
0x256: {  	v5 =	vshll.u32 v7, $0x3;
	v9 =	vnsel vm2, $0x7, v8;
	vm1 =	vmand vm1, vm0  }
0x257: {  	v4 =	vshll.u32 v4, $0xE;
	v5 =	vadd.s32 v9, v5  }
0x258: {  	v4 =	vand.u32 $0x7FC000, v4;
	v6 =	vshll.u32 v6, $0x17  }
0x259: {  	s26 =	sadd.s32 $0xFFFFFF90, s24;
	v4 =	vor.u32 v4, v6  }
0x25a: {  	v4 =	vadd.s32 s26, v4  }
0x25b: {  	v4 =	vadd.s32 v2, v4  }
0x25c: {  	[tilespmem:v5+s13+$0x0] =	vst.idx.msk vm1, v4;
	v4 =	vadd.s32 $0x1, v8  }
0x25d: {  	[tilespmem:v7+s12+$0x0] =	vst.idx.msk vm0, v4  }
0x25e: {  	v4 =	vld [tilespmem:s25+$0xFFFFFFD0];
	_ =	sdelay $0x4  }
0x25f: {  	v5 =	vshrl.u32 v4, $0x9  }
0x260: {  	v36 =	vsub.s32 v5, v0  }
0x261: {  	v6 =	vshrl.u32 v36, $0x5  }
0x262: {  	v37 =	vmin.u32 v6, $0x3F  }
0x263: {  	v7 =	vshll.u32 v37, $0x4  }
0x264: {  	v7 =	vor.u32 v2, v7;
	_ =	sdelay $0x4  }
0x265: {  	v38 =	vld.idx.msk [tilespmem:v7+s12+$0x0], $0xffff;
	_ =	sdelay $0x3  }
0x266: {  	v5 =	vand.u32 $0x1F, v5  }
0x267: {  	vm7 =	veq.s32 v5, v0;
	vm8 =	vlt.s32 v38, $0x8;
	vm9 =	vlt.s32 v38, $0x7  }
0x268: {  	v5 =	vshll.u32 v7, $0x3;
	v39 =	vnsel vm9, $0x7, v38;
	vm1 =	vmand vm8, vm7  }
0x269: {  	v4 =	vshll.u32 v4, $0xE;
	v5 =	vadd.s32 v39, v5  }
0x26a: {  	v4 =	vand.u32 $0x7FC000, v4;
	v6 =	vshll.u32 v6, $0x17  }
0x26b: {  	s30 =	sadd.s32 $0xFFFFFFA0, s24;
	v4 =	vor.u32 v4, v6  }
0x26c: {  	v4 =	vadd.s32 s30, v4  }
0x26d: {  	v4 =	vadd.s32 v2, v4  }
0x26e: {  	[tilespmem:v5+s13+$0x0] =	vst.idx.msk vm1, v4;
	v4 =	vadd.s32 $0x1, v38  }
0x26f: {  	[tilespmem:v7+s12+$0x0] =	vst.idx.msk vm7, v4  }
0x270: {  	v4 =	vld [tilespmem:s25+$0xFFFFFFE0];
	_ =	sdelay $0x4  }
0x271: {  	v5 =	vshrl.u32 v4, $0x9  }
0x272: {  	v40 =	vsub.s32 v5, v0  }
0x273: {  	v6 =	vshrl.u32 v40, $0x5  }
0x274: {  	v41 =	vmin.u32 v6, $0x3F  }
0x275: {  	v7 =	vshll.u32 v41, $0x4  }
0x276: {  	v7 =	vor.u32 v2, v7;
	_ =	sdelay $0x4  }
0x277: {  	v42 =	vld.idx.msk [tilespmem:v7+s12+$0x0], $0xffff;
	_ =	sdelay $0x3  }
0x278: {  	v5 =	vand.u32 $0x1F, v5  }
0x279: {  	vm10 =	veq.s32 v5, v0;
	vm11 =	vlt.s32 v42, $0x8;
	vm12 =	vlt.s32 v42, $0x7  }
0x27a: {  	v5 =	vshll.u32 v7, $0x3;
	v43 =	vnsel vm12, $0x7, v42;
	vm1 =	vmand vm11, vm10  }
0x27b: {  	v4 =	vshll.u32 v4, $0xE;
	v5 =	vadd.s32 v43, v5  }
0x27c: {  	v4 =	vand.u32 $0x7FC000, v4;
	v6 =	vshll.u32 v6, $0x17  }
0x27d: {  	s31 =	sadd.s32 $0xFFFFFFB0, s24;
	v4 =	vor.u32 v4, v6  }
0x27e: {  	v4 =	vadd.s32 s31, v4  }
0x27f: {  	v4 =	vadd.s32 v2, v4  }
0x280: {  	[tilespmem:v5+s13+$0x0] =	vst.idx.msk vm1, v4;
	v4 =	vadd.s32 $0x1, v42  }
0x281: {  	[tilespmem:v7+s12+$0x0] =	vst.idx.msk vm10, v4  }
0x282: {  	v4 =	vld [tilespmem:s25+$0xFFFFFFF0];
	_ =	sdelay $0x4  }
0x283: {  	v5 =	vshrl.u32 v4, $0x9  }
0x284: {  	v44 =	vsub.s32 v5, v0  }
0x285: {  	v6 =	vshrl.u32 v44, $0x5  }
0x286: {  	v45 =	vmin.u32 v6, $0x3F  }
0x287: {  	v7 =	vshll.u32 v45, $0x4  }
0x288: {  	v7 =	vor.u32 v2, v7;
	_ =	sdelay $0x4  }
0x289: {  	v46 =	vld.idx.msk [tilespmem:v7+s12+$0x0], $0xffff;
	_ =	sdelay $0x3  }
0x28a: {  	v5 =	vand.u32 $0x1F, v5  }
0x28b: {  	vm13 =	veq.s32 v5, v0;
	vm14 =	vlt.s32 v46, $0x8;
	vm15 =	vlt.s32 v46, $0x7  }
0x28c: {  	v5 =	vshll.u32 v7, $0x3;
	v47 =	vnsel vm15, $0x7, v46;
	vm1 =	vmand vm14, vm13  }
0x28d: {  	v4 =	vshll.u32 v4, $0xE;
	v5 =	vadd.s32 v47, v5  }
0x28e: {  	v4 =	vand.u32 $0x7FC000, v4;
	v6 =	vshll.u32 v6, $0x17  }
0x28f: {  	s28 =	sadd.s32 $0xFFFFFFC0, s24;
	v4 =	vor.u32 v4, v6  }
0x290: {  	v4 =	vadd.s32 s28, v4  }
0x291: {  	v4 =	vadd.s32 v2, v4  }
0x292: {  	[tilespmem:v5+s13+$0x0] =	vst.idx.msk vm1, v4;
	v4 =	vadd.s32 $0x1, v46  }
0x293: {  	[tilespmem:v7+s12+$0x0] =	vst.idx.msk vm13, v4  }
0x294: {  	v4 =	vld [tilespmem:s25+$0x0];
	_ =	sdelay $0x4  }
0x295: {  	v5 =	vshrl.u32 v4, $0x9  }
0x296: {  	v48 =	vsub.s32 v5, v0  }
0x297: {  	v6 =	vshrl.u32 v48, $0x5  }
0x298: {  	v49 =	vmin.u32 v6, $0x3F  }
0x299: {  	v7 =	vshll.u32 v49, $0x4  }
0x29a: {  	v7 =	vor.u32 v2, v7;
	_ =	sdelay $0x4  }
0x29b: {  	v50 =	vld.idx.msk [tilespmem:v7+s12+$0x0], $0xffff;
	_ =	sdelay $0x3  }
0x29c: {  	v5 =	vand.u32 $0x1F, v5  }
0x29d: {  	vm4 =	veq.s32 v5, v0;
	vm5 =	vlt.s32 v50, $0x8;
	vm6 =	vlt.s32 v50, $0x7  }
0x29e: {  	v5 =	vshll.u32 v7, $0x3;
	v51 =	vnsel vm6, $0x7, v50;
	vm1 =	vmand vm5, vm4  }
0x29f: {  	v4 =	vshll.u32 v4, $0xE;
	v5 =	vadd.s32 v51, v5  }
0x2a0: {  	v4 =	vand.u32 $0x7FC000, v4;
	v6 =	vshll.u32 v6, $0x17  }
0x2a1: {  	s29 =	sadd.s32 $0xFFFFFFD0, s24;
	v4 =	vor.u32 v4, v6  }
0x2a2: {  	v4 =	vadd.s32 s29, v4  }
0x2a3: {  	v4 =	vadd.s32 v2, v4  }
0x2a4: {  	[tilespmem:v5+s13+$0x0] =	vst.idx.msk vm1, v4;
	v4 =	vadd.s32 $0x1, v50  }
0x2a5: {  	[tilespmem:v7+s12+$0x0] =	vst.idx.msk vm4, v4  }
0x2a6: {  	v4 =	vld [tilespmem:s25+$0x10];
	_ =	sdelay $0x4  }
0x2a7: {  	v5 =	vshrl.u32 v4, $0x9  }
0x2a8: {  	v52 =	vsub.s32 v5, v0  }
0x2a9: {  	v6 =	vshrl.u32 v52, $0x5  }
0x2aa: {  	v53 =	vmin.u32 v6, $0x3F  }
0x2ab: {  	v7 =	vshll.u32 v53, $0x4  }
0x2ac: {  	v7 =	vor.u32 v2, v7;
	_ =	sdelay $0x4  }
0x2ad: {  	v54 =	vld.idx.msk [tilespmem:v7+s12+$0x0], $0xffff;
	_ =	sdelay $0x3  }
0x2ae: {  	v5 =	vand.u32 $0x1F, v5  }
0x2af: {  	vm7 =	veq.s32 v5, v0;
	vm8 =	vlt.s32 v54, $0x8;
	vm9 =	vlt.s32 v54, $0x7  }
0x2b0: {  	v5 =	vshll.u32 v7, $0x3;
	v55 =	vnsel vm9, $0x7, v54;
	vm1 =	vmand vm8, vm7  }
0x2b1: {  	v4 =	vshll.u32 v4, $0xE;
	v5 =	vadd.s32 v55, v5  }
0x2b2: {  	v4 =	vand.u32 $0x7FC000, v4;
	v6 =	vshll.u32 v6, $0x17  }
0x2b3: {  	s30 =	sadd.s32 $0xFFFFFFE0, s24;
	v4 =	vor.u32 v4, v6  }
0x2b4: {  	v4 =	vadd.s32 s30, v4  }
0x2b5: {  	v4 =	vadd.s32 v2, v4  }
0x2b6: {  	[tilespmem:v5+s13+$0x0] =	vst.idx.msk vm1, v4;
	v4 =	vadd.s32 $0x1, v54  }
0x2b7: {  	[tilespmem:v7+s12+$0x0] =	vst.idx.msk vm7, v4  }
0x2b8: {  	v4 =	vld [tilespmem:s25+$0x20];
	_ =	sdelay $0x4  }
0x2b9: {  	v5 =	vshrl.u32 v4, $0x9  }
0x2ba: {  	v56 =	vsub.s32 v5, v0  }
0x2bb: {  	v6 =	vshrl.u32 v56, $0x5  }
0x2bc: {  	v57 =	vmin.u32 v6, $0x3F  }
0x2bd: {  	v7 =	vshll.u32 v57, $0x4  }
0x2be: {  	v7 =	vor.u32 v2, v7;
	_ =	sdelay $0x4  }
0x2bf: {  	v58 =	vld.idx.msk [tilespmem:v7+s12+$0x0], $0xffff;
	_ =	sdelay $0x3  }
0x2c0: {  	v5 =	vand.u32 $0x1F, v5  }
0x2c1: {  	vm10 =	veq.s32 v5, v0;
	vm11 =	vlt.s32 v58, $0x8;
	vm12 =	vlt.s32 v58, $0x7  }
0x2c2: {  	v5 =	vshll.u32 v7, $0x3;
	v59 =	vnsel vm12, $0x7, v58;
	vm1 =	vmand vm11, vm10  }
0x2c3: {  	v4 =	vshll.u32 v4, $0xE;
	v5 =	vadd.s32 v59, v5  }
0x2c4: {  	v4 =	vand.u32 $0x7FC000, v4;
	v6 =	vshll.u32 v6, $0x17  }
0x2c5: {  	s31 =	sadd.s32 $0xFFFFFFF0, s24;
	v4 =	vor.u32 v4, v6  }
0x2c6: {  	v4 =	vadd.s32 s31, v4  }
0x2c7: {  	v4 =	vadd.s32 v2, v4  }
0x2c8: {  	[tilespmem:v5+s13+$0x0] =	vst.idx.msk vm1, v4;
	v4 =	vadd.s32 $0x1, v58  }
0x2c9: {  	[tilespmem:v7+s12+$0x0] =	vst.idx.msk vm10, v4  }
0x2ca: {  	v4 =	vld [tilespmem:s25+$0x30];
	_ =	sdelay $0x4  }
0x2cb: {  	v5 =	vshrl.u32 v4, $0x9  }
0x2cc: {  	v60 =	vsub.s32 v5, v0  }
0x2cd: {  	v6 =	vshrl.u32 v60, $0x5  }
0x2ce: {  	v61 =	vmin.u32 v6, $0x3F  }
0x2cf: {  	v7 =	vshll.u32 v61, $0x4  }
0x2d0: {  	v7 =	vor.u32 v2, v7;
	_ =	sdelay $0x4  }
0x2d1: {  	v62 =	vld.idx.msk [tilespmem:v7+s12+$0x0], $0xffff;
	_ =	sdelay $0x3  }
0x2d2: {  	v5 =	vand.u32 $0x1F, v5  }
0x2d3: {  	vm13 =	veq.s32 v5, v0;
	vm14 =	vlt.s32 v62, $0x8;
	vm15 =	vlt.s32 v62, $0x7  }
0x2d4: {  	v5 =	vshll.u32 v7, $0x3;
	v63 =	vnsel vm15, $0x7, v62;
	vm1 =	vmand vm14, vm13  }
0x2d5: {  	s23 =	sadd.s32 $0x8, s23;
	v4 =	vshll.u32 v4, $0xE;
	v5 =	vadd.s32 v63, v5  }
0x2d6: {  	p2 =	slt.u32 s23, $0x3F8;
	v4 =	vand.u32 $0x7FC000, v4;
	v6 =	vshll.u32 v6, $0x17  }
.Ltmp2:
0x2d7: {  	v4 =	vor.u32 v4, v6;
	(pc) =	sbr.rel @p2 .LBB2_6-.Ltmp2, $4  }
0x2d8: {  	v4 =	vadd.s32 s24, v4  }
0x2d9: {  	v4 =	vadd.s32 v2, v4  }
0x2da: {  	[tilespmem:v5+s13+$0x0] =	vst.idx.msk vm1, v4;
	v4 =	vadd.s32 $0x1, v62  }
0x2db: {  	s25 =	sadd.s32 $0x80, s25;
	s24 =	sadd.s32 $0x80, s24;
	[tilespmem:v7+s12+$0x0] =	vst.idx.msk vm13, v4  }
0x2dc: {  	[tilespmem:$0x10000] =	vst v3  }
0x2dd: {  	[tilespmem:$0x10010] =	vst v3  }
0x2de: {  	[tilespmem:$0x10020] =	vst v3  }
0x2df: {  	[tilespmem:$0x10030] =	vst v3  }
0x2e0: {  	[tilespmem:$0x10040] =	vst v3  }
0x2e1: {  	[tilespmem:$0x10050] =	vst v3  }
0x2e2: {  	[tilespmem:$0x10060] =	vst v3  }
0x2e3: {  	[tilespmem:$0x10070] =	vst v3  }
0x2e4: {  	[hbm4b:s8+s19] =	stream.indirect.scatter [tilespmem:s21], [sflag:$0x2], $0x80, s20, s19, $0xb8;
	[tilespmem:$0x12480] =	vst v63  }
0x2e5: {  	_ =	swait.ge [sflag:s15], $0x4000  }
0x2e6: {  	[sflag:s15] =	ssyncset.done $0x0  }
0x2e7: {  	[sflag:s15] =	ssyncadd.s32 $0xFFFFC000  }
0x2e8: {  	[tilespmem:$0x10000] =	vst v3  }
0x2e9: {  	s22 =	sadd.s32 $0x1, s22;
	[tilespmem:$0x10010] =	vst v3  }
0x2ea: {  	p2 =	sne.s32 s22, s11;
	[tilespmem:$0x10020] =	vst v3  }
.Ltmp3:
0x2eb: {  	[tilespmem:$0x10030] =	vst v3;
	(pc) =	sbr.rel @p2 .LBB2_1-.Ltmp3, $4  }
0x2ec: {  	[tilespmem:$0x10040] =	vst v3  }
0x2ed: {  	[tilespmem:$0x10050] =	vst v3  }
0x2ee: {  	[tilespmem:$0x10060] =	vst v3  }
0x2ef: {  	[tilespmem:$0x10070] =	vst v3  }
0x2f0: {  	_ =	sfence.sel $0x180000  }
0x2f1: {  	[bflag:$0x0] =	sbarrier.arrive $0xFFFF  }
0x2f2: {  	p0 =	sne.s32 s5, $0x0;
	_ =	strace $0x90000047  }
0x2f3: {  	s0 =	sadd.s32 @!p0 $0x100000, s0;
	[bflag:$0x2] =	sbarrier.arrive $0xFFFF  }
0x2f4: {  	[sflag:s0] =	ssyncadd.tile.s32 @!p0 $0x1;
	_ =	shalt  }
.Lfunc_end2:
_tile_overlayer_lowered:
.L_overlay_start_2:
0x2f5: {  	(tag) =	ssettag $0x2  }
0x2f6: {  	s0 =	rddreg [dreg:$0x0];
	s2 =	stileid.u32  }
0x2f7: {  	s1 =	rddreg [dreg:$0x1];
	p0 =	sne.s32 s2, $0x0  }
0x2f8: {  	s3 =	rddreg [dreg:$0x2];
	[bflag:$0x3] =	sbarrier.arrive $0xFFFF;
	s2 =	simm.s32 @!p0 $0x1C02  }
0x2f9: {  	[timem:s3], [sflag:s2] =	dma.local @!p0 [hbm:s0], s1  }
0x2fa: {  	s0 =	simm.s32 @!p0 $0x2  }
0x2fb: {  	_ =	swait.ge @!p0 [sflag:s0], s1  }
0x2fc: {  	s1 =	ssub.s32 @!p0 $0x0, s1;
	[sflag:s0] =	ssyncset.done @!p0 $0x0  }
0x2fd: {  	[sflag:s0] =	ssyncadd.s32 @!p0 s1  }
0x2fe: {  	[bflag:$0x3] =	sbarrier.arrive $0xFFFF  }
0x2ff: {  	_ =	shalt  }

</sc_bundles>
